<compile_context>
chip_gen: v7x
topology: tpu7x:2x2x1
jax: 0.10.2.dev20260603
libtpu: 0.0.44.dev20260713+nightly
codegen_flags: <defaults>
</compile_context>

<pallas_src>
import functools

import jax
import jax.numpy as jnp
from jax import lax
from jax.experimental import pallas as pl
from jax.experimental.pallas import tpu as pltpu
from jax.experimental.pallas import tpu_sc as plsc

NFEAT = 1000000
NEMB = 16
B = 16384
F = 26
NW = 32
RW = B // NW
RC = 32
NCHUNK = RW // RC
CF = RC * F

_mesh = plsc.VectorSubcoreMesh(core_axis_name="c", subcore_axis_name="s")

TROWS = 1000064
TFLAT = TROWS * NEMB // 128
TCOL = 31232
TCB = 512
TNCH = TCOL // TCB
TTAIL = NFEAT - NW * TCOL


TOROW = TCB * NEMB // 128


@functools.partial(
    pl.kernel,
    out_type=jax.ShapeDtypeStruct((TFLAT, 128), jnp.float32),
    mesh=_mesh,
    compiler_params=pltpu.CompilerParams(use_tc_tiling_on_sc=True, needs_layout_passes=False),
    scratch_types=[
        pltpu.VMEM((NEMB, TCB), jnp.float32),
        pltpu.VMEM((NEMB, TCB), jnp.float32),
        pltpu.VMEM((TOROW, 128), jnp.float32),
        pltpu.VMEM((TOROW, 128), jnp.float32),
        pltpu.SemaphoreType.DMA,
        pltpu.SemaphoreType.DMA,
        pltpu.SemaphoreType.DMA,
        pltpu.SemaphoreType.DMA,
    ],
)
def _table_transpose(tab_hbm, tail_hbm, out_hbm,
                     in0, in1, o0, o1, si0, si1, so0, so1):
    wid = lax.axis_index("s") * 2 + lax.axis_index("c")
    start = wid * TCOL
    lanes = lax.iota(jnp.int32, 16)
    nch = TNCH + jnp.where(wid == NW - 1, 1, 0)

    def in_slice(k):
        c0 = pl.multiple_of(start + k * TCB, 64)
        return tab_hbm.at[:, pl.ds(c0, TCB)]

    def out_slice(k):
        r0 = pl.multiple_of((start + k * TCB) * NEMB // 128, 8)
        return out_hbm.at[pl.ds(r0, TOROW), :]

    def compute(src, dst):
        def grp_body(g, carry2):
            cg = g * 16
            rows16 = (cg + lanes) >> 3
            colbase = ((cg + lanes) & 7) * 16
            for e in range(NEMB):
                plsc.store_scatter(dst, [rows16, colbase + e],
                                   src[e, pl.ds(cg, 16)])
            return carry2

        lax.fori_loop(0, TCB // 16, grp_body, 0)

    pltpu.async_copy(in_slice(0), in0, si0)

    def body(k, carry):
        @pl.when(k + 1 < nch)
        def _prefetch():
            @pl.when(k % 2 == 0)
            def _(): pltpu.async_copy(in_slice(k + 1), in1, si1)
            @pl.when(k % 2 == 1)
            def _(): pltpu.async_copy(in_slice(k + 1), in0, si0)

        def stage(inb, ob, sin, sout):
            pltpu.make_async_copy(in_slice(k), inb, sin).wait()
            @pl.when(k >= 2)
            def _(): pltpu.make_async_copy(ob, out_slice(k - 2), sout).wait()
            compute(inb, ob)
            pltpu.async_copy(ob, out_slice(k), sout)

        @pl.when(k % 2 == 0)
        def _(): stage(in0, o0, si0, so0)
        @pl.when(k % 2 == 1)
        def _(): stage(in1, o1, si1, so1)
        return carry

    lax.fori_loop(0, nch, body, 0)

    @pl.when(nch % 2 == 0)
    def _drain_even():
        pltpu.make_async_copy(o0, out_slice(nch - 2), so0).wait()
        pltpu.make_async_copy(o1, out_slice(nch - 1), so1).wait()

    @pl.when(nch % 2 == 1)
    def _drain_odd():
        pltpu.make_async_copy(o1, out_slice(nch - 2), so1).wait()
        pltpu.make_async_copy(o0, out_slice(nch - 1), so0).wait()

    @pl.when(wid == NW - 1)
    def _tail():
        pltpu.sync_copy(tail_hbm, out_hbm.at[pl.ds((NFEAT - 64) * NEMB // 128, 8), :])


@functools.partial(
    pl.kernel,
    out_type=jax.ShapeDtypeStruct((F, NEMB, B), jnp.float32),
    mesh=_mesh,
    compiler_params=pltpu.CompilerParams(use_tc_tiling_on_sc=False, needs_layout_passes=False),
    scratch_types=[
        pltpu.VMEM((F, RW), jnp.int32),
        pltpu.VMEM((F, RW), jnp.float32),
        pltpu.VMEM((RW * F,), jnp.int32),
        pltpu.VMEM((CF, NEMB), jnp.float32),
        pltpu.VMEM((CF, NEMB), jnp.float32),
        pltpu.VMEM((F, NEMB, RC), jnp.float32),
        pltpu.VMEM((F, NEMB, RC), jnp.float32),
        pltpu.SemaphoreType.DMA,
        pltpu.SemaphoreType.DMA,
        pltpu.SemaphoreType.DMA,
        pltpu.SemaphoreType.DMA,
    ],
)
def _emb_lookup(ids_hbm, vals_hbm, table_hbm, out_hbm,
                ids_v, vals_v, idx_v, r0v, r1v, oc0, oc1, sg0, sg1, so0, so1):
    wid = lax.axis_index("s") * 2 + lax.axis_index("c")
    b0 = wid * RW
    pltpu.sync_copy(ids_hbm.at[:, pl.ds(b0, RW)], ids_v)
    pltpu.sync_copy(vals_hbm.at[:, pl.ds(b0, RW)], vals_v)

    lanes = lax.iota(jnp.int32, 16)
    lanes_hi = lanes + (F - 16)

    def flat_body(i, carry):
        a0 = plsc.load_gather(ids_v, [lanes, jnp.full((16,), i, jnp.int32)])
        a1 = plsc.load_gather(ids_v, [lanes_hi, jnp.full((16,), i, jnp.int32)])
        plsc.store_scatter(idx_v, [i * F + lanes], a0)
        plsc.store_scatter(idx_v, [i * F + (F - 16) + lanes], a1)
        return carry

    lax.fori_loop(0, RW, flat_body, 0)

    def gsrc(k):
        off = pl.multiple_of(k * CF, 8)
        return table_hbm.at[idx_v.at[pl.ds(off, CF)]]

    def osl(k):
        return out_hbm.at[:, :, pl.ds(b0 + k * RC, RC)]

    def compute(k, rows_v, outc_v):
        def row_body(i, carry2):
            bcol = jnp.full((16,), i, jnp.int32)
            vv0 = plsc.load_gather(vals_v, [lanes, k * RC + bcol])
            vv1 = plsc.load_gather(vals_v, [lanes_hi, k * RC + bcol])
            for j in range(F):
                v = vv0[j] if j < 16 else vv1[j - (F - 16)]
                plsc.store_scatter(
                    outc_v,
                    [jnp.full((16,), j, jnp.int32), lanes, bcol],
                    rows_v[i * F + j, :] * v,
                )
            return carry2

        lax.fori_loop(0, RC, row_body, 0)

    pltpu.async_copy(gsrc(0), r0v, sg0)

    def chunk_body(k, carry):
        @pl.when(k + 1 < NCHUNK)
        def _prefetch():
            @pl.when(k % 2 == 0)
            def _(): pltpu.async_copy(gsrc(k + 1), r1v, sg1)
            @pl.when(k % 2 == 1)
            def _(): pltpu.async_copy(gsrc(k + 1), r0v, sg0)

        def stage(rows_v, outc_v, sg, so):
            pltpu.make_async_copy(gsrc(k), rows_v, sg).wait()
            @pl.when(k >= 2)
            def _(): pltpu.make_async_copy(outc_v, osl(k - 2), so).wait()
            compute(k, rows_v, outc_v)
            pltpu.async_copy(outc_v, osl(k), so)

        @pl.when(k % 2 == 0)
        def _(): stage(r0v, oc0, sg0, so0)
        @pl.when(k % 2 == 1)
        def _(): stage(r1v, oc1, sg1, so1)
        return carry

    lax.fori_loop(0, NCHUNK, chunk_body, 0)

    pltpu.make_async_copy(oc0, osl(NCHUNK - 2), so0).wait()
    pltpu.make_async_copy(oc1, osl(NCHUNK - 1), so1).wait()


def kernel(ids, vals, table):
    tail = table[NFEAT - 64:].reshape(8, 128)
    table_rm = _table_transpose(table.T, tail).reshape(TROWS, NEMB)
    out_t = _emb_lookup(ids.astype(jnp.int32).T, vals.T, table_rm)
    return jnp.transpose(out_t, (2, 0, 1))

# --- scband reference (transcript-rebuilt; emitter-appended) ---
"""Pipeline reference for scband-embedding-19327352832626 (READ-ONLY COPY).

The authoritative reference and input builder live on the scoring server;
editing this copy changes nothing except your own understanding.
"""

import jax, jax.numpy as jnp
import numpy as np

NFEAT = 1000000
NEMB = 16
B = 16384
F = 26

def setup_inputs(seed: int = 0) -> dict:
    key = jax.random.key(seed)
    k_ids, k_vals, k_w = jax.random.split(key, 3)
    ids = jax.random.randint(k_ids, (B, F), 0, NFEAT, dtype=jnp.int64 if jax.config.jax_enable_x64 else jnp.int32)
    vals = jax.random.uniform(k_vals, (B, F), dtype=jnp.float32)
    # xavier_uniform for embedding weight of shape (NFEAT, NEMB)
    limit = float(np.sqrt(6.0 / (NFEAT + NEMB)))
    table = jax.random.uniform(k_w, (NFEAT, NEMB), minval=-limit, maxval=limit, dtype=jnp.float32)
    return {"ids": ids, "vals": vals, "table": table}

def reference(ids, vals, table):
    # emb = embedding(ids): gather rows from table -> (B, F, E)
    emb = jnp.take(table, ids, axis=0)
    # scale by vals broadcast over embedding dim
    return emb * vals[:, :, None]

if __name__ == "__main__":
    import jax
    _d = setup_inputs()
    print(jax.jit(kernel)(*tuple(_d.values())))

</pallas_src>

<mosaic_0001>
#map = affine_map<(d0, d1) -> (0, 0)>
#map1 = affine_map<(d0, d1) -> (0, 0, 0)>
module attributes {stable_mosaic.version = 14 : i64} {
  func.func @_emb_lookup(%arg0: i32, %arg1: i32, %arg2: memref<26x16384xi32, #tpu.memory_space<hbm>>, %arg3: memref<26x16384xf32, #tpu.memory_space<hbm>>, %arg4: memref<1000064x16xf32, #tpu.memory_space<hbm>>, %arg5: memref<26x16x16384xf32, #tpu.memory_space<hbm>>, %arg6: memref<26x512xi32, #tpu.memory_space<vmem>>, %arg7: memref<26x512xf32, #tpu.memory_space<vmem>>, %arg8: memref<13312xi32, #tpu.memory_space<vmem>>, %arg9: memref<832x16xf32, #tpu.memory_space<vmem>>, %arg10: memref<832x16xf32, #tpu.memory_space<vmem>>, %arg11: memref<26x16x32xf32, #tpu.memory_space<vmem>>, %arg12: memref<26x16x32xf32, #tpu.memory_space<vmem>>, %arg13: memref<!tpu.dma_semaphore, #tpu.memory_space<semaphore_mem>>, %arg14: memref<!tpu.dma_semaphore, #tpu.memory_space<semaphore_mem>>, %arg15: memref<!tpu.dma_semaphore, #tpu.memory_space<semaphore_mem>>, %arg16: memref<!tpu.dma_semaphore, #tpu.memory_space<semaphore_mem>>) attributes {dimension_semantics = [#tpu.dimension_semantics<core_parallel>, #tpu.dimension_semantics<subcore_parallel>], iteration_bounds = array<i64: 2, 16>, scalar_prefetch = 0 : i64, scratch_operands = 11 : i64, tpu.core_type = #tpu.core_type<sc_vector_subcore>, window_params = [{transform_indices = #map}, {transform_indices = #map}, {transform_indices = #map}, {transform_indices = #map1}]} {
    %mul3A = arith.constant 2 : i32
    %mul3A_0 = arith.muli %arg1, %mul3A : i32
    %add3A = arith.addi %mul3A_0, %arg0 : i32
    %mul3A_1 = arith.constant 512 : i32
    %mul3A_2 = arith.muli %add3A, %mul3A_1 : i32
    "tpu.region"() ({
      %run_scoped3A = tpu.sem_alloc : memref<!tpu.dma_semaphore, #tpu.memory_space<semaphore_mem>>
      %dma_start3A_36 = arith.constant 0 : i32
      %dma_start3A_37 = tpu.memref_slice %arg2[%dma_start3A_36, %mul3A_2] : memref<26x16384xi32, #tpu.memory_space<hbm>> -> memref<26x512xi32, #tpu.memory_space<hbm>>
      %dma_start3A_38 = arith.constant 0 : i32
      %dma_start3A_39 = tpu.memref_slice %arg2[%dma_start3A_38, %mul3A_2] : memref<26x16384xi32, #tpu.memory_space<hbm>> -> memref<26x512xi32, #tpu.memory_space<hbm>>
      tpu.enqueue_dma source(%dma_start3A_39 : memref<26x512xi32, #tpu.memory_space<hbm>>) target(%arg6 : memref<26x512xi32, #tpu.memory_space<vmem>>) target_semaphore(%run_scoped3A : memref<!tpu.dma_semaphore, #tpu.memory_space<semaphore_mem>>)
      %dma_wait3A_40 = arith.constant 0 : i32
      %dma_wait3A_41 = tpu.memref_slice %arg2[%dma_wait3A_40, %mul3A_2] : memref<26x16384xi32, #tpu.memory_space<hbm>> -> memref<26x512xi32, #tpu.memory_space<hbm>>
      %dma_wait3A_42 = arith.constant 0 : i32
      %dma_wait3A_43 = tpu.memref_slice %arg2[%dma_wait3A_42, %mul3A_2] : memref<26x16384xi32, #tpu.memory_space<hbm>> -> memref<26x512xi32, #tpu.memory_space<hbm>>
      tpu.wait_dma2 semaphore(%run_scoped3A : memref<!tpu.dma_semaphore, #tpu.memory_space<semaphore_mem>>) src(%dma_wait3A_43 : memref<26x512xi32, #tpu.memory_space<hbm>>) dst(%arg6 : memref<26x512xi32, #tpu.memory_space<vmem>>)
      tpu.yield
    }) : () -> ()
    "tpu.region"() ({
      %run_scoped3A = tpu.sem_alloc : memref<!tpu.dma_semaphore, #tpu.memory_space<semaphore_mem>>
      %dma_start3A_36 = arith.constant 0 : i32
      %dma_start3A_37 = tpu.memref_slice %arg3[%dma_start3A_36, %mul3A_2] : memref<26x16384xf32, #tpu.memory_space<hbm>> -> memref<26x512xf32, #tpu.memory_space<hbm>>
      %dma_start3A_38 = arith.constant 0 : i32
      %dma_start3A_39 = tpu.memref_slice %arg3[%dma_start3A_38, %mul3A_2] : memref<26x16384xf32, #tpu.memory_space<hbm>> -> memref<26x512xf32, #tpu.memory_space<hbm>>
      tpu.enqueue_dma source(%dma_start3A_39 : memref<26x512xf32, #tpu.memory_space<hbm>>) target(%arg7 : memref<26x512xf32, #tpu.memory_space<vmem>>) target_semaphore(%run_scoped3A : memref<!tpu.dma_semaphore, #tpu.memory_space<semaphore_mem>>)
      %dma_wait3A_40 = arith.constant 0 : i32
      %dma_wait3A_41 = tpu.memref_slice %arg3[%dma_wait3A_40, %mul3A_2] : memref<26x16384xf32, #tpu.memory_space<hbm>> -> memref<26x512xf32, #tpu.memory_space<hbm>>
      %dma_wait3A_42 = arith.constant 0 : i32
      %dma_wait3A_43 = tpu.memref_slice %arg3[%dma_wait3A_42, %mul3A_2] : memref<26x16384xf32, #tpu.memory_space<hbm>> -> memref<26x512xf32, #tpu.memory_space<hbm>>
      tpu.wait_dma2 semaphore(%run_scoped3A : memref<!tpu.dma_semaphore, #tpu.memory_space<semaphore_mem>>) src(%dma_wait3A_43 : memref<26x512xf32, #tpu.memory_space<hbm>>) dst(%arg7 : memref<26x512xf32, #tpu.memory_space<vmem>>)
      tpu.yield
    }) : () -> ()
    %iota3A = tpu.iota {dimensions = array<i32: 0>} : vector<16xi32>
    %add3A_3 = arith.constant 10 : i32
    %add3A_4 = vector.broadcast %add3A_3 : i32 to vector<16xi32>
    %add3A_5 = arith.addi %iota3A, %add3A_4 : vector<16xi32>
    %scan3A = arith.constant 0 : i32
    %scan3A_6 = arith.constant 0 : i32
    %scan3A_7 = arith.constant 512 : i32
    %scan3A_8 = arith.addi %scan3A_6, %scan3A_7 : i32
    %scan3A_9 = arith.constant 1 : i32
    scf.for %scan3A_36 = %scan3A_6 to %scan3A_8 step %scan3A_9  : i32 {
      %broadcast_in_dim3A = vector.broadcast %scan3A_36 : i32 to vector<16xi32>
      %gather3A = tpu.vector_load_idx %arg6[%iota3A, %broadcast_in_dim3A] : memref<26x512xi32, #tpu.memory_space<vmem>>[vector<16xi32>, vector<16xi32>], vector<16xi32>,
      %broadcast_in_dim3A_37 = vector.broadcast %scan3A_36 : i32 to vector<16xi32>
      %gather3A_38 = tpu.vector_load_idx %arg6[%add3A_5, %broadcast_in_dim3A_37] : memref<26x512xi32, #tpu.memory_space<vmem>>[vector<16xi32>, vector<16xi32>], vector<16xi32>,
      %mul3A_39 = arith.constant 26 : i32
      %mul3A_40 = arith.muli %scan3A_36, %mul3A_39 : i32
      %add3A_41 = vector.broadcast %mul3A_40 : i32 to vector<16xi32>
      %add3A_42 = arith.addi %add3A_41, %iota3A : vector<16xi32>
      tpu.vector_store_idx %arg8[%add3A_42], %gather3A : memref<13312xi32, #tpu.memory_space<vmem>>[vector<16xi32>], vector<16xi32>,
      %mul3A_43 = arith.constant 26 : i32
      %mul3A_44 = arith.muli %scan3A_36, %mul3A_43 : i32
      %add3A_45 = arith.constant 10 : i32
      %add3A_46 = arith.addi %mul3A_44, %add3A_45 : i32
      %add3A_47 = vector.broadcast %add3A_46 : i32 to vector<16xi32>
      %add3A_48 = arith.addi %add3A_47, %iota3A : vector<16xi32>
      tpu.vector_store_idx %arg8[%add3A_48], %gather3A_38 : memref<13312xi32, #tpu.memory_space<vmem>>[vector<16xi32>], vector<16xi32>,
    }
    %scan3A_10 = arith.constant 512 : i32
    %multiple_of3A = arith.constant 0 : i32
    %multiple_of3A_11 = tpu.assume_multiple %multiple_of3A, 8 : i32
    %dma_start3A = tpu.memref_slice %arg8[%multiple_of3A_11] : memref<13312xi32, #tpu.memory_space<vmem>> -> memref<832xi32, #tpu.memory_space<vmem>>
    %dma_start3A_12 = arith.constant 0 : i32
    %dma_start3A_13 = arith.constant 0 : i32
    %dma_start3A_14 = tpu.memref_slice %arg4[%dma_start3A_12, %dma_start3A_13] : memref<1000064x16xf32, #tpu.memory_space<hbm>> -> memref<1000064x16xf32, #tpu.memory_space<hbm>>
    tpu.enqueue_indirect_dma source(%dma_start3A_14 : memref<1000064x16xf32, #tpu.memory_space<hbm>>) target(%arg9 : memref<832x16xf32, #tpu.memory_space<vmem>>) offsets(%dma_start3A : memref<832xi32, #tpu.memory_space<vmem>>) semaphore(%arg13 : memref<!tpu.dma_semaphore, #tpu.memory_space<semaphore_mem>>)
    %scan3A_15 = arith.constant 0 : i32
    %scan3A_16 = arith.constant 0 : i32
    %scan3A_17 = arith.constant 16 : i32
    %scan3A_18 = arith.addi %scan3A_16, %scan3A_17 : i32
    %scan3A_19 = arith.constant 1 : i32
    scf.for %scan3A_36 = %scan3A_16 to %scan3A_18 step %scan3A_19  : i32 {
      %add3A_37 = arith.constant 1 : i32
      %add3A_38 = arith.addi %scan3A_36, %add3A_37 : i32
      %lt3A = arith.constant 16 : i32
      %lt3A_39 = arith.cmpi slt, %add3A_38, %lt3A : i32
      %convert_element_type3A = arith.extui %lt3A_39 : i1 to i32
      %cond3A = arith.constant 0 : i32
      %cond3A_40 = arith.cmpi ne, %convert_element_type3A, %cond3A : i32
      scf.if %cond3A_40 {
        %jit3A_77 = arith.constant 2 : i32
        %eq3A_78 = arith.constant 0 : i32
        %eq3A_79 = arith.cmpi eq, %jit3A_77, %eq3A_78 : i32
        %jit3A_80 = arith.constant 1 : i32
        %select_n3A_81 = arith.select %eq3A_79, %jit3A_80, %jit3A_77 : i32
        %rem3A_82 = arith.remsi %scan3A_36, %select_n3A_81 : i32
        %ne3A_83 = arith.constant 0 : i32
        %ne3A_84 = arith.cmpi ne, %rem3A_82, %ne3A_83 : i32
        %lt3A_85 = arith.constant 0 : i32
        %lt3A_86 = arith.cmpi slt, %rem3A_82, %lt3A_85 : i32
        %lt3A_87 = arith.constant 0 : i32
        %lt3A_88 = arith.cmpi slt, %select_n3A_81, %lt3A_87 : i32
        %ne3A_89 = arith.xori %lt3A_86, %lt3A_88 : i1
        %and3A_90 = arith.andi %ne3A_89, %ne3A_84 : i1
        %add3A_91 = arith.addi %rem3A_82, %select_n3A_81 : i32
        %select_n3A_92 = arith.select %and3A_90, %add3A_91, %rem3A_82 : i32
        %eq3A_93 = arith.constant 0 : i32
        %eq3A_94 = arith.cmpi eq, %select_n3A_92, %eq3A_93 : i32
        %convert_element_type3A_95 = arith.extui %eq3A_94 : i1 to i32
        %cond3A_96 = arith.constant 0 : i32
        %cond3A_97 = arith.cmpi ne, %convert_element_type3A_95, %cond3A_96 : i32
        scf.if %cond3A_97 {
          %add3A_119 = arith.constant 1 : i32
          %add3A_120 = arith.addi %scan3A_36, %add3A_119 : i32
          %mul3A_121 = arith.constant 832 : i32
          %mul3A_122 = arith.muli %add3A_120, %mul3A_121 : i32
          %multiple_of3A_123 = tpu.assume_multiple %mul3A_122, 8 : i32
          %dma_start3A_124 = tpu.memref_slice %arg8[%multiple_of3A_123] : memref<13312xi32, #tpu.memory_space<vmem>> -> memref<832xi32, #tpu.memory_space<vmem>>
          %dma_start3A_125 = arith.constant 0 : i32
          %dma_start3A_126 = arith.constant 0 : i32
          %dma_start3A_127 = tpu.memref_slice %arg4[%dma_start3A_125, %dma_start3A_126] : memref<1000064x16xf32, #tpu.memory_space<hbm>> -> memref<1000064x16xf32, #tpu.memory_space<hbm>>
          tpu.enqueue_indirect_dma source(%dma_start3A_127 : memref<1000064x16xf32, #tpu.memory_space<hbm>>) target(%arg10 : memref<832x16xf32, #tpu.memory_space<vmem>>) offsets(%dma_start3A_124 : memref<832xi32, #tpu.memory_space<vmem>>) semaphore(%arg14 : memref<!tpu.dma_semaphore, #tpu.memory_space<semaphore_mem>>)
        } else {
        }
        %jit3A_98 = arith.constant 2 : i32
        %eq3A_99 = arith.constant 0 : i32
        %eq3A_100 = arith.cmpi eq, %jit3A_98, %eq3A_99 : i32
        %jit3A_101 = arith.constant 1 : i32
        %select_n3A_102 = arith.select %eq3A_100, %jit3A_101, %jit3A_98 : i32
        %rem3A_103 = arith.remsi %scan3A_36, %select_n3A_102 : i32
        %ne3A_104 = arith.constant 0 : i32
        %ne3A_105 = arith.cmpi ne, %rem3A_103, %ne3A_104 : i32
        %lt3A_106 = arith.constant 0 : i32
        %lt3A_107 = arith.cmpi slt, %rem3A_103, %lt3A_106 : i32
        %lt3A_108 = arith.constant 0 : i32
        %lt3A_109 = arith.cmpi slt, %select_n3A_102, %lt3A_108 : i32
        %ne3A_110 = arith.xori %lt3A_107, %lt3A_109 : i1
        %and3A_111 = arith.andi %ne3A_110, %ne3A_105 : i1
        %add3A_112 = arith.addi %rem3A_103, %select_n3A_102 : i32
        %select_n3A_113 = arith.select %and3A_111, %add3A_112, %rem3A_103 : i32
        %eq3A_114 = arith.constant 1 : i32
        %eq3A_115 = arith.cmpi eq, %select_n3A_113, %eq3A_114 : i32
        %convert_element_type3A_116 = arith.extui %eq3A_115 : i1 to i32
        %cond3A_117 = arith.constant 0 : i32
        %cond3A_118 = arith.cmpi ne, %convert_element_type3A_116, %cond3A_117 : i32
        scf.if %cond3A_118 {
          %add3A_119 = arith.constant 1 : i32
          %add3A_120 = arith.addi %scan3A_36, %add3A_119 : i32
          %mul3A_121 = arith.constant 832 : i32
          %mul3A_122 = arith.muli %add3A_120, %mul3A_121 : i32
          %multiple_of3A_123 = tpu.assume_multiple %mul3A_122, 8 : i32
          %dma_start3A_124 = tpu.memref_slice %arg8[%multiple_of3A_123] : memref<13312xi32, #tpu.memory_space<vmem>> -> memref<832xi32, #tpu.memory_space<vmem>>
          %dma_start3A_125 = arith.constant 0 : i32
          %dma_start3A_126 = arith.constant 0 : i32
          %dma_start3A_127 = tpu.memref_slice %arg4[%dma_start3A_125, %dma_start3A_126] : memref<1000064x16xf32, #tpu.memory_space<hbm>> -> memref<1000064x16xf32, #tpu.memory_space<hbm>>
          tpu.enqueue_indirect_dma source(%dma_start3A_127 : memref<1000064x16xf32, #tpu.memory_space<hbm>>) target(%arg9 : memref<832x16xf32, #tpu.memory_space<vmem>>) offsets(%dma_start3A_124 : memref<832xi32, #tpu.memory_space<vmem>>) semaphore(%arg13 : memref<!tpu.dma_semaphore, #tpu.memory_space<semaphore_mem>>)
        } else {
        }
      } else {
      }
      %jit3A = arith.constant 2 : i32
      %eq3A = arith.constant 0 : i32
      %eq3A_41 = arith.cmpi eq, %jit3A, %eq3A : i32
      %jit3A_42 = arith.constant 1 : i32
      %select_n3A = arith.select %eq3A_41, %jit3A_42, %jit3A : i32
      %rem3A = arith.remsi %scan3A_36, %select_n3A : i32
      %ne3A = arith.constant 0 : i32
      %ne3A_43 = arith.cmpi ne, %rem3A, %ne3A : i32
      %lt3A_44 = arith.constant 0 : i32
      %lt3A_45 = arith.cmpi slt, %rem3A, %lt3A_44 : i32
      %lt3A_46 = arith.constant 0 : i32
      %lt3A_47 = arith.cmpi slt, %select_n3A, %lt3A_46 : i32
      %ne3A_48 = arith.xori %lt3A_45, %lt3A_47 : i1
      %and3A = arith.andi %ne3A_48, %ne3A_43 : i1
      %add3A_49 = arith.addi %rem3A, %select_n3A : i32
      %select_n3A_50 = arith.select %and3A, %add3A_49, %rem3A : i32
      %eq3A_51 = arith.constant 0 : i32
      %eq3A_52 = arith.cmpi eq, %select_n3A_50, %eq3A_51 : i32
      %convert_element_type3A_53 = arith.extui %eq3A_52 : i1 to i32
      %cond3A_54 = arith.constant 0 : i32
      %cond3A_55 = arith.cmpi ne, %convert_element_type3A_53, %cond3A_54 : i32
      scf.if %cond3A_55 {
        %mul3A_77 = arith.constant 832 : i32
        %mul3A_78 = arith.muli %scan3A_36, %mul3A_77 : i32
        %multiple_of3A_79 = tpu.assume_multiple %mul3A_78, 8 : i32
        %dma_wait3A_80 = tpu.memref_slice %arg8[%multiple_of3A_79] : memref<13312xi32, #tpu.memory_space<vmem>> -> memref<832xi32, #tpu.memory_space<vmem>>
        %dma_wait3A_81 = arith.constant 0 : i32
        %dma_wait3A_82 = arith.constant 0 : i32
        %dma_wait3A_83 = tpu.memref_slice %arg4[%dma_wait3A_81, %dma_wait3A_82] : memref<1000064x16xf32, #tpu.memory_space<hbm>> -> memref<1000064x16xf32, #tpu.memory_space<hbm>>
        tpu.wait_indirect_dma semaphore(%arg13 : memref<!tpu.dma_semaphore, #tpu.memory_space<semaphore_mem>>) src(%dma_wait3A_83 : memref<1000064x16xf32, #tpu.memory_space<hbm>>) dst(%arg9 : memref<832x16xf32, #tpu.memory_space<vmem>>)
        %ge3A = arith.constant 2 : i32
        %ge3A_84 = arith.cmpi sge, %scan3A_36, %ge3A : i32
        %convert_element_type3A_85 = arith.extui %ge3A_84 : i1 to i32
        %cond3A_86 = arith.constant 0 : i32
        %cond3A_87 = arith.cmpi ne, %convert_element_type3A_85, %cond3A_86 : i32
        scf.if %cond3A_87 {
          %sub3A = arith.constant 2 : i32
          %sub3A_103 = arith.subi %scan3A_36, %sub3A : i32
          %mul3A_104 = arith.constant 32 : i32
          %mul3A_105 = arith.muli %sub3A_103, %mul3A_104 : i32
          %add3A_106 = arith.addi %mul3A_2, %mul3A_105 : i32
          %dma_wait3A_107 = arith.constant 0 : i32
          %dma_wait3A_108 = arith.constant 0 : i32
          %dma_wait3A_109 = tpu.memref_slice %arg5[%dma_wait3A_107, %dma_wait3A_108, %add3A_106] : memref<26x16x16384xf32, #tpu.memory_space<hbm>> -> memref<26x16x32xf32, #tpu.memory_space<hbm>>
          %dma_wait3A_110 = arith.constant 0 : i32
          %dma_wait3A_111 = arith.constant 0 : i32
          %dma_wait3A_112 = tpu.memref_slice %arg5[%dma_wait3A_110, %dma_wait3A_111, %add3A_106] : memref<26x16x16384xf32, #tpu.memory_space<hbm>> -> memref<26x16x32xf32, #tpu.memory_space<hbm>>
          tpu.wait_dma2 semaphore(%arg15 : memref<!tpu.dma_semaphore, #tpu.memory_space<semaphore_mem>>) src(%arg11 : memref<26x16x32xf32, #tpu.memory_space<vmem>>) dst(%dma_wait3A_112 : memref<26x16x32xf32, #tpu.memory_space<hbm>>)
        } else {
        }
        %scan3A_88 = arith.constant 0 : i32
        %scan3A_89 = arith.constant 0 : i32
        %scan3A_90 = arith.constant 32 : i32
        %scan3A_91 = arith.addi %scan3A_89, %scan3A_90 : i32
        %scan3A_92 = arith.constant 1 : i32
        scf.for %scan3A_103 = %scan3A_89 to %scan3A_91 step %scan3A_92  : i32 {
          %broadcast_in_dim3A = vector.broadcast %scan3A_103 : i32 to vector<16xi32>
          %mul3A_104 = arith.constant 32 : i32
          %mul3A_105 = arith.muli %scan3A_36, %mul3A_104 : i32
          %add3A_106 = vector.broadcast %mul3A_105 : i32 to vector<16xi32>
          %add3A_107 = arith.addi %add3A_106, %broadcast_in_dim3A : vector<16xi32>
          %gather3A = tpu.vector_load_idx %arg7[%iota3A, %add3A_107] : memref<26x512xf32, #tpu.memory_space<vmem>>[vector<16xi32>, vector<16xi32>], vector<16xf32>,
          %mul3A_108 = arith.constant 32 : i32
          %mul3A_109 = arith.muli %scan3A_36, %mul3A_108 : i32
          %add3A_110 = vector.broadcast %mul3A_109 : i32 to vector<16xi32>
          %add3A_111 = arith.addi %add3A_110, %broadcast_in_dim3A : vector<16xi32>
          %gather3A_112 = tpu.vector_load_idx %arg7[%add3A_5, %add3A_111] : memref<26x512xf32, #tpu.memory_space<vmem>>[vector<16xi32>, vector<16xi32>], vector<16xf32>,
          %slice3A = vector.extract_strided_slice %gather3A {offsets = [0], sizes = [1], strides = [1]} : vector<16xf32> to vector<1xf32>
          %squeeze3A = vector.extract %slice3A[0] : f32 from vector<1xf32>
          %broadcast_in_dim3A_113 = arith.constant 0 : i32
          %broadcast_in_dim3A_114 = vector.broadcast %broadcast_in_dim3A_113 : i32 to vector<16xi32>
          %mul3A_115 = arith.constant 26 : i32
          %mul3A_116 = arith.muli %scan3A_103, %mul3A_115 : i32
          %add3A_117 = arith.constant 0 : i32
          %add3A_118 = arith.addi %mul3A_116, %add3A_117 : i32
          %get3A = arith.index_cast %add3A_118 : i32 to index
          %get3A_119 = arith.constant 0 : index
          %get3A_120 = tpu.vector_load %arg9[%get3A, %get3A_119] {strides = array<i32>} : memref<832x16xf32, #tpu.memory_space<vmem>>, vector<16xf32>,
          %mul3A_121 = vector.broadcast %squeeze3A : f32 to vector<16xf32>
          %mul3A_122 = arith.mulf %get3A_120, %mul3A_121 : vector<16xf32>
          tpu.vector_store_idx %arg11[%broadcast_in_dim3A_114, %iota3A, %broadcast_in_dim3A], %mul3A_122 : memref<26x16x32xf32, #tpu.memory_space<vmem>>[vector<16xi32>, vector<16xi32>, vector<16xi32>], vector<16xf32>,
          %slice3A_123 = vector.extract_strided_slice %gather3A {offsets = [1], sizes = [1], strides = [1]} : vector<16xf32> to vector<1xf32>
          %squeeze3A_124 = vector.extract %slice3A_123[0] : f32 from vector<1xf32>
          %broadcast_in_dim3A_125 = arith.constant 1 : i32
          %broadcast_in_dim3A_126 = vector.broadcast %broadcast_in_dim3A_125 : i32 to vector<16xi32>
          %mul3A_127 = arith.constant 26 : i32
          %mul3A_128 = arith.muli %scan3A_103, %mul3A_127 : i32
          %add3A_129 = arith.constant 1 : i32
          %add3A_130 = arith.addi %mul3A_128, %add3A_129 : i32
          %get3A_131 = arith.index_cast %add3A_130 : i32 to index
          %get3A_132 = arith.constant 0 : index
          %get3A_133 = tpu.vector_load %arg9[%get3A_131, %get3A_132] {strides = array<i32>} : memref<832x16xf32, #tpu.memory_space<vmem>>, vector<16xf32>,
          %mul3A_134 = vector.broadcast %squeeze3A_124 : f32 to vector<16xf32>
          %mul3A_135 = arith.mulf %get3A_133, %mul3A_134 : vector<16xf32>
          tpu.vector_store_idx %arg11[%broadcast_in_dim3A_126, %iota3A, %broadcast_in_dim3A], %mul3A_135 : memref<26x16x32xf32, #tpu.memory_space<vmem>>[vector<16xi32>, vector<16xi32>, vector<16xi32>], vector<16xf32>,
          %slice3A_136 = vector.extract_strided_slice %gather3A {offsets = [2], sizes = [1], strides = [1]} : vector<16xf32> to vector<1xf32>
          %squeeze3A_137 = vector.extract %slice3A_136[0] : f32 from vector<1xf32>
          %broadcast_in_dim3A_138 = arith.constant 2 : i32
          %broadcast_in_dim3A_139 = vector.broadcast %broadcast_in_dim3A_138 : i32 to vector<16xi32>
          %mul3A_140 = arith.constant 26 : i32
          %mul3A_141 = arith.muli %scan3A_103, %mul3A_140 : i32
          %add3A_142 = arith.constant 2 : i32
          %add3A_143 = arith.addi %mul3A_141, %add3A_142 : i32
          %get3A_144 = arith.index_cast %add3A_143 : i32 to index
          %get3A_145 = arith.constant 0 : index
          %get3A_146 = tpu.vector_load %arg9[%get3A_144, %get3A_145] {strides = array<i32>} : memref<832x16xf32, #tpu.memory_space<vmem>>, vector<16xf32>,
          %mul3A_147 = vector.broadcast %squeeze3A_137 : f32 to vector<16xf32>
          %mul3A_148 = arith.mulf %get3A_146, %mul3A_147 : vector<16xf32>
          tpu.vector_store_idx %arg11[%broadcast_in_dim3A_139, %iota3A, %broadcast_in_dim3A], %mul3A_148 : memref<26x16x32xf32, #tpu.memory_space<vmem>>[vector<16xi32>, vector<16xi32>, vector<16xi32>], vector<16xf32>,
          %slice3A_149 = vector.extract_strided_slice %gather3A {offsets = [3], sizes = [1], strides = [1]} : vector<16xf32> to vector<1xf32>
          %squeeze3A_150 = vector.extract %slice3A_149[0] : f32 from vector<1xf32>
          %broadcast_in_dim3A_151 = arith.constant 3 : i32
          %broadcast_in_dim3A_152 = vector.broadcast %broadcast_in_dim3A_151 : i32 to vector<16xi32>
          %mul3A_153 = arith.constant 26 : i32
          %mul3A_154 = arith.muli %scan3A_103, %mul3A_153 : i32
          %add3A_155 = arith.constant 3 : i32
          %add3A_156 = arith.addi %mul3A_154, %add3A_155 : i32
          %get3A_157 = arith.index_cast %add3A_156 : i32 to index
          %get3A_158 = arith.constant 0 : index
          %get3A_159 = tpu.vector_load %arg9[%get3A_157, %get3A_158] {strides = array<i32>} : memref<832x16xf32, #tpu.memory_space<vmem>>, vector<16xf32>,
          %mul3A_160 = vector.broadcast %squeeze3A_150 : f32 to vector<16xf32>
          %mul3A_161 = arith.mulf %get3A_159, %mul3A_160 : vector<16xf32>
          tpu.vector_store_idx %arg11[%broadcast_in_dim3A_152, %iota3A, %broadcast_in_dim3A], %mul3A_161 : memref<26x16x32xf32, #tpu.memory_space<vmem>>[vector<16xi32>, vector<16xi32>, vector<16xi32>], vector<16xf32>,
          %slice3A_162 = vector.extract_strided_slice %gather3A {offsets = [4], sizes = [1], strides = [1]} : vector<16xf32> to vector<1xf32>
          %squeeze3A_163 = vector.extract %slice3A_162[0] : f32 from vector<1xf32>
          %broadcast_in_dim3A_164 = arith.constant 4 : i32
          %broadcast_in_dim3A_165 = vector.broadcast %broadcast_in_dim3A_164 : i32 to vector<16xi32>
          %mul3A_166 = arith.constant 26 : i32
          %mul3A_167 = arith.muli %scan3A_103, %mul3A_166 : i32
          %add3A_168 = arith.constant 4 : i32
          %add3A_169 = arith.addi %mul3A_167, %add3A_168 : i32
          %get3A_170 = arith.index_cast %add3A_169 : i32 to index
          %get3A_171 = arith.constant 0 : index
          %get3A_172 = tpu.vector_load %arg9[%get3A_170, %get3A_171] {strides = array<i32>} : memref<832x16xf32, #tpu.memory_space<vmem>>, vector<16xf32>,
          %mul3A_173 = vector.broadcast %squeeze3A_163 : f32 to vector<16xf32>
          %mul3A_174 = arith.mulf %get3A_172, %mul3A_173 : vector<16xf32>
          tpu.vector_store_idx %arg11[%broadcast_in_dim3A_165, %iota3A, %broadcast_in_dim3A], %mul3A_174 : memref<26x16x32xf32, #tpu.memory_space<vmem>>[vector<16xi32>, vector<16xi32>, vector<16xi32>], vector<16xf32>,
          %slice3A_175 = vector.extract_strided_slice %gather3A {offsets = [5], sizes = [1], strides = [1]} : vector<16xf32> to vector<1xf32>
          %squeeze3A_176 = vector.extract %slice3A_175[0] : f32 from vector<1xf32>
          %broadcast_in_dim3A_177 = arith.constant 5 : i32
          %broadcast_in_dim3A_178 = vector.broadcast %broadcast_in_dim3A_177 : i32 to vector<16xi32>
          %mul3A_179 = arith.constant 26 : i32
          %mul3A_180 = arith.muli %scan3A_103, %mul3A_179 : i32
          %add3A_181 = arith.constant 5 : i32
          %add3A_182 = arith.addi %mul3A_180, %add3A_181 : i32
          %get3A_183 = arith.index_cast %add3A_182 : i32 to index
          %get3A_184 = arith.constant 0 : index
          %get3A_185 = tpu.vector_load %arg9[%get3A_183, %get3A_184] {strides = array<i32>} : memref<832x16xf32, #tpu.memory_space<vmem>>, vector<16xf32>,
          %mul3A_186 = vector.broadcast %squeeze3A_176 : f32 to vector<16xf32>
          %mul3A_187 = arith.mulf %get3A_185, %mul3A_186 : vector<16xf32>
          tpu.vector_store_idx %arg11[%broadcast_in_dim3A_178, %iota3A, %broadcast_in_dim3A], %mul3A_187 : memref<26x16x32xf32, #tpu.memory_space<vmem>>[vector<16xi32>, vector<16xi32>, vector<16xi32>], vector<16xf32>,
          %slice3A_188 = vector.extract_strided_slice %gather3A {offsets = [6], sizes = [1], strides = [1]} : vector<16xf32> to vector<1xf32>
          %squeeze3A_189 = vector.extract %slice3A_188[0] : f32 from vector<1xf32>
          %broadcast_in_dim3A_190 = arith.constant 6 : i32
          %broadcast_in_dim3A_191 = vector.broadcast %broadcast_in_dim3A_190 : i32 to vector<16xi32>
          %mul3A_192 = arith.constant 26 : i32
          %mul3A_193 = arith.muli %scan3A_103, %mul3A_192 : i32
          %add3A_194 = arith.constant 6 : i32
          %add3A_195 = arith.addi %mul3A_193, %add3A_194 : i32
          %get3A_196 = arith.index_cast %add3A_195 : i32 to index
          %get3A_197 = arith.constant 0 : index
          %get3A_198 = tpu.vector_load %arg9[%get3A_196, %get3A_197] {strides = array<i32>} : memref<832x16xf32, #tpu.memory_space<vmem>>, vector<16xf32>,
          %mul3A_199 = vector.broadcast %squeeze3A_189 : f32 to vector<16xf32>
          %mul3A_200 = arith.mulf %get3A_198, %mul3A_199 : vector<16xf32>
          tpu.vector_store_idx %arg11[%broadcast_in_dim3A_191, %iota3A, %broadcast_in_dim3A], %mul3A_200 : memref<26x16x32xf32, #tpu.memory_space<vmem>>[vector<16xi32>, vector<16xi32>, vector<16xi32>], vector<16xf32>,
          %slice3A_201 = vector.extract_strided_slice %gather3A {offsets = [7], sizes = [1], strides = [1]} : vector<16xf32> to vector<1xf32>
          %squeeze3A_202 = vector.extract %slice3A_201[0] : f32 from vector<1xf32>
          %broadcast_in_dim3A_203 = arith.constant 7 : i32
          %broadcast_in_dim3A_204 = vector.broadcast %broadcast_in_dim3A_203 : i32 to vector<16xi32>
          %mul3A_205 = arith.constant 26 : i32
          %mul3A_206 = arith.muli %scan3A_103, %mul3A_205 : i32
          %add3A_207 = arith.constant 7 : i32
          %add3A_208 = arith.addi %mul3A_206, %add3A_207 : i32
          %get3A_209 = arith.index_cast %add3A_208 : i32 to index
          %get3A_210 = arith.constant 0 : index
          %get3A_211 = tpu.vector_load %arg9[%get3A_209, %get3A_210] {strides = array<i32>} : memref<832x16xf32, #tpu.memory_space<vmem>>, vector<16xf32>,
          %mul3A_212 = vector.broadcast %squeeze3A_202 : f32 to vector<16xf32>
          %mul3A_213 = arith.mulf %get3A_211, %mul3A_212 : vector<16xf32>
          tpu.vector_store_idx %arg11[%broadcast_in_dim3A_204, %iota3A, %broadcast_in_dim3A], %mul3A_213 : memref<26x16x32xf32, #tpu.memory_space<vmem>>[vector<16xi32>, vector<16xi32>, vector<16xi32>], vector<16xf32>,
          %slice3A_214 = vector.extract_strided_slice %gather3A {offsets = [8], sizes = [1], strides = [1]} : vector<16xf32> to vector<1xf32>
          %squeeze3A_215 = vector.extract %slice3A_214[0] : f32 from vector<1xf32>
          %broadcast_in_dim3A_216 = arith.constant 8 : i32
          %broadcast_in_dim3A_217 = vector.broadcast %broadcast_in_dim3A_216 : i32 to vector<16xi32>
          %mul3A_218 = arith.constant 26 : i32
          %mul3A_219 = arith.muli %scan3A_103, %mul3A_218 : i32
          %add3A_220 = arith.constant 8 : i32
          %add3A_221 = arith.addi %mul3A_219, %add3A_220 : i32
          %get3A_222 = arith.index_cast %add3A_221 : i32 to index
          %get3A_223 = arith.constant 0 : index
          %get3A_224 = tpu.vector_load %arg9[%get3A_222, %get3A_223] {strides = array<i32>} : memref<832x16xf32, #tpu.memory_space<vmem>>, vector<16xf32>,
          %mul3A_225 = vector.broadcast %squeeze3A_215 : f32 to vector<16xf32>
          %mul3A_226 = arith.mulf %get3A_224, %mul3A_225 : vector<16xf32>
          tpu.vector_store_idx %arg11[%broadcast_in_dim3A_217, %iota3A, %broadcast_in_dim3A], %mul3A_226 : memref<26x16x32xf32, #tpu.memory_space<vmem>>[vector<16xi32>, vector<16xi32>, vector<16xi32>], vector<16xf32>,
          %slice3A_227 = vector.extract_strided_slice %gather3A {offsets = [9], sizes = [1], strides = [1]} : vector<16xf32> to vector<1xf32>
          %squeeze3A_228 = vector.extract %slice3A_227[0] : f32 from vector<1xf32>
          %broadcast_in_dim3A_229 = arith.constant 9 : i32
          %broadcast_in_dim3A_230 = vector.broadcast %broadcast_in_dim3A_229 : i32 to vector<16xi32>
          %mul3A_231 = arith.constant 26 : i32
          %mul3A_232 = arith.muli %scan3A_103, %mul3A_231 : i32
          %add3A_233 = arith.constant 9 : i32
          %add3A_234 = arith.addi %mul3A_232, %add3A_233 : i32
          %get3A_235 = arith.index_cast %add3A_234 : i32 to index
          %get3A_236 = arith.constant 0 : index
          %get3A_237 = tpu.vector_load %arg9[%get3A_235, %get3A_236] {strides = array<i32>} : memref<832x16xf32, #tpu.memory_space<vmem>>, vector<16xf32>,
          %mul3A_238 = vector.broadcast %squeeze3A_228 : f32 to vector<16xf32>
          %mul3A_239 = arith.mulf %get3A_237, %mul3A_238 : vector<16xf32>
          tpu.vector_store_idx %arg11[%broadcast_in_dim3A_230, %iota3A, %broadcast_in_dim3A], %mul3A_239 : memref<26x16x32xf32, #tpu.memory_space<vmem>>[vector<16xi32>, vector<16xi32>, vector<16xi32>], vector<16xf32>,
          %slice3A_240 = vector.extract_strided_slice %gather3A {offsets = [10], sizes = [1], strides = [1]} : vector<16xf32> to vector<1xf32>
          %squeeze3A_241 = vector.extract %slice3A_240[0] : f32 from vector<1xf32>
          %broadcast_in_dim3A_242 = arith.constant 10 : i32
          %broadcast_in_dim3A_243 = vector.broadcast %broadcast_in_dim3A_242 : i32 to vector<16xi32>
          %mul3A_244 = arith.constant 26 : i32
          %mul3A_245 = arith.muli %scan3A_103, %mul3A_244 : i32
          %add3A_246 = arith.constant 10 : i32
          %add3A_247 = arith.addi %mul3A_245, %add3A_246 : i32
          %get3A_248 = arith.index_cast %add3A_247 : i32 to index
          %get3A_249 = arith.constant 0 : index
          %get3A_250 = tpu.vector_load %arg9[%get3A_248, %get3A_249] {strides = array<i32>} : memref<832x16xf32, #tpu.memory_space<vmem>>, vector<16xf32>,
          %mul3A_251 = vector.broadcast %squeeze3A_241 : f32 to vector<16xf32>
          %mul3A_252 = arith.mulf %get3A_250, %mul3A_251 : vector<16xf32>
          tpu.vector_store_idx %arg11[%broadcast_in_dim3A_243, %iota3A, %broadcast_in_dim3A], %mul3A_252 : memref<26x16x32xf32, #tpu.memory_space<vmem>>[vector<16xi32>, vector<16xi32>, vector<16xi32>], vector<16xf32>,
          %slice3A_253 = vector.extract_strided_slice %gather3A {offsets = [11], sizes = [1], strides = [1]} : vector<16xf32> to vector<1xf32>
          %squeeze3A_254 = vector.extract %slice3A_253[0] : f32 from vector<1xf32>
          %broadcast_in_dim3A_255 = arith.constant 11 : i32
          %broadcast_in_dim3A_256 = vector.broadcast %broadcast_in_dim3A_255 : i32 to vector<16xi32>
          %mul3A_257 = arith.constant 26 : i32
          %mul3A_258 = arith.muli %scan3A_103, %mul3A_257 : i32
          %add3A_259 = arith.constant 11 : i32
          %add3A_260 = arith.addi %mul3A_258, %add3A_259 : i32
          %get3A_261 = arith.index_cast %add3A_260 : i32 to index
          %get3A_262 = arith.constant 0 : index
          %get3A_263 = tpu.vector_load %arg9[%get3A_261, %get3A_262] {strides = array<i32>} : memref<832x16xf32, #tpu.memory_space<vmem>>, vector<16xf32>,
          %mul3A_264 = vector.broadcast %squeeze3A_254 : f32 to vector<16xf32>
          %mul3A_265 = arith.mulf %get3A_263, %mul3A_264 : vector<16xf32>
          tpu.vector_store_idx %arg11[%broadcast_in_dim3A_256, %iota3A, %broadcast_in_dim3A], %mul3A_265 : memref<26x16x32xf32, #tpu.memory_space<vmem>>[vector<16xi32>, vector<16xi32>, vector<16xi32>], vector<16xf32>,
          %slice3A_266 = vector.extract_strided_slice %gather3A {offsets = [12], sizes = [1], strides = [1]} : vector<16xf32> to vector<1xf32>
          %squeeze3A_267 = vector.extract %slice3A_266[0] : f32 from vector<1xf32>
          %broadcast_in_dim3A_268 = arith.constant 12 : i32
          %broadcast_in_dim3A_269 = vector.broadcast %broadcast_in_dim3A_268 : i32 to vector<16xi32>
          %mul3A_270 = arith.constant 26 : i32
          %mul3A_271 = arith.muli %scan3A_103, %mul3A_270 : i32
          %add3A_272 = arith.constant 12 : i32
          %add3A_273 = arith.addi %mul3A_271, %add3A_272 : i32
          %get3A_274 = arith.index_cast %add3A_273 : i32 to index
          %get3A_275 = arith.constant 0 : index
          %get3A_276 = tpu.vector_load %arg9[%get3A_274, %get3A_275] {strides = array<i32>} : memref<832x16xf32, #tpu.memory_space<vmem>>, vector<16xf32>,
          %mul3A_277 = vector.broadcast %squeeze3A_267 : f32 to vector<16xf32>
          %mul3A_278 = arith.mulf %get3A_276, %mul3A_277 : vector<16xf32>
          tpu.vector_store_idx %arg11[%broadcast_in_dim3A_269, %iota3A, %broadcast_in_dim3A], %mul3A_278 : memref<26x16x32xf32, #tpu.memory_space<vmem>>[vector<16xi32>, vector<16xi32>, vector<16xi32>], vector<16xf32>,
          %slice3A_279 = vector.extract_strided_slice %gather3A {offsets = [13], sizes = [1], strides = [1]} : vector<16xf32> to vector<1xf32>
          %squeeze3A_280 = vector.extract %slice3A_279[0] : f32 from vector<1xf32>
          %broadcast_in_dim3A_281 = arith.constant 13 : i32
          %broadcast_in_dim3A_282 = vector.broadcast %broadcast_in_dim3A_281 : i32 to vector<16xi32>
          %mul3A_283 = arith.constant 26 : i32
          %mul3A_284 = arith.muli %scan3A_103, %mul3A_283 : i32
          %add3A_285 = arith.constant 13 : i32
          %add3A_286 = arith.addi %mul3A_284, %add3A_285 : i32
          %get3A_287 = arith.index_cast %add3A_286 : i32 to index
          %get3A_288 = arith.constant 0 : index
          %get3A_289 = tpu.vector_load %arg9[%get3A_287, %get3A_288] {strides = array<i32>} : memref<832x16xf32, #tpu.memory_space<vmem>>, vector<16xf32>,
          %mul3A_290 = vector.broadcast %squeeze3A_280 : f32 to vector<16xf32>
          %mul3A_291 = arith.mulf %get3A_289, %mul3A_290 : vector<16xf32>
          tpu.vector_store_idx %arg11[%broadcast_in_dim3A_282, %iota3A, %broadcast_in_dim3A], %mul3A_291 : memref<26x16x32xf32, #tpu.memory_space<vmem>>[vector<16xi32>, vector<16xi32>, vector<16xi32>], vector<16xf32>,
          %slice3A_292 = vector.extract_strided_slice %gather3A {offsets = [14], sizes = [1], strides = [1]} : vector<16xf32> to vector<1xf32>
          %squeeze3A_293 = vector.extract %slice3A_292[0] : f32 from vector<1xf32>
          %broadcast_in_dim3A_294 = arith.constant 14 : i32
          %broadcast_in_dim3A_295 = vector.broadcast %broadcast_in_dim3A_294 : i32 to vector<16xi32>
          %mul3A_296 = arith.constant 26 : i32
          %mul3A_297 = arith.muli %scan3A_103, %mul3A_296 : i32
          %add3A_298 = arith.constant 14 : i32
          %add3A_299 = arith.addi %mul3A_297, %add3A_298 : i32
          %get3A_300 = arith.index_cast %add3A_299 : i32 to index
          %get3A_301 = arith.constant 0 : index
          %get3A_302 = tpu.vector_load %arg9[%get3A_300, %get3A_301] {strides = array<i32>} : memref<832x16xf32, #tpu.memory_space<vmem>>, vector<16xf32>,
          %mul3A_303 = vector.broadcast %squeeze3A_293 : f32 to vector<16xf32>
          %mul3A_304 = arith.mulf %get3A_302, %mul3A_303 : vector<16xf32>
          tpu.vector_store_idx %arg11[%broadcast_in_dim3A_295, %iota3A, %broadcast_in_dim3A], %mul3A_304 : memref<26x16x32xf32, #tpu.memory_space<vmem>>[vector<16xi32>, vector<16xi32>, vector<16xi32>], vector<16xf32>,
          %slice3A_305 = vector.extract_strided_slice %gather3A {offsets = [15], sizes = [1], strides = [1]} : vector<16xf32> to vector<1xf32>
          %squeeze3A_306 = vector.extract %slice3A_305[0] : f32 from vector<1xf32>
          %broadcast_in_dim3A_307 = arith.constant 15 : i32
          %broadcast_in_dim3A_308 = vector.broadcast %broadcast_in_dim3A_307 : i32 to vector<16xi32>
          %mul3A_309 = arith.constant 26 : i32
          %mul3A_310 = arith.muli %scan3A_103, %mul3A_309 : i32
          %add3A_311 = arith.constant 15 : i32
          %add3A_312 = arith.addi %mul3A_310, %add3A_311 : i32
          %get3A_313 = arith.index_cast %add3A_312 : i32 to index
          %get3A_314 = arith.constant 0 : index
          %get3A_315 = tpu.vector_load %arg9[%get3A_313, %get3A_314] {strides = array<i32>} : memref<832x16xf32, #tpu.memory_space<vmem>>, vector<16xf32>,
          %mul3A_316 = vector.broadcast %squeeze3A_306 : f32 to vector<16xf32>
          %mul3A_317 = arith.mulf %get3A_315, %mul3A_316 : vector<16xf32>
          tpu.vector_store_idx %arg11[%broadcast_in_dim3A_308, %iota3A, %broadcast_in_dim3A], %mul3A_317 : memref<26x16x32xf32, #tpu.memory_space<vmem>>[vector<16xi32>, vector<16xi32>, vector<16xi32>], vector<16xf32>,
          %slice3A_318 = vector.extract_strided_slice %gather3A_112 {offsets = [6], sizes = [1], strides = [1]} : vector<16xf32> to vector<1xf32>
          %squeeze3A_319 = vector.extract %slice3A_318[0] : f32 from vector<1xf32>
          %broadcast_in_dim3A_320 = arith.constant 16 : i32
          %broadcast_in_dim3A_321 = vector.broadcast %broadcast_in_dim3A_320 : i32 to vector<16xi32>
          %mul3A_322 = arith.constant 26 : i32
          %mul3A_323 = arith.muli %scan3A_103, %mul3A_322 : i32
          %add3A_324 = arith.constant 16 : i32
          %add3A_325 = arith.addi %mul3A_323, %add3A_324 : i32
          %get3A_326 = arith.index_cast %add3A_325 : i32 to index
          %get3A_327 = arith.constant 0 : index
          %get3A_328 = tpu.vector_load %arg9[%get3A_326, %get3A_327] {strides = array<i32>} : memref<832x16xf32, #tpu.memory_space<vmem>>, vector<16xf32>,
          %mul3A_329 = vector.broadcast %squeeze3A_319 : f32 to vector<16xf32>
          %mul3A_330 = arith.mulf %get3A_328, %mul3A_329 : vector<16xf32>
          tpu.vector_store_idx %arg11[%broadcast_in_dim3A_321, %iota3A, %broadcast_in_dim3A], %mul3A_330 : memref<26x16x32xf32, #tpu.memory_space<vmem>>[vector<16xi32>, vector<16xi32>, vector<16xi32>], vector<16xf32>,
          %slice3A_331 = vector.extract_strided_slice %gather3A_112 {offsets = [7], sizes = [1], strides = [1]} : vector<16xf32> to vector<1xf32>
          %squeeze3A_332 = vector.extract %slice3A_331[0] : f32 from vector<1xf32>
          %broadcast_in_dim3A_333 = arith.constant 17 : i32
          %broadcast_in_dim3A_334 = vector.broadcast %broadcast_in_dim3A_333 : i32 to vector<16xi32>
          %mul3A_335 = arith.constant 26 : i32
          %mul3A_336 = arith.muli %scan3A_103, %mul3A_335 : i32
          %add3A_337 = arith.constant 17 : i32
          %add3A_338 = arith.addi %mul3A_336, %add3A_337 : i32
          %get3A_339 = arith.index_cast %add3A_338 : i32 to index
          %get3A_340 = arith.constant 0 : index
          %get3A_341 = tpu.vector_load %arg9[%get3A_339, %get3A_340] {strides = array<i32>} : memref<832x16xf32, #tpu.memory_space<vmem>>, vector<16xf32>,
          %mul3A_342 = vector.broadcast %squeeze3A_332 : f32 to vector<16xf32>
          %mul3A_343 = arith.mulf %get3A_341, %mul3A_342 : vector<16xf32>
          tpu.vector_store_idx %arg11[%broadcast_in_dim3A_334, %iota3A, %broadcast_in_dim3A], %mul3A_343 : memref<26x16x32xf32, #tpu.memory_space<vmem>>[vector<16xi32>, vector<16xi32>, vector<16xi32>], vector<16xf32>,
          %slice3A_344 = vector.extract_strided_slice %gather3A_112 {offsets = [8], sizes = [1], strides = [1]} : vector<16xf32> to vector<1xf32>
          %squeeze3A_345 = vector.extract %slice3A_344[0] : f32 from vector<1xf32>
          %broadcast_in_dim3A_346 = arith.constant 18 : i32
          %broadcast_in_dim3A_347 = vector.broadcast %broadcast_in_dim3A_346 : i32 to vector<16xi32>
          %mul3A_348 = arith.constant 26 : i32
          %mul3A_349 = arith.muli %scan3A_103, %mul3A_348 : i32
          %add3A_350 = arith.constant 18 : i32
          %add3A_351 = arith.addi %mul3A_349, %add3A_350 : i32
          %get3A_352 = arith.index_cast %add3A_351 : i32 to index
          %get3A_353 = arith.constant 0 : index
          %get3A_354 = tpu.vector_load %arg9[%get3A_352, %get3A_353] {strides = array<i32>} : memref<832x16xf32, #tpu.memory_space<vmem>>, vector<16xf32>,
          %mul3A_355 = vector.broadcast %squeeze3A_345 : f32 to vector<16xf32>
          %mul3A_356 = arith.mulf %get3A_354, %mul3A_355 : vector<16xf32>
          tpu.vector_store_idx %arg11[%broadcast_in_dim3A_347, %iota3A, %broadcast_in_dim3A], %mul3A_356 : memref<26x16x32xf32, #tpu.memory_space<vmem>>[vector<16xi32>, vector<16xi32>, vector<16xi32>], vector<16xf32>,
          %slice3A_357 = vector.extract_strided_slice %gather3A_112 {offsets = [9], sizes = [1], strides = [1]} : vector<16xf32> to vector<1xf32>
          %squeeze3A_358 = vector.extract %slice3A_357[0] : f32 from vector<1xf32>
          %broadcast_in_dim3A_359 = arith.constant 19 : i32
          %broadcast_in_dim3A_360 = vector.broadcast %broadcast_in_dim3A_359 : i32 to vector<16xi32>
          %mul3A_361 = arith.constant 26 : i32
          %mul3A_362 = arith.muli %scan3A_103, %mul3A_361 : i32
          %add3A_363 = arith.constant 19 : i32
          %add3A_364 = arith.addi %mul3A_362, %add3A_363 : i32
          %get3A_365 = arith.index_cast %add3A_364 : i32 to index
          %get3A_366 = arith.constant 0 : index
          %get3A_367 = tpu.vector_load %arg9[%get3A_365, %get3A_366] {strides = array<i32>} : memref<832x16xf32, #tpu.memory_space<vmem>>, vector<16xf32>,
          %mul3A_368 = vector.broadcast %squeeze3A_358 : f32 to vector<16xf32>
          %mul3A_369 = arith.mulf %get3A_367, %mul3A_368 : vector<16xf32>
          tpu.vector_store_idx %arg11[%broadcast_in_dim3A_360, %iota3A, %broadcast_in_dim3A], %mul3A_369 : memref<26x16x32xf32, #tpu.memory_space<vmem>>[vector<16xi32>, vector<16xi32>, vector<16xi32>], vector<16xf32>,
          %slice3A_370 = vector.extract_strided_slice %gather3A_112 {offsets = [10], sizes = [1], strides = [1]} : vector<16xf32> to vector<1xf32>
          %squeeze3A_371 = vector.extract %slice3A_370[0] : f32 from vector<1xf32>
          %broadcast_in_dim3A_372 = arith.constant 20 : i32
          %broadcast_in_dim3A_373 = vector.broadcast %broadcast_in_dim3A_372 : i32 to vector<16xi32>
          %mul3A_374 = arith.constant 26 : i32
          %mul3A_375 = arith.muli %scan3A_103, %mul3A_374 : i32
          %add3A_376 = arith.constant 20 : i32
          %add3A_377 = arith.addi %mul3A_375, %add3A_376 : i32
          %get3A_378 = arith.index_cast %add3A_377 : i32 to index
          %get3A_379 = arith.constant 0 : index
          %get3A_380 = tpu.vector_load %arg9[%get3A_378, %get3A_379] {strides = array<i32>} : memref<832x16xf32, #tpu.memory_space<vmem>>, vector<16xf32>,
          %mul3A_381 = vector.broadcast %squeeze3A_371 : f32 to vector<16xf32>
          %mul3A_382 = arith.mulf %get3A_380, %mul3A_381 : vector<16xf32>
          tpu.vector_store_idx %arg11[%broadcast_in_dim3A_373, %iota3A, %broadcast_in_dim3A], %mul3A_382 : memref<26x16x32xf32, #tpu.memory_space<vmem>>[vector<16xi32>, vector<16xi32>, vector<16xi32>], vector<16xf32>,
          %slice3A_383 = vector.extract_strided_slice %gather3A_112 {offsets = [11], sizes = [1], strides = [1]} : vector<16xf32> to vector<1xf32>
          %squeeze3A_384 = vector.extract %slice3A_383[0] : f32 from vector<1xf32>
          %broadcast_in_dim3A_385 = arith.constant 21 : i32
          %broadcast_in_dim3A_386 = vector.broadcast %broadcast_in_dim3A_385 : i32 to vector<16xi32>
          %mul3A_387 = arith.constant 26 : i32
          %mul3A_388 = arith.muli %scan3A_103, %mul3A_387 : i32
          %add3A_389 = arith.constant 21 : i32
          %add3A_390 = arith.addi %mul3A_388, %add3A_389 : i32
          %get3A_391 = arith.index_cast %add3A_390 : i32 to index
          %get3A_392 = arith.constant 0 : index
          %get3A_393 = tpu.vector_load %arg9[%get3A_391, %get3A_392] {strides = array<i32>} : memref<832x16xf32, #tpu.memory_space<vmem>>, vector<16xf32>,
          %mul3A_394 = vector.broadcast %squeeze3A_384 : f32 to vector<16xf32>
          %mul3A_395 = arith.mulf %get3A_393, %mul3A_394 : vector<16xf32>
          tpu.vector_store_idx %arg11[%broadcast_in_dim3A_386, %iota3A, %broadcast_in_dim3A], %mul3A_395 : memref<26x16x32xf32, #tpu.memory_space<vmem>>[vector<16xi32>, vector<16xi32>, vector<16xi32>], vector<16xf32>,
          %slice3A_396 = vector.extract_strided_slice %gather3A_112 {offsets = [12], sizes = [1], strides = [1]} : vector<16xf32> to vector<1xf32>
          %squeeze3A_397 = vector.extract %slice3A_396[0] : f32 from vector<1xf32>
          %broadcast_in_dim3A_398 = arith.constant 22 : i32
          %broadcast_in_dim3A_399 = vector.broadcast %broadcast_in_dim3A_398 : i32 to vector<16xi32>
          %mul3A_400 = arith.constant 26 : i32
          %mul3A_401 = arith.muli %scan3A_103, %mul3A_400 : i32
          %add3A_402 = arith.constant 22 : i32
          %add3A_403 = arith.addi %mul3A_401, %add3A_402 : i32
          %get3A_404 = arith.index_cast %add3A_403 : i32 to index
          %get3A_405 = arith.constant 0 : index
          %get3A_406 = tpu.vector_load %arg9[%get3A_404, %get3A_405] {strides = array<i32>} : memref<832x16xf32, #tpu.memory_space<vmem>>, vector<16xf32>,
          %mul3A_407 = vector.broadcast %squeeze3A_397 : f32 to vector<16xf32>
          %mul3A_408 = arith.mulf %get3A_406, %mul3A_407 : vector<16xf32>
          tpu.vector_store_idx %arg11[%broadcast_in_dim3A_399, %iota3A, %broadcast_in_dim3A], %mul3A_408 : memref<26x16x32xf32, #tpu.memory_space<vmem>>[vector<16xi32>, vector<16xi32>, vector<16xi32>], vector<16xf32>,
          %slice3A_409 = vector.extract_strided_slice %gather3A_112 {offsets = [13], sizes = [1], strides = [1]} : vector<16xf32> to vector<1xf32>
          %squeeze3A_410 = vector.extract %slice3A_409[0] : f32 from vector<1xf32>
          %broadcast_in_dim3A_411 = arith.constant 23 : i32
          %broadcast_in_dim3A_412 = vector.broadcast %broadcast_in_dim3A_411 : i32 to vector<16xi32>
          %mul3A_413 = arith.constant 26 : i32
          %mul3A_414 = arith.muli %scan3A_103, %mul3A_413 : i32
          %add3A_415 = arith.constant 23 : i32
          %add3A_416 = arith.addi %mul3A_414, %add3A_415 : i32
          %get3A_417 = arith.index_cast %add3A_416 : i32 to index
          %get3A_418 = arith.constant 0 : index
          %get3A_419 = tpu.vector_load %arg9[%get3A_417, %get3A_418] {strides = array<i32>} : memref<832x16xf32, #tpu.memory_space<vmem>>, vector<16xf32>,
          %mul3A_420 = vector.broadcast %squeeze3A_410 : f32 to vector<16xf32>
          %mul3A_421 = arith.mulf %get3A_419, %mul3A_420 : vector<16xf32>
          tpu.vector_store_idx %arg11[%broadcast_in_dim3A_412, %iota3A, %broadcast_in_dim3A], %mul3A_421 : memref<26x16x32xf32, #tpu.memory_space<vmem>>[vector<16xi32>, vector<16xi32>, vector<16xi32>], vector<16xf32>,
          %slice3A_422 = vector.extract_strided_slice %gather3A_112 {offsets = [14], sizes = [1], strides = [1]} : vector<16xf32> to vector<1xf32>
          %squeeze3A_423 = vector.extract %slice3A_422[0] : f32 from vector<1xf32>
          %broadcast_in_dim3A_424 = arith.constant 24 : i32
          %broadcast_in_dim3A_425 = vector.broadcast %broadcast_in_dim3A_424 : i32 to vector<16xi32>
          %mul3A_426 = arith.constant 26 : i32
          %mul3A_427 = arith.muli %scan3A_103, %mul3A_426 : i32
          %add3A_428 = arith.constant 24 : i32
          %add3A_429 = arith.addi %mul3A_427, %add3A_428 : i32
          %get3A_430 = arith.index_cast %add3A_429 : i32 to index
          %get3A_431 = arith.constant 0 : index
          %get3A_432 = tpu.vector_load %arg9[%get3A_430, %get3A_431] {strides = array<i32>} : memref<832x16xf32, #tpu.memory_space<vmem>>, vector<16xf32>,
          %mul3A_433 = vector.broadcast %squeeze3A_423 : f32 to vector<16xf32>
          %mul3A_434 = arith.mulf %get3A_432, %mul3A_433 : vector<16xf32>
          tpu.vector_store_idx %arg11[%broadcast_in_dim3A_425, %iota3A, %broadcast_in_dim3A], %mul3A_434 : memref<26x16x32xf32, #tpu.memory_space<vmem>>[vector<16xi32>, vector<16xi32>, vector<16xi32>], vector<16xf32>,
          %slice3A_435 = vector.extract_strided_slice %gather3A_112 {offsets = [15], sizes = [1], strides = [1]} : vector<16xf32> to vector<1xf32>
          %squeeze3A_436 = vector.extract %slice3A_435[0] : f32 from vector<1xf32>
          %broadcast_in_dim3A_437 = arith.constant 25 : i32
          %broadcast_in_dim3A_438 = vector.broadcast %broadcast_in_dim3A_437 : i32 to vector<16xi32>
          %mul3A_439 = arith.constant 26 : i32
          %mul3A_440 = arith.muli %scan3A_103, %mul3A_439 : i32
          %add3A_441 = arith.constant 25 : i32
          %add3A_442 = arith.addi %mul3A_440, %add3A_441 : i32
          %get3A_443 = arith.index_cast %add3A_442 : i32 to index
          %get3A_444 = arith.constant 0 : index
          %get3A_445 = tpu.vector_load %arg9[%get3A_443, %get3A_444] {strides = array<i32>} : memref<832x16xf32, #tpu.memory_space<vmem>>, vector<16xf32>,
          %mul3A_446 = vector.broadcast %squeeze3A_436 : f32 to vector<16xf32>
          %mul3A_447 = arith.mulf %get3A_445, %mul3A_446 : vector<16xf32>
          tpu.vector_store_idx %arg11[%broadcast_in_dim3A_438, %iota3A, %broadcast_in_dim3A], %mul3A_447 : memref<26x16x32xf32, #tpu.memory_space<vmem>>[vector<16xi32>, vector<16xi32>, vector<16xi32>], vector<16xf32>,
        }
        %scan3A_93 = arith.constant 32 : i32
        %mul3A_94 = arith.constant 32 : i32
        %mul3A_95 = arith.muli %scan3A_36, %mul3A_94 : i32
        %add3A_96 = arith.addi %mul3A_2, %mul3A_95 : i32
        %dma_start3A_97 = arith.constant 0 : i32
        %dma_start3A_98 = arith.constant 0 : i32
        %dma_start3A_99 = tpu.memref_slice %arg5[%dma_start3A_97, %dma_start3A_98, %add3A_96] : memref<26x16x16384xf32, #tpu.memory_space<hbm>> -> memref<26x16x32xf32, #tpu.memory_space<hbm>>
        %dma_start3A_100 = arith.constant 0 : i32
        %dma_start3A_101 = arith.constant 0 : i32
        %dma_start3A_102 = tpu.memref_slice %arg5[%dma_start3A_100, %dma_start3A_101, %add3A_96] : memref<26x16x16384xf32, #tpu.memory_space<hbm>> -> memref<26x16x32xf32, #tpu.memory_space<hbm>>
        tpu.enqueue_dma source(%arg11 : memref<26x16x32xf32, #tpu.memory_space<vmem>>) target(%dma_start3A_102 : memref<26x16x32xf32, #tpu.memory_space<hbm>>) target_semaphore(%arg15 : memref<!tpu.dma_semaphore, #tpu.memory_space<semaphore_mem>>)
      } else {
      }
      %jit3A_56 = arith.constant 2 : i32
      %eq3A_57 = arith.constant 0 : i32
      %eq3A_58 = arith.cmpi eq, %jit3A_56, %eq3A_57 : i32
      %jit3A_59 = arith.constant 1 : i32
      %select_n3A_60 = arith.select %eq3A_58, %jit3A_59, %jit3A_56 : i32
      %rem3A_61 = arith.remsi %scan3A_36, %select_n3A_60 : i32
      %ne3A_62 = arith.constant 0 : i32
      %ne3A_63 = arith.cmpi ne, %rem3A_61, %ne3A_62 : i32
      %lt3A_64 = arith.constant 0 : i32
      %lt3A_65 = arith.cmpi slt, %rem3A_61, %lt3A_64 : i32
      %lt3A_66 = arith.constant 0 : i32
      %lt3A_67 = arith.cmpi slt, %select_n3A_60, %lt3A_66 : i32
      %ne3A_68 = arith.xori %lt3A_65, %lt3A_67 : i1
      %and3A_69 = arith.andi %ne3A_68, %ne3A_63 : i1
      %add3A_70 = arith.addi %rem3A_61, %select_n3A_60 : i32
      %select_n3A_71 = arith.select %and3A_69, %add3A_70, %rem3A_61 : i32
      %eq3A_72 = arith.constant 1 : i32
      %eq3A_73 = arith.cmpi eq, %select_n3A_71, %eq3A_72 : i32
      %convert_element_type3A_74 = arith.extui %eq3A_73 : i1 to i32
      %cond3A_75 = arith.constant 0 : i32
      %cond3A_76 = arith.cmpi ne, %convert_element_type3A_74, %cond3A_75 : i32
      scf.if %cond3A_76 {
        %mul3A_77 = arith.constant 832 : i32
        %mul3A_78 = arith.muli %scan3A_36, %mul3A_77 : i32
        %multiple_of3A_79 = tpu.assume_multiple %mul3A_78, 8 : i32
        %dma_wait3A_80 = tpu.memref_slice %arg8[%multiple_of3A_79] : memref<13312xi32, #tpu.memory_space<vmem>> -> memref<832xi32, #tpu.memory_space<vmem>>
        %dma_wait3A_81 = arith.constant 0 : i32
        %dma_wait3A_82 = arith.constant 0 : i32
        %dma_wait3A_83 = tpu.memref_slice %arg4[%dma_wait3A_81, %dma_wait3A_82] : memref<1000064x16xf32, #tpu.memory_space<hbm>> -> memref<1000064x16xf32, #tpu.memory_space<hbm>>
        tpu.wait_indirect_dma semaphore(%arg14 : memref<!tpu.dma_semaphore, #tpu.memory_space<semaphore_mem>>) src(%dma_wait3A_83 : memref<1000064x16xf32, #tpu.memory_space<hbm>>) dst(%arg10 : memref<832x16xf32, #tpu.memory_space<vmem>>)
        %ge3A = arith.constant 2 : i32
        %ge3A_84 = arith.cmpi sge, %scan3A_36, %ge3A : i32
        %convert_element_type3A_85 = arith.extui %ge3A_84 : i1 to i32
        %cond3A_86 = arith.constant 0 : i32
        %cond3A_87 = arith.cmpi ne, %convert_element_type3A_85, %cond3A_86 : i32
        scf.if %cond3A_87 {
          %sub3A = arith.constant 2 : i32
          %sub3A_103 = arith.subi %scan3A_36, %sub3A : i32
          %mul3A_104 = arith.constant 32 : i32
          %mul3A_105 = arith.muli %sub3A_103, %mul3A_104 : i32
          %add3A_106 = arith.addi %mul3A_2, %mul3A_105 : i32
          %dma_wait3A_107 = arith.constant 0 : i32
          %dma_wait3A_108 = arith.constant 0 : i32
          %dma_wait3A_109 = tpu.memref_slice %arg5[%dma_wait3A_107, %dma_wait3A_108, %add3A_106] : memref<26x16x16384xf32, #tpu.memory_space<hbm>> -> memref<26x16x32xf32, #tpu.memory_space<hbm>>
          %dma_wait3A_110 = arith.constant 0 : i32
          %dma_wait3A_111 = arith.constant 0 : i32
          %dma_wait3A_112 = tpu.memref_slice %arg5[%dma_wait3A_110, %dma_wait3A_111, %add3A_106] : memref<26x16x16384xf32, #tpu.memory_space<hbm>> -> memref<26x16x32xf32, #tpu.memory_space<hbm>>
          tpu.wait_dma2 semaphore(%arg16 : memref<!tpu.dma_semaphore, #tpu.memory_space<semaphore_mem>>) src(%arg12 : memref<26x16x32xf32, #tpu.memory_space<vmem>>) dst(%dma_wait3A_112 : memref<26x16x32xf32, #tpu.memory_space<hbm>>)
        } else {
        }
        %scan3A_88 = arith.constant 0 : i32
        %scan3A_89 = arith.constant 0 : i32
        %scan3A_90 = arith.constant 32 : i32
        %scan3A_91 = arith.addi %scan3A_89, %scan3A_90 : i32
        %scan3A_92 = arith.constant 1 : i32
        scf.for %scan3A_103 = %scan3A_89 to %scan3A_91 step %scan3A_92  : i32 {
          %broadcast_in_dim3A = vector.broadcast %scan3A_103 : i32 to vector<16xi32>
          %mul3A_104 = arith.constant 32 : i32
          %mul3A_105 = arith.muli %scan3A_36, %mul3A_104 : i32
          %add3A_106 = vector.broadcast %mul3A_105 : i32 to vector<16xi32>
          %add3A_107 = arith.addi %add3A_106, %broadcast_in_dim3A : vector<16xi32>
          %gather3A = tpu.vector_load_idx %arg7[%iota3A, %add3A_107] : memref<26x512xf32, #tpu.memory_space<vmem>>[vector<16xi32>, vector<16xi32>], vector<16xf32>,
          %mul3A_108 = arith.constant 32 : i32
          %mul3A_109 = arith.muli %scan3A_36, %mul3A_108 : i32
          %add3A_110 = vector.broadcast %mul3A_109 : i32 to vector<16xi32>
          %add3A_111 = arith.addi %add3A_110, %broadcast_in_dim3A : vector<16xi32>
          %gather3A_112 = tpu.vector_load_idx %arg7[%add3A_5, %add3A_111] : memref<26x512xf32, #tpu.memory_space<vmem>>[vector<16xi32>, vector<16xi32>], vector<16xf32>,
          %slice3A = vector.extract_strided_slice %gather3A {offsets = [0], sizes = [1], strides = [1]} : vector<16xf32> to vector<1xf32>
          %squeeze3A = vector.extract %slice3A[0] : f32 from vector<1xf32>
          %broadcast_in_dim3A_113 = arith.constant 0 : i32
          %broadcast_in_dim3A_114 = vector.broadcast %broadcast_in_dim3A_113 : i32 to vector<16xi32>
          %mul3A_115 = arith.constant 26 : i32
          %mul3A_116 = arith.muli %scan3A_103, %mul3A_115 : i32
          %add3A_117 = arith.constant 0 : i32
          %add3A_118 = arith.addi %mul3A_116, %add3A_117 : i32
          %get3A = arith.index_cast %add3A_118 : i32 to index
          %get3A_119 = arith.constant 0 : index
          %get3A_120 = tpu.vector_load %arg10[%get3A, %get3A_119] {strides = array<i32>} : memref<832x16xf32, #tpu.memory_space<vmem>>, vector<16xf32>,
          %mul3A_121 = vector.broadcast %squeeze3A : f32 to vector<16xf32>
          %mul3A_122 = arith.mulf %get3A_120, %mul3A_121 : vector<16xf32>
          tpu.vector_store_idx %arg12[%broadcast_in_dim3A_114, %iota3A, %broadcast_in_dim3A], %mul3A_122 : memref<26x16x32xf32, #tpu.memory_space<vmem>>[vector<16xi32>, vector<16xi32>, vector<16xi32>], vector<16xf32>,
          %slice3A_123 = vector.extract_strided_slice %gather3A {offsets = [1], sizes = [1], strides = [1]} : vector<16xf32> to vector<1xf32>
          %squeeze3A_124 = vector.extract %slice3A_123[0] : f32 from vector<1xf32>
          %broadcast_in_dim3A_125 = arith.constant 1 : i32
          %broadcast_in_dim3A_126 = vector.broadcast %broadcast_in_dim3A_125 : i32 to vector<16xi32>
          %mul3A_127 = arith.constant 26 : i32
          %mul3A_128 = arith.muli %scan3A_103, %mul3A_127 : i32
          %add3A_129 = arith.constant 1 : i32
          %add3A_130 = arith.addi %mul3A_128, %add3A_129 : i32
          %get3A_131 = arith.index_cast %add3A_130 : i32 to index
          %get3A_132 = arith.constant 0 : index
          %get3A_133 = tpu.vector_load %arg10[%get3A_131, %get3A_132] {strides = array<i32>} : memref<832x16xf32, #tpu.memory_space<vmem>>, vector<16xf32>,
          %mul3A_134 = vector.broadcast %squeeze3A_124 : f32 to vector<16xf32>
          %mul3A_135 = arith.mulf %get3A_133, %mul3A_134 : vector<16xf32>
          tpu.vector_store_idx %arg12[%broadcast_in_dim3A_126, %iota3A, %broadcast_in_dim3A], %mul3A_135 : memref<26x16x32xf32, #tpu.memory_space<vmem>>[vector<16xi32>, vector<16xi32>, vector<16xi32>], vector<16xf32>,
          %slice3A_136 = vector.extract_strided_slice %gather3A {offsets = [2], sizes = [1], strides = [1]} : vector<16xf32> to vector<1xf32>
          %squeeze3A_137 = vector.extract %slice3A_136[0] : f32 from vector<1xf32>
          %broadcast_in_dim3A_138 = arith.constant 2 : i32
          %broadcast_in_dim3A_139 = vector.broadcast %broadcast_in_dim3A_138 : i32 to vector<16xi32>
          %mul3A_140 = arith.constant 26 : i32
          %mul3A_141 = arith.muli %scan3A_103, %mul3A_140 : i32
          %add3A_142 = arith.constant 2 : i32
          %add3A_143 = arith.addi %mul3A_141, %add3A_142 : i32
          %get3A_144 = arith.index_cast %add3A_143 : i32 to index
          %get3A_145 = arith.constant 0 : index
          %get3A_146 = tpu.vector_load %arg10[%get3A_144, %get3A_145] {strides = array<i32>} : memref<832x16xf32, #tpu.memory_space<vmem>>, vector<16xf32>,
          %mul3A_147 = vector.broadcast %squeeze3A_137 : f32 to vector<16xf32>
          %mul3A_148 = arith.mulf %get3A_146, %mul3A_147 : vector<16xf32>
          tpu.vector_store_idx %arg12[%broadcast_in_dim3A_139, %iota3A, %broadcast_in_dim3A], %mul3A_148 : memref<26x16x32xf32, #tpu.memory_space<vmem>>[vector<16xi32>, vector<16xi32>, vector<16xi32>], vector<16xf32>,
          %slice3A_149 = vector.extract_strided_slice %gather3A {offsets = [3], sizes = [1], strides = [1]} : vector<16xf32> to vector<1xf32>
          %squeeze3A_150 = vector.extract %slice3A_149[0] : f32 from vector<1xf32>
          %broadcast_in_dim3A_151 = arith.constant 3 : i32
          %broadcast_in_dim3A_152 = vector.broadcast %broadcast_in_dim3A_151 : i32 to vector<16xi32>
          %mul3A_153 = arith.constant 26 : i32
          %mul3A_154 = arith.muli %scan3A_103, %mul3A_153 : i32
          %add3A_155 = arith.constant 3 : i32
          %add3A_156 = arith.addi %mul3A_154, %add3A_155 : i32
          %get3A_157 = arith.index_cast %add3A_156 : i32 to index
          %get3A_158 = arith.constant 0 : index
          %get3A_159 = tpu.vector_load %arg10[%get3A_157, %get3A_158] {strides = array<i32>} : memref<832x16xf32, #tpu.memory_space<vmem>>, vector<16xf32>,
          %mul3A_160 = vector.broadcast %squeeze3A_150 : f32 to vector<16xf32>
          %mul3A_161 = arith.mulf %get3A_159, %mul3A_160 : vector<16xf32>
          tpu.vector_store_idx %arg12[%broadcast_in_dim3A_152, %iota3A, %broadcast_in_dim3A], %mul3A_161 : memref<26x16x32xf32, #tpu.memory_space<vmem>>[vector<16xi32>, vector<16xi32>, vector<16xi32>], vector<16xf32>,
          %slice3A_162 = vector.extract_strided_slice %gather3A {offsets = [4], sizes = [1], strides = [1]} : vector<16xf32> to vector<1xf32>
          %squeeze3A_163 = vector.extract %slice3A_162[0] : f32 from vector<1xf32>
          %broadcast_in_dim3A_164 = arith.constant 4 : i32
          %broadcast_in_dim3A_165 = vector.broadcast %broadcast_in_dim3A_164 : i32 to vector<16xi32>
          %mul3A_166 = arith.constant 26 : i32
          %mul3A_167 = arith.muli %scan3A_103, %mul3A_166 : i32
          %add3A_168 = arith.constant 4 : i32
          %add3A_169 = arith.addi %mul3A_167, %add3A_168 : i32
          %get3A_170 = arith.index_cast %add3A_169 : i32 to index
          %get3A_171 = arith.constant 0 : index
          %get3A_172 = tpu.vector_load %arg10[%get3A_170, %get3A_171] {strides = array<i32>} : memref<832x16xf32, #tpu.memory_space<vmem>>, vector<16xf32>,
          %mul3A_173 = vector.broadcast %squeeze3A_163 : f32 to vector<16xf32>
          %mul3A_174 = arith.mulf %get3A_172, %mul3A_173 : vector<16xf32>
          tpu.vector_store_idx %arg12[%broadcast_in_dim3A_165, %iota3A, %broadcast_in_dim3A], %mul3A_174 : memref<26x16x32xf32, #tpu.memory_space<vmem>>[vector<16xi32>, vector<16xi32>, vector<16xi32>], vector<16xf32>,
          %slice3A_175 = vector.extract_strided_slice %gather3A {offsets = [5], sizes = [1], strides = [1]} : vector<16xf32> to vector<1xf32>
          %squeeze3A_176 = vector.extract %slice3A_175[0] : f32 from vector<1xf32>
          %broadcast_in_dim3A_177 = arith.constant 5 : i32
          %broadcast_in_dim3A_178 = vector.broadcast %broadcast_in_dim3A_177 : i32 to vector<16xi32>
          %mul3A_179 = arith.constant 26 : i32
          %mul3A_180 = arith.muli %scan3A_103, %mul3A_179 : i32
          %add3A_181 = arith.constant 5 : i32
          %add3A_182 = arith.addi %mul3A_180, %add3A_181 : i32
          %get3A_183 = arith.index_cast %add3A_182 : i32 to index
          %get3A_184 = arith.constant 0 : index
          %get3A_185 = tpu.vector_load %arg10[%get3A_183, %get3A_184] {strides = array<i32>} : memref<832x16xf32, #tpu.memory_space<vmem>>, vector<16xf32>,
          %mul3A_186 = vector.broadcast %squeeze3A_176 : f32 to vector<16xf32>
          %mul3A_187 = arith.mulf %get3A_185, %mul3A_186 : vector<16xf32>
          tpu.vector_store_idx %arg12[%broadcast_in_dim3A_178, %iota3A, %broadcast_in_dim3A], %mul3A_187 : memref<26x16x32xf32, #tpu.memory_space<vmem>>[vector<16xi32>, vector<16xi32>, vector<16xi32>], vector<16xf32>,
          %slice3A_188 = vector.extract_strided_slice %gather3A {offsets = [6], sizes = [1], strides = [1]} : vector<16xf32> to vector<1xf32>
          %squeeze3A_189 = vector.extract %slice3A_188[0] : f32 from vector<1xf32>
          %broadcast_in_dim3A_190 = arith.constant 6 : i32
          %broadcast_in_dim3A_191 = vector.broadcast %broadcast_in_dim3A_190 : i32 to vector<16xi32>
          %mul3A_192 = arith.constant 26 : i32
          %mul3A_193 = arith.muli %scan3A_103, %mul3A_192 : i32
          %add3A_194 = arith.constant 6 : i32
          %add3A_195 = arith.addi %mul3A_193, %add3A_194 : i32
          %get3A_196 = arith.index_cast %add3A_195 : i32 to index
          %get3A_197 = arith.constant 0 : index
          %get3A_198 = tpu.vector_load %arg10[%get3A_196, %get3A_197] {strides = array<i32>} : memref<832x16xf32, #tpu.memory_space<vmem>>, vector<16xf32>,
          %mul3A_199 = vector.broadcast %squeeze3A_189 : f32 to vector<16xf32>
          %mul3A_200 = arith.mulf %get3A_198, %mul3A_199 : vector<16xf32>
          tpu.vector_store_idx %arg12[%broadcast_in_dim3A_191, %iota3A, %broadcast_in_dim3A], %mul3A_200 : memref<26x16x32xf32, #tpu.memory_space<vmem>>[vector<16xi32>, vector<16xi32>, vector<16xi32>], vector<16xf32>,
          %slice3A_201 = vector.extract_strided_slice %gather3A {offsets = [7], sizes = [1], strides = [1]} : vector<16xf32> to vector<1xf32>
          %squeeze3A_202 = vector.extract %slice3A_201[0] : f32 from vector<1xf32>
          %broadcast_in_dim3A_203 = arith.constant 7 : i32
          %broadcast_in_dim3A_204 = vector.broadcast %broadcast_in_dim3A_203 : i32 to vector<16xi32>
          %mul3A_205 = arith.constant 26 : i32
          %mul3A_206 = arith.muli %scan3A_103, %mul3A_205 : i32
          %add3A_207 = arith.constant 7 : i32
          %add3A_208 = arith.addi %mul3A_206, %add3A_207 : i32
          %get3A_209 = arith.index_cast %add3A_208 : i32 to index
          %get3A_210 = arith.constant 0 : index
          %get3A_211 = tpu.vector_load %arg10[%get3A_209, %get3A_210] {strides = array<i32>} : memref<832x16xf32, #tpu.memory_space<vmem>>, vector<16xf32>,
          %mul3A_212 = vector.broadcast %squeeze3A_202 : f32 to vector<16xf32>
          %mul3A_213 = arith.mulf %get3A_211, %mul3A_212 : vector<16xf32>
          tpu.vector_store_idx %arg12[%broadcast_in_dim3A_204, %iota3A, %broadcast_in_dim3A], %mul3A_213 : memref<26x16x32xf32, #tpu.memory_space<vmem>>[vector<16xi32>, vector<16xi32>, vector<16xi32>], vector<16xf32>,
          %slice3A_214 = vector.extract_strided_slice %gather3A {offsets = [8], sizes = [1], strides = [1]} : vector<16xf32> to vector<1xf32>
          %squeeze3A_215 = vector.extract %slice3A_214[0] : f32 from vector<1xf32>
          %broadcast_in_dim3A_216 = arith.constant 8 : i32
          %broadcast_in_dim3A_217 = vector.broadcast %broadcast_in_dim3A_216 : i32 to vector<16xi32>
          %mul3A_218 = arith.constant 26 : i32
          %mul3A_219 = arith.muli %scan3A_103, %mul3A_218 : i32
          %add3A_220 = arith.constant 8 : i32
          %add3A_221 = arith.addi %mul3A_219, %add3A_220 : i32
          %get3A_222 = arith.index_cast %add3A_221 : i32 to index
          %get3A_223 = arith.constant 0 : index
          %get3A_224 = tpu.vector_load %arg10[%get3A_222, %get3A_223] {strides = array<i32>} : memref<832x16xf32, #tpu.memory_space<vmem>>, vector<16xf32>,
          %mul3A_225 = vector.broadcast %squeeze3A_215 : f32 to vector<16xf32>
          %mul3A_226 = arith.mulf %get3A_224, %mul3A_225 : vector<16xf32>
          tpu.vector_store_idx %arg12[%broadcast_in_dim3A_217, %iota3A, %broadcast_in_dim3A], %mul3A_226 : memref<26x16x32xf32, #tpu.memory_space<vmem>>[vector<16xi32>, vector<16xi32>, vector<16xi32>], vector<16xf32>,
          %slice3A_227 = vector.extract_strided_slice %gather3A {offsets = [9], sizes = [1], strides = [1]} : vector<16xf32> to vector<1xf32>
          %squeeze3A_228 = vector.extract %slice3A_227[0] : f32 from vector<1xf32>
          %broadcast_in_dim3A_229 = arith.constant 9 : i32
          %broadcast_in_dim3A_230 = vector.broadcast %broadcast_in_dim3A_229 : i32 to vector<16xi32>
          %mul3A_231 = arith.constant 26 : i32
          %mul3A_232 = arith.muli %scan3A_103, %mul3A_231 : i32
          %add3A_233 = arith.constant 9 : i32
          %add3A_234 = arith.addi %mul3A_232, %add3A_233 : i32
          %get3A_235 = arith.index_cast %add3A_234 : i32 to index
          %get3A_236 = arith.constant 0 : index
          %get3A_237 = tpu.vector_load %arg10[%get3A_235, %get3A_236] {strides = array<i32>} : memref<832x16xf32, #tpu.memory_space<vmem>>, vector<16xf32>,
          %mul3A_238 = vector.broadcast %squeeze3A_228 : f32 to vector<16xf32>
          %mul3A_239 = arith.mulf %get3A_237, %mul3A_238 : vector<16xf32>
          tpu.vector_store_idx %arg12[%broadcast_in_dim3A_230, %iota3A, %broadcast_in_dim3A], %mul3A_239 : memref<26x16x32xf32, #tpu.memory_space<vmem>>[vector<16xi32>, vector<16xi32>, vector<16xi32>], vector<16xf32>,
          %slice3A_240 = vector.extract_strided_slice %gather3A {offsets = [10], sizes = [1], strides = [1]} : vector<16xf32> to vector<1xf32>
          %squeeze3A_241 = vector.extract %slice3A_240[0] : f32 from vector<1xf32>
          %broadcast_in_dim3A_242 = arith.constant 10 : i32
          %broadcast_in_dim3A_243 = vector.broadcast %broadcast_in_dim3A_242 : i32 to vector<16xi32>
          %mul3A_244 = arith.constant 26 : i32
          %mul3A_245 = arith.muli %scan3A_103, %mul3A_244 : i32
          %add3A_246 = arith.constant 10 : i32
          %add3A_247 = arith.addi %mul3A_245, %add3A_246 : i32
          %get3A_248 = arith.index_cast %add3A_247 : i32 to index
          %get3A_249 = arith.constant 0 : index
          %get3A_250 = tpu.vector_load %arg10[%get3A_248, %get3A_249] {strides = array<i32>} : memref<832x16xf32, #tpu.memory_space<vmem>>, vector<16xf32>,
          %mul3A_251 = vector.broadcast %squeeze3A_241 : f32 to vector<16xf32>
          %mul3A_252 = arith.mulf %get3A_250, %mul3A_251 : vector<16xf32>
          tpu.vector_store_idx %arg12[%broadcast_in_dim3A_243, %iota3A, %broadcast_in_dim3A], %mul3A_252 : memref<26x16x32xf32, #tpu.memory_space<vmem>>[vector<16xi32>, vector<16xi32>, vector<16xi32>], vector<16xf32>,
          %slice3A_253 = vector.extract_strided_slice %gather3A {offsets = [11], sizes = [1], strides = [1]} : vector<16xf32> to vector<1xf32>
          %squeeze3A_254 = vector.extract %slice3A_253[0] : f32 from vector<1xf32>
          %broadcast_in_dim3A_255 = arith.constant 11 : i32
          %broadcast_in_dim3A_256 = vector.broadcast %broadcast_in_dim3A_255 : i32 to vector<16xi32>
          %mul3A_257 = arith.constant 26 : i32
          %mul3A_258 = arith.muli %scan3A_103, %mul3A_257 : i32
          %add3A_259 = arith.constant 11 : i32
          %add3A_260 = arith.addi %mul3A_258, %add3A_259 : i32
          %get3A_261 = arith.index_cast %add3A_260 : i32 to index
          %get3A_262 = arith.constant 0 : index
          %get3A_263 = tpu.vector_load %arg10[%get3A_261, %get3A_262] {strides = array<i32>} : memref<832x16xf32, #tpu.memory_space<vmem>>, vector<16xf32>,
          %mul3A_264 = vector.broadcast %squeeze3A_254 : f32 to vector<16xf32>
          %mul3A_265 = arith.mulf %get3A_263, %mul3A_264 : vector<16xf32>
          tpu.vector_store_idx %arg12[%broadcast_in_dim3A_256, %iota3A, %broadcast_in_dim3A], %mul3A_265 : memref<26x16x32xf32, #tpu.memory_space<vmem>>[vector<16xi32>, vector<16xi32>, vector<16xi32>], vector<16xf32>,
          %slice3A_266 = vector.extract_strided_slice %gather3A {offsets = [12], sizes = [1], strides = [1]} : vector<16xf32> to vector<1xf32>
          %squeeze3A_267 = vector.extract %slice3A_266[0] : f32 from vector<1xf32>
          %broadcast_in_dim3A_268 = arith.constant 12 : i32
          %broadcast_in_dim3A_269 = vector.broadcast %broadcast_in_dim3A_268 : i32 to vector<16xi32>
          %mul3A_270 = arith.constant 26 : i32
          %mul3A_271 = arith.muli %scan3A_103, %mul3A_270 : i32
          %add3A_272 = arith.constant 12 : i32
          %add3A_273 = arith.addi %mul3A_271, %add3A_272 : i32
          %get3A_274 = arith.index_cast %add3A_273 : i32 to index
          %get3A_275 = arith.constant 0 : index
          %get3A_276 = tpu.vector_load %arg10[%get3A_274, %get3A_275] {strides = array<i32>} : memref<832x16xf32, #tpu.memory_space<vmem>>, vector<16xf32>,
          %mul3A_277 = vector.broadcast %squeeze3A_267 : f32 to vector<16xf32>
          %mul3A_278 = arith.mulf %get3A_276, %mul3A_277 : vector<16xf32>
          tpu.vector_store_idx %arg12[%broadcast_in_dim3A_269, %iota3A, %broadcast_in_dim3A], %mul3A_278 : memref<26x16x32xf32, #tpu.memory_space<vmem>>[vector<16xi32>, vector<16xi32>, vector<16xi32>], vector<16xf32>,
          %slice3A_279 = vector.extract_strided_slice %gather3A {offsets = [13], sizes = [1], strides = [1]} : vector<16xf32> to vector<1xf32>
          %squeeze3A_280 = vector.extract %slice3A_279[0] : f32 from vector<1xf32>
          %broadcast_in_dim3A_281 = arith.constant 13 : i32
          %broadcast_in_dim3A_282 = vector.broadcast %broadcast_in_dim3A_281 : i32 to vector<16xi32>
          %mul3A_283 = arith.constant 26 : i32
          %mul3A_284 = arith.muli %scan3A_103, %mul3A_283 : i32
          %add3A_285 = arith.constant 13 : i32
          %add3A_286 = arith.addi %mul3A_284, %add3A_285 : i32
          %get3A_287 = arith.index_cast %add3A_286 : i32 to index
          %get3A_288 = arith.constant 0 : index
          %get3A_289 = tpu.vector_load %arg10[%get3A_287, %get3A_288] {strides = array<i32>} : memref<832x16xf32, #tpu.memory_space<vmem>>, vector<16xf32>,
          %mul3A_290 = vector.broadcast %squeeze3A_280 : f32 to vector<16xf32>
          %mul3A_291 = arith.mulf %get3A_289, %mul3A_290 : vector<16xf32>
          tpu.vector_store_idx %arg12[%broadcast_in_dim3A_282, %iota3A, %broadcast_in_dim3A], %mul3A_291 : memref<26x16x32xf32, #tpu.memory_space<vmem>>[vector<16xi32>, vector<16xi32>, vector<16xi32>], vector<16xf32>,
          %slice3A_292 = vector.extract_strided_slice %gather3A {offsets = [14], sizes = [1], strides = [1]} : vector<16xf32> to vector<1xf32>
          %squeeze3A_293 = vector.extract %slice3A_292[0] : f32 from vector<1xf32>
          %broadcast_in_dim3A_294 = arith.constant 14 : i32
          %broadcast_in_dim3A_295 = vector.broadcast %broadcast_in_dim3A_294 : i32 to vector<16xi32>
          %mul3A_296 = arith.constant 26 : i32
          %mul3A_297 = arith.muli %scan3A_103, %mul3A_296 : i32
          %add3A_298 = arith.constant 14 : i32
          %add3A_299 = arith.addi %mul3A_297, %add3A_298 : i32
          %get3A_300 = arith.index_cast %add3A_299 : i32 to index
          %get3A_301 = arith.constant 0 : index
          %get3A_302 = tpu.vector_load %arg10[%get3A_300, %get3A_301] {strides = array<i32>} : memref<832x16xf32, #tpu.memory_space<vmem>>, vector<16xf32>,
          %mul3A_303 = vector.broadcast %squeeze3A_293 : f32 to vector<16xf32>
          %mul3A_304 = arith.mulf %get3A_302, %mul3A_303 : vector<16xf32>
          tpu.vector_store_idx %arg12[%broadcast_in_dim3A_295, %iota3A, %broadcast_in_dim3A], %mul3A_304 : memref<26x16x32xf32, #tpu.memory_space<vmem>>[vector<16xi32>, vector<16xi32>, vector<16xi32>], vector<16xf32>,
          %slice3A_305 = vector.extract_strided_slice %gather3A {offsets = [15], sizes = [1], strides = [1]} : vector<16xf32> to vector<1xf32>
          %squeeze3A_306 = vector.extract %slice3A_305[0] : f32 from vector<1xf32>
          %broadcast_in_dim3A_307 = arith.constant 15 : i32
          %broadcast_in_dim3A_308 = vector.broadcast %broadcast_in_dim3A_307 : i32 to vector<16xi32>
          %mul3A_309 = arith.constant 26 : i32
          %mul3A_310 = arith.muli %scan3A_103, %mul3A_309 : i32
          %add3A_311 = arith.constant 15 : i32
          %add3A_312 = arith.addi %mul3A_310, %add3A_311 : i32
          %get3A_313 = arith.index_cast %add3A_312 : i32 to index
          %get3A_314 = arith.constant 0 : index
          %get3A_315 = tpu.vector_load %arg10[%get3A_313, %get3A_314] {strides = array<i32>} : memref<832x16xf32, #tpu.memory_space<vmem>>, vector<16xf32>,
          %mul3A_316 = vector.broadcast %squeeze3A_306 : f32 to vector<16xf32>
          %mul3A_317 = arith.mulf %get3A_315, %mul3A_316 : vector<16xf32>
          tpu.vector_store_idx %arg12[%broadcast_in_dim3A_308, %iota3A, %broadcast_in_dim3A], %mul3A_317 : memref<26x16x32xf32, #tpu.memory_space<vmem>>[vector<16xi32>, vector<16xi32>, vector<16xi32>], vector<16xf32>,
          %slice3A_318 = vector.extract_strided_slice %gather3A_112 {offsets = [6], sizes = [1], strides = [1]} : vector<16xf32> to vector<1xf32>
          %squeeze3A_319 = vector.extract %slice3A_318[0] : f32 from vector<1xf32>
          %broadcast_in_dim3A_320 = arith.constant 16 : i32
          %broadcast_in_dim3A_321 = vector.broadcast %broadcast_in_dim3A_320 : i32 to vector<16xi32>
          %mul3A_322 = arith.constant 26 : i32
          %mul3A_323 = arith.muli %scan3A_103, %mul3A_322 : i32
          %add3A_324 = arith.constant 16 : i32
          %add3A_325 = arith.addi %mul3A_323, %add3A_324 : i32
          %get3A_326 = arith.index_cast %add3A_325 : i32 to index
          %get3A_327 = arith.constant 0 : index
          %get3A_328 = tpu.vector_load %arg10[%get3A_326, %get3A_327] {strides = array<i32>} : memref<832x16xf32, #tpu.memory_space<vmem>>, vector<16xf32>,
          %mul3A_329 = vector.broadcast %squeeze3A_319 : f32 to vector<16xf32>
          %mul3A_330 = arith.mulf %get3A_328, %mul3A_329 : vector<16xf32>
          tpu.vector_store_idx %arg12[%broadcast_in_dim3A_321, %iota3A, %broadcast_in_dim3A], %mul3A_330 : memref<26x16x32xf32, #tpu.memory_space<vmem>>[vector<16xi32>, vector<16xi32>, vector<16xi32>], vector<16xf32>,
          %slice3A_331 = vector.extract_strided_slice %gather3A_112 {offsets = [7], sizes = [1], strides = [1]} : vector<16xf32> to vector<1xf32>
          %squeeze3A_332 = vector.extract %slice3A_331[0] : f32 from vector<1xf32>
          %broadcast_in_dim3A_333 = arith.constant 17 : i32
          %broadcast_in_dim3A_334 = vector.broadcast %broadcast_in_dim3A_333 : i32 to vector<16xi32>
          %mul3A_335 = arith.constant 26 : i32
          %mul3A_336 = arith.muli %scan3A_103, %mul3A_335 : i32
          %add3A_337 = arith.constant 17 : i32
          %add3A_338 = arith.addi %mul3A_336, %add3A_337 : i32
          %get3A_339 = arith.index_cast %add3A_338 : i32 to index
          %get3A_340 = arith.constant 0 : index
          %get3A_341 = tpu.vector_load %arg10[%get3A_339, %get3A_340] {strides = array<i32>} : memref<832x16xf32, #tpu.memory_space<vmem>>, vector<16xf32>,
          %mul3A_342 = vector.broadcast %squeeze3A_332 : f32 to vector<16xf32>
          %mul3A_343 = arith.mulf %get3A_341, %mul3A_342 : vector<16xf32>
          tpu.vector_store_idx %arg12[%broadcast_in_dim3A_334, %iota3A, %broadcast_in_dim3A], %mul3A_343 : memref<26x16x32xf32, #tpu.memory_space<vmem>>[vector<16xi32>, vector<16xi32>, vector<16xi32>], vector<16xf32>,
          %slice3A_344 = vector.extract_strided_slice %gather3A_112 {offsets = [8], sizes = [1], strides = [1]} : vector<16xf32> to vector<1xf32>
          %squeeze3A_345 = vector.extract %slice3A_344[0] : f32 from vector<1xf32>
          %broadcast_in_dim3A_346 = arith.constant 18 : i32
          %broadcast_in_dim3A_347 = vector.broadcast %broadcast_in_dim3A_346 : i32 to vector<16xi32>
          %mul3A_348 = arith.constant 26 : i32
          %mul3A_349 = arith.muli %scan3A_103, %mul3A_348 : i32
          %add3A_350 = arith.constant 18 : i32
          %add3A_351 = arith.addi %mul3A_349, %add3A_350 : i32
          %get3A_352 = arith.index_cast %add3A_351 : i32 to index
          %get3A_353 = arith.constant 0 : index
          %get3A_354 = tpu.vector_load %arg10[%get3A_352, %get3A_353] {strides = array<i32>} : memref<832x16xf32, #tpu.memory_space<vmem>>, vector<16xf32>,
          %mul3A_355 = vector.broadcast %squeeze3A_345 : f32 to vector<16xf32>
          %mul3A_356 = arith.mulf %get3A_354, %mul3A_355 : vector<16xf32>
          tpu.vector_store_idx %arg12[%broadcast_in_dim3A_347, %iota3A, %broadcast_in_dim3A], %mul3A_356 : memref<26x16x32xf32, #tpu.memory_space<vmem>>[vector<16xi32>, vector<16xi32>, vector<16xi32>], vector<16xf32>,
          %slice3A_357 = vector.extract_strided_slice %gather3A_112 {offsets = [9], sizes = [1], strides = [1]} : vector<16xf32> to vector<1xf32>
          %squeeze3A_358 = vector.extract %slice3A_357[0] : f32 from vector<1xf32>
          %broadcast_in_dim3A_359 = arith.constant 19 : i32
          %broadcast_in_dim3A_360 = vector.broadcast %broadcast_in_dim3A_359 : i32 to vector<16xi32>
          %mul3A_361 = arith.constant 26 : i32
          %mul3A_362 = arith.muli %scan3A_103, %mul3A_361 : i32
          %add3A_363 = arith.constant 19 : i32
          %add3A_364 = arith.addi %mul3A_362, %add3A_363 : i32
          %get3A_365 = arith.index_cast %add3A_364 : i32 to index
          %get3A_366 = arith.constant 0 : index
          %get3A_367 = tpu.vector_load %arg10[%get3A_365, %get3A_366] {strides = array<i32>} : memref<832x16xf32, #tpu.memory_space<vmem>>, vector<16xf32>,
          %mul3A_368 = vector.broadcast %squeeze3A_358 : f32 to vector<16xf32>
          %mul3A_369 = arith.mulf %get3A_367, %mul3A_368 : vector<16xf32>
          tpu.vector_store_idx %arg12[%broadcast_in_dim3A_360, %iota3A, %broadcast_in_dim3A], %mul3A_369 : memref<26x16x32xf32, #tpu.memory_space<vmem>>[vector<16xi32>, vector<16xi32>, vector<16xi32>], vector<16xf32>,
          %slice3A_370 = vector.extract_strided_slice %gather3A_112 {offsets = [10], sizes = [1], strides = [1]} : vector<16xf32> to vector<1xf32>
          %squeeze3A_371 = vector.extract %slice3A_370[0] : f32 from vector<1xf32>
          %broadcast_in_dim3A_372 = arith.constant 20 : i32
          %broadcast_in_dim3A_373 = vector.broadcast %broadcast_in_dim3A_372 : i32 to vector<16xi32>
          %mul3A_374 = arith.constant 26 : i32
          %mul3A_375 = arith.muli %scan3A_103, %mul3A_374 : i32
          %add3A_376 = arith.constant 20 : i32
          %add3A_377 = arith.addi %mul3A_375, %add3A_376 : i32
          %get3A_378 = arith.index_cast %add3A_377 : i32 to index
          %get3A_379 = arith.constant 0 : index
          %get3A_380 = tpu.vector_load %arg10[%get3A_378, %get3A_379] {strides = array<i32>} : memref<832x16xf32, #tpu.memory_space<vmem>>, vector<16xf32>,
          %mul3A_381 = vector.broadcast %squeeze3A_371 : f32 to vector<16xf32>
          %mul3A_382 = arith.mulf %get3A_380, %mul3A_381 : vector<16xf32>
          tpu.vector_store_idx %arg12[%broadcast_in_dim3A_373, %iota3A, %broadcast_in_dim3A], %mul3A_382 : memref<26x16x32xf32, #tpu.memory_space<vmem>>[vector<16xi32>, vector<16xi32>, vector<16xi32>], vector<16xf32>,
          %slice3A_383 = vector.extract_strided_slice %gather3A_112 {offsets = [11], sizes = [1], strides = [1]} : vector<16xf32> to vector<1xf32>
          %squeeze3A_384 = vector.extract %slice3A_383[0] : f32 from vector<1xf32>
          %broadcast_in_dim3A_385 = arith.constant 21 : i32
          %broadcast_in_dim3A_386 = vector.broadcast %broadcast_in_dim3A_385 : i32 to vector<16xi32>
          %mul3A_387 = arith.constant 26 : i32
          %mul3A_388 = arith.muli %scan3A_103, %mul3A_387 : i32
          %add3A_389 = arith.constant 21 : i32
          %add3A_390 = arith.addi %mul3A_388, %add3A_389 : i32
          %get3A_391 = arith.index_cast %add3A_390 : i32 to index
          %get3A_392 = arith.constant 0 : index
          %get3A_393 = tpu.vector_load %arg10[%get3A_391, %get3A_392] {strides = array<i32>} : memref<832x16xf32, #tpu.memory_space<vmem>>, vector<16xf32>,
          %mul3A_394 = vector.broadcast %squeeze3A_384 : f32 to vector<16xf32>
          %mul3A_395 = arith.mulf %get3A_393, %mul3A_394 : vector<16xf32>
          tpu.vector_store_idx %arg12[%broadcast_in_dim3A_386, %iota3A, %broadcast_in_dim3A], %mul3A_395 : memref<26x16x32xf32, #tpu.memory_space<vmem>>[vector<16xi32>, vector<16xi32>, vector<16xi32>], vector<16xf32>,
          %slice3A_396 = vector.extract_strided_slice %gather3A_112 {offsets = [12], sizes = [1], strides = [1]} : vector<16xf32> to vector<1xf32>
          %squeeze3A_397 = vector.extract %slice3A_396[0] : f32 from vector<1xf32>
          %broadcast_in_dim3A_398 = arith.constant 22 : i32
          %broadcast_in_dim3A_399 = vector.broadcast %broadcast_in_dim3A_398 : i32 to vector<16xi32>
          %mul3A_400 = arith.constant 26 : i32
          %mul3A_401 = arith.muli %scan3A_103, %mul3A_400 : i32
          %add3A_402 = arith.constant 22 : i32
          %add3A_403 = arith.addi %mul3A_401, %add3A_402 : i32
          %get3A_404 = arith.index_cast %add3A_403 : i32 to index
          %get3A_405 = arith.constant 0 : index
          %get3A_406 = tpu.vector_load %arg10[%get3A_404, %get3A_405] {strides = array<i32>} : memref<832x16xf32, #tpu.memory_space<vmem>>, vector<16xf32>,
          %mul3A_407 = vector.broadcast %squeeze3A_397 : f32 to vector<16xf32>
          %mul3A_408 = arith.mulf %get3A_406, %mul3A_407 : vector<16xf32>
          tpu.vector_store_idx %arg12[%broadcast_in_dim3A_399, %iota3A, %broadcast_in_dim3A], %mul3A_408 : memref<26x16x32xf32, #tpu.memory_space<vmem>>[vector<16xi32>, vector<16xi32>, vector<16xi32>], vector<16xf32>,
          %slice3A_409 = vector.extract_strided_slice %gather3A_112 {offsets = [13], sizes = [1], strides = [1]} : vector<16xf32> to vector<1xf32>
          %squeeze3A_410 = vector.extract %slice3A_409[0] : f32 from vector<1xf32>
          %broadcast_in_dim3A_411 = arith.constant 23 : i32
          %broadcast_in_dim3A_412 = vector.broadcast %broadcast_in_dim3A_411 : i32 to vector<16xi32>
          %mul3A_413 = arith.constant 26 : i32
          %mul3A_414 = arith.muli %scan3A_103, %mul3A_413 : i32
          %add3A_415 = arith.constant 23 : i32
          %add3A_416 = arith.addi %mul3A_414, %add3A_415 : i32
          %get3A_417 = arith.index_cast %add3A_416 : i32 to index
          %get3A_418 = arith.constant 0 : index
          %get3A_419 = tpu.vector_load %arg10[%get3A_417, %get3A_418] {strides = array<i32>} : memref<832x16xf32, #tpu.memory_space<vmem>>, vector<16xf32>,
          %mul3A_420 = vector.broadcast %squeeze3A_410 : f32 to vector<16xf32>
          %mul3A_421 = arith.mulf %get3A_419, %mul3A_420 : vector<16xf32>
          tpu.vector_store_idx %arg12[%broadcast_in_dim3A_412, %iota3A, %broadcast_in_dim3A], %mul3A_421 : memref<26x16x32xf32, #tpu.memory_space<vmem>>[vector<16xi32>, vector<16xi32>, vector<16xi32>], vector<16xf32>,
          %slice3A_422 = vector.extract_strided_slice %gather3A_112 {offsets = [14], sizes = [1], strides = [1]} : vector<16xf32> to vector<1xf32>
          %squeeze3A_423 = vector.extract %slice3A_422[0] : f32 from vector<1xf32>
          %broadcast_in_dim3A_424 = arith.constant 24 : i32
          %broadcast_in_dim3A_425 = vector.broadcast %broadcast_in_dim3A_424 : i32 to vector<16xi32>
          %mul3A_426 = arith.constant 26 : i32
          %mul3A_427 = arith.muli %scan3A_103, %mul3A_426 : i32
          %add3A_428 = arith.constant 24 : i32
          %add3A_429 = arith.addi %mul3A_427, %add3A_428 : i32
          %get3A_430 = arith.index_cast %add3A_429 : i32 to index
          %get3A_431 = arith.constant 0 : index
          %get3A_432 = tpu.vector_load %arg10[%get3A_430, %get3A_431] {strides = array<i32>} : memref<832x16xf32, #tpu.memory_space<vmem>>, vector<16xf32>,
          %mul3A_433 = vector.broadcast %squeeze3A_423 : f32 to vector<16xf32>
          %mul3A_434 = arith.mulf %get3A_432, %mul3A_433 : vector<16xf32>
          tpu.vector_store_idx %arg12[%broadcast_in_dim3A_425, %iota3A, %broadcast_in_dim3A], %mul3A_434 : memref<26x16x32xf32, #tpu.memory_space<vmem>>[vector<16xi32>, vector<16xi32>, vector<16xi32>], vector<16xf32>,
          %slice3A_435 = vector.extract_strided_slice %gather3A_112 {offsets = [15], sizes = [1], strides = [1]} : vector<16xf32> to vector<1xf32>
          %squeeze3A_436 = vector.extract %slice3A_435[0] : f32 from vector<1xf32>
          %broadcast_in_dim3A_437 = arith.constant 25 : i32
          %broadcast_in_dim3A_438 = vector.broadcast %broadcast_in_dim3A_437 : i32 to vector<16xi32>
          %mul3A_439 = arith.constant 26 : i32
          %mul3A_440 = arith.muli %scan3A_103, %mul3A_439 : i32
          %add3A_441 = arith.constant 25 : i32
          %add3A_442 = arith.addi %mul3A_440, %add3A_441 : i32
          %get3A_443 = arith.index_cast %add3A_442 : i32 to index
          %get3A_444 = arith.constant 0 : index
          %get3A_445 = tpu.vector_load %arg10[%get3A_443, %get3A_444] {strides = array<i32>} : memref<832x16xf32, #tpu.memory_space<vmem>>, vector<16xf32>,
          %mul3A_446 = vector.broadcast %squeeze3A_436 : f32 to vector<16xf32>
          %mul3A_447 = arith.mulf %get3A_445, %mul3A_446 : vector<16xf32>
          tpu.vector_store_idx %arg12[%broadcast_in_dim3A_438, %iota3A, %broadcast_in_dim3A], %mul3A_447 : memref<26x16x32xf32, #tpu.memory_space<vmem>>[vector<16xi32>, vector<16xi32>, vector<16xi32>], vector<16xf32>,
        }
        %scan3A_93 = arith.constant 32 : i32
        %mul3A_94 = arith.constant 32 : i32
        %mul3A_95 = arith.muli %scan3A_36, %mul3A_94 : i32
        %add3A_96 = arith.addi %mul3A_2, %mul3A_95 : i32
        %dma_start3A_97 = arith.constant 0 : i32
        %dma_start3A_98 = arith.constant 0 : i32
        %dma_start3A_99 = tpu.memref_slice %arg5[%dma_start3A_97, %dma_start3A_98, %add3A_96] : memref<26x16x16384xf32, #tpu.memory_space<hbm>> -> memref<26x16x32xf32, #tpu.memory_space<hbm>>
        %dma_start3A_100 = arith.constant 0 : i32
        %dma_start3A_101 = arith.constant 0 : i32
        %dma_start3A_102 = tpu.memref_slice %arg5[%dma_start3A_100, %dma_start3A_101, %add3A_96] : memref<26x16x16384xf32, #tpu.memory_space<hbm>> -> memref<26x16x32xf32, #tpu.memory_space<hbm>>
        tpu.enqueue_dma source(%arg12 : memref<26x16x32xf32, #tpu.memory_space<vmem>>) target(%dma_start3A_102 : memref<26x16x32xf32, #tpu.memory_space<hbm>>) target_semaphore(%arg16 : memref<!tpu.dma_semaphore, #tpu.memory_space<semaphore_mem>>)
      } else {
      }
    }
    %scan3A_20 = arith.constant 16 : i32
    %add3A_21 = arith.constant 448 : i32
    %add3A_22 = arith.addi %mul3A_2, %add3A_21 : i32
    %dma_wait3A = arith.constant 0 : i32
    %dma_wait3A_23 = arith.constant 0 : i32
    %dma_wait3A_24 = tpu.memref_slice %arg5[%dma_wait3A, %dma_wait3A_23, %add3A_22] : memref<26x16x16384xf32, #tpu.memory_space<hbm>> -> memref<26x16x32xf32, #tpu.memory_space<hbm>>
    %dma_wait3A_25 = arith.constant 0 : i32
    %dma_wait3A_26 = arith.constant 0 : i32
    %dma_wait3A_27 = tpu.memref_slice %arg5[%dma_wait3A_25, %dma_wait3A_26, %add3A_22] : memref<26x16x16384xf32, #tpu.memory_space<hbm>> -> memref<26x16x32xf32, #tpu.memory_space<hbm>>
    tpu.wait_dma2 semaphore(%arg15 : memref<!tpu.dma_semaphore, #tpu.memory_space<semaphore_mem>>) src(%arg11 : memref<26x16x32xf32, #tpu.memory_space<vmem>>) dst(%dma_wait3A_27 : memref<26x16x32xf32, #tpu.memory_space<hbm>>)
    %add3A_28 = arith.constant 480 : i32
    %add3A_29 = arith.addi %mul3A_2, %add3A_28 : i32
    %dma_wait3A_30 = arith.constant 0 : i32
    %dma_wait3A_31 = arith.constant 0 : i32
    %dma_wait3A_32 = tpu.memref_slice %arg5[%dma_wait3A_30, %dma_wait3A_31, %add3A_29] : memref<26x16x16384xf32, #tpu.memory_space<hbm>> -> memref<26x16x32xf32, #tpu.memory_space<hbm>>
    %dma_wait3A_33 = arith.constant 0 : i32
    %dma_wait3A_34 = arith.constant 0 : i32
    %dma_wait3A_35 = tpu.memref_slice %arg5[%dma_wait3A_33, %dma_wait3A_34, %add3A_29] : memref<26x16x16384xf32, #tpu.memory_space<hbm>> -> memref<26x16x32xf32, #tpu.memory_space<hbm>>
    tpu.wait_dma2 semaphore(%arg16 : memref<!tpu.dma_semaphore, #tpu.memory_space<semaphore_mem>>) src(%arg12 : memref<26x16x32xf32, #tpu.memory_space<vmem>>) dst(%dma_wait3A_35 : memref<26x16x32xf32, #tpu.memory_space<hbm>>)
    return
  }
}

#map = affine_map<(d0, d1) -> (0, 0)>
module attributes {stable_mosaic.version = 14 : i64} {
  func.func @_table_transpose(%arg0: i32, %arg1: i32, %arg2: memref<16x1000000xf32, #tpu.memory_space<hbm>>, %arg3: memref<8x128xf32, #tpu.memory_space<hbm>>, %arg4: memref<125008x128xf32, #tpu.memory_space<hbm>>, %arg5: memref<16x512xf32, #tpu.memory_space<vmem>>, %arg6: memref<16x512xf32, #tpu.memory_space<vmem>>, %arg7: memref<64x128xf32, #tpu.memory_space<vmem>>, %arg8: memref<64x128xf32, #tpu.memory_space<vmem>>, %arg9: memref<!tpu.dma_semaphore, #tpu.memory_space<semaphore_mem>>, %arg10: memref<!tpu.dma_semaphore, #tpu.memory_space<semaphore_mem>>, %arg11: memref<!tpu.dma_semaphore, #tpu.memory_space<semaphore_mem>>, %arg12: memref<!tpu.dma_semaphore, #tpu.memory_space<semaphore_mem>>) attributes {dimension_semantics = [#tpu.dimension_semantics<core_parallel>, #tpu.dimension_semantics<subcore_parallel>], iteration_bounds = array<i64: 2, 16>, scalar_prefetch = 0 : i64, scratch_operands = 8 : i64, tpu.core_type = #tpu.core_type<sc_vector_subcore>, window_params = [{transform_indices = #map}, {transform_indices = #map}, {transform_indices = #map}]} {
    %mul3A = arith.constant 2 : i32
    %mul3A_0 = arith.muli %arg1, %mul3A : i32
    %add3A = arith.addi %mul3A_0, %arg0 : i32
    %mul3A_1 = arith.constant 31232 : i32
    %mul3A_2 = arith.muli %add3A, %mul3A_1 : i32
    %iota3A = tpu.iota {dimensions = array<i32: 0>} : vector<16xi32>
    %eq3A = arith.constant 31 : i32
    %eq3A_3 = arith.cmpi eq, %add3A, %eq3A : i32
    %jit3A = arith.constant 1 : i32
    %jit3A_4 = arith.constant 0 : i32
    %select_n3A = arith.select %eq3A_3, %jit3A, %jit3A_4 : i32
    %add3A_5 = arith.constant 61 : i32
    %add3A_6 = arith.addi %add3A_5, %select_n3A : i32
    %add3A_7 = arith.constant 0 : i32
    %add3A_8 = arith.addi %mul3A_2, %add3A_7 : i32
    %multiple_of3A = tpu.assume_multiple %add3A_8, 64 : i32
    %dma_start3A = arith.constant 0 : i32
    %dma_start3A_9 = tpu.memref_slice %arg2[%dma_start3A, %multiple_of3A] : memref<16x1000000xf32, #tpu.memory_space<hbm>> -> memref<16x512xf32, #tpu.memory_space<hbm>>
    %dma_start3A_10 = arith.constant 0 : i32
    %dma_start3A_11 = tpu.memref_slice %arg2[%dma_start3A_10, %multiple_of3A] : memref<16x1000000xf32, #tpu.memory_space<hbm>> -> memref<16x512xf32, #tpu.memory_space<hbm>>
    tpu.enqueue_dma source(%dma_start3A_11 : memref<16x512xf32, #tpu.memory_space<hbm>>) target(%arg5 : memref<16x512xf32, #tpu.memory_space<vmem>>) target_semaphore(%arg9 : memref<!tpu.dma_semaphore, #tpu.memory_space<semaphore_mem>>)
    %while3A = arith.constant 0 : i32
    %while3A_12 = arith.constant 0 : i32
    %while3A_13 = arith.subi %add3A_6, %while3A_12 : i32
    %while3A_14 = arith.addi %while3A_12, %while3A_13 : i32
    %while3A_15 = arith.constant 1 : i32
    %while3A_16 = arith.divsi %while3A_13, %while3A_15 : i32
    %while3A_17 = arith.muli %while3A_16, %while3A_15 : i32
    %while3A_18 = arith.addi %while3A_12, %while3A_17 : i32
    %while3A_19 = arith.constant 1 : i32
    scf.for %while3A_62 = %while3A_12 to %while3A_18 step %while3A_19  : i32 {
      %add3A_63 = arith.constant 1 : i32
      %add3A_64 = arith.addi %while3A_62, %add3A_63 : i32
      %lt3A_65 = arith.cmpi slt, %add3A_64, %add3A_6 : i32
      %convert_element_type3A_66 = arith.extui %lt3A_65 : i1 to i32
      %cond3A_67 = arith.constant 0 : i32
      %cond3A_68 = arith.cmpi ne, %convert_element_type3A_66, %cond3A_67 : i32
      scf.if %cond3A_68 {
        %jit3A_111 = arith.constant 2 : i32
        %eq3A_112 = arith.constant 0 : i32
        %eq3A_113 = arith.cmpi eq, %jit3A_111, %eq3A_112 : i32
        %jit3A_114 = arith.constant 1 : i32
        %select_n3A_115 = arith.select %eq3A_113, %jit3A_114, %jit3A_111 : i32
        %rem3A_116 = arith.remsi %while3A_62, %select_n3A_115 : i32
        %ne3A_117 = arith.constant 0 : i32
        %ne3A_118 = arith.cmpi ne, %rem3A_116, %ne3A_117 : i32
        %lt3A_119 = arith.constant 0 : i32
        %lt3A_120 = arith.cmpi slt, %rem3A_116, %lt3A_119 : i32
        %lt3A_121 = arith.constant 0 : i32
        %lt3A_122 = arith.cmpi slt, %select_n3A_115, %lt3A_121 : i32
        %ne3A_123 = arith.xori %lt3A_120, %lt3A_122 : i1
        %and3A_124 = arith.andi %ne3A_123, %ne3A_118 : i1
        %add3A_125 = arith.addi %rem3A_116, %select_n3A_115 : i32
        %select_n3A_126 = arith.select %and3A_124, %add3A_125, %rem3A_116 : i32
        %eq3A_127 = arith.constant 0 : i32
        %eq3A_128 = arith.cmpi eq, %select_n3A_126, %eq3A_127 : i32
        %convert_element_type3A_129 = arith.extui %eq3A_128 : i1 to i32
        %cond3A_130 = arith.constant 0 : i32
        %cond3A_131 = arith.cmpi ne, %convert_element_type3A_129, %cond3A_130 : i32
        scf.if %cond3A_131 {
          %add3A_153 = arith.constant 1 : i32
          %add3A_154 = arith.addi %while3A_62, %add3A_153 : i32
          %mul3A_155 = arith.constant 512 : i32
          %mul3A_156 = arith.muli %add3A_154, %mul3A_155 : i32
          %add3A_157 = arith.addi %mul3A_2, %mul3A_156 : i32
          %multiple_of3A_158 = tpu.assume_multiple %add3A_157, 64 : i32
          %dma_start3A_159 = arith.constant 0 : i32
          %dma_start3A_160 = tpu.memref_slice %arg2[%dma_start3A_159, %multiple_of3A_158] : memref<16x1000000xf32, #tpu.memory_space<hbm>> -> memref<16x512xf32, #tpu.memory_space<hbm>>
          %dma_start3A_161 = arith.constant 0 : i32
          %dma_start3A_162 = tpu.memref_slice %arg2[%dma_start3A_161, %multiple_of3A_158] : memref<16x1000000xf32, #tpu.memory_space<hbm>> -> memref<16x512xf32, #tpu.memory_space<hbm>>
          tpu.enqueue_dma source(%dma_start3A_162 : memref<16x512xf32, #tpu.memory_space<hbm>>) target(%arg6 : memref<16x512xf32, #tpu.memory_space<vmem>>) target_semaphore(%arg10 : memref<!tpu.dma_semaphore, #tpu.memory_space<semaphore_mem>>)
        } else {
        }
        %jit3A_132 = arith.constant 2 : i32
        %eq3A_133 = arith.constant 0 : i32
        %eq3A_134 = arith.cmpi eq, %jit3A_132, %eq3A_133 : i32
        %jit3A_135 = arith.constant 1 : i32
        %select_n3A_136 = arith.select %eq3A_134, %jit3A_135, %jit3A_132 : i32
        %rem3A_137 = arith.remsi %while3A_62, %select_n3A_136 : i32
        %ne3A_138 = arith.constant 0 : i32
        %ne3A_139 = arith.cmpi ne, %rem3A_137, %ne3A_138 : i32
        %lt3A_140 = arith.constant 0 : i32
        %lt3A_141 = arith.cmpi slt, %rem3A_137, %lt3A_140 : i32
        %lt3A_142 = arith.constant 0 : i32
        %lt3A_143 = arith.cmpi slt, %select_n3A_136, %lt3A_142 : i32
        %ne3A_144 = arith.xori %lt3A_141, %lt3A_143 : i1
        %and3A_145 = arith.andi %ne3A_144, %ne3A_139 : i1
        %add3A_146 = arith.addi %rem3A_137, %select_n3A_136 : i32
        %select_n3A_147 = arith.select %and3A_145, %add3A_146, %rem3A_137 : i32
        %eq3A_148 = arith.constant 1 : i32
        %eq3A_149 = arith.cmpi eq, %select_n3A_147, %eq3A_148 : i32
        %convert_element_type3A_150 = arith.extui %eq3A_149 : i1 to i32
        %cond3A_151 = arith.constant 0 : i32
        %cond3A_152 = arith.cmpi ne, %convert_element_type3A_150, %cond3A_151 : i32
        scf.if %cond3A_152 {
          %add3A_153 = arith.constant 1 : i32
          %add3A_154 = arith.addi %while3A_62, %add3A_153 : i32
          %mul3A_155 = arith.constant 512 : i32
          %mul3A_156 = arith.muli %add3A_154, %mul3A_155 : i32
          %add3A_157 = arith.addi %mul3A_2, %mul3A_156 : i32
          %multiple_of3A_158 = tpu.assume_multiple %add3A_157, 64 : i32
          %dma_start3A_159 = arith.constant 0 : i32
          %dma_start3A_160 = tpu.memref_slice %arg2[%dma_start3A_159, %multiple_of3A_158] : memref<16x1000000xf32, #tpu.memory_space<hbm>> -> memref<16x512xf32, #tpu.memory_space<hbm>>
          %dma_start3A_161 = arith.constant 0 : i32
          %dma_start3A_162 = tpu.memref_slice %arg2[%dma_start3A_161, %multiple_of3A_158] : memref<16x1000000xf32, #tpu.memory_space<hbm>> -> memref<16x512xf32, #tpu.memory_space<hbm>>
          tpu.enqueue_dma source(%dma_start3A_162 : memref<16x512xf32, #tpu.memory_space<hbm>>) target(%arg5 : memref<16x512xf32, #tpu.memory_space<vmem>>) target_semaphore(%arg9 : memref<!tpu.dma_semaphore, #tpu.memory_space<semaphore_mem>>)
        } else {
        }
      } else {
      }
      %jit3A_69 = arith.constant 2 : i32
      %eq3A_70 = arith.constant 0 : i32
      %eq3A_71 = arith.cmpi eq, %jit3A_69, %eq3A_70 : i32
      %jit3A_72 = arith.constant 1 : i32
      %select_n3A_73 = arith.select %eq3A_71, %jit3A_72, %jit3A_69 : i32
      %rem3A_74 = arith.remsi %while3A_62, %select_n3A_73 : i32
      %ne3A_75 = arith.constant 0 : i32
      %ne3A_76 = arith.cmpi ne, %rem3A_74, %ne3A_75 : i32
      %lt3A_77 = arith.constant 0 : i32
      %lt3A_78 = arith.cmpi slt, %rem3A_74, %lt3A_77 : i32
      %lt3A_79 = arith.constant 0 : i32
      %lt3A_80 = arith.cmpi slt, %select_n3A_73, %lt3A_79 : i32
      %ne3A_81 = arith.xori %lt3A_78, %lt3A_80 : i1
      %and3A_82 = arith.andi %ne3A_81, %ne3A_76 : i1
      %add3A_83 = arith.addi %rem3A_74, %select_n3A_73 : i32
      %select_n3A_84 = arith.select %and3A_82, %add3A_83, %rem3A_74 : i32
      %eq3A_85 = arith.constant 0 : i32
      %eq3A_86 = arith.cmpi eq, %select_n3A_84, %eq3A_85 : i32
      %convert_element_type3A_87 = arith.extui %eq3A_86 : i1 to i32
      %cond3A_88 = arith.constant 0 : i32
      %cond3A_89 = arith.cmpi ne, %convert_element_type3A_87, %cond3A_88 : i32
      scf.if %cond3A_89 {
        %mul3A_111 = arith.constant 512 : i32
        %mul3A_112 = arith.muli %while3A_62, %mul3A_111 : i32
        %add3A_113 = arith.addi %mul3A_2, %mul3A_112 : i32
        %multiple_of3A_114 = tpu.assume_multiple %add3A_113, 64 : i32
        %dma_wait3A = arith.constant 0 : i32
        %dma_wait3A_115 = tpu.memref_slice %arg2[%dma_wait3A, %multiple_of3A_114] : memref<16x1000000xf32, #tpu.memory_space<hbm>> -> memref<16x512xf32, #tpu.memory_space<hbm>>
        %dma_wait3A_116 = arith.constant 0 : i32
        %dma_wait3A_117 = tpu.memref_slice %arg2[%dma_wait3A_116, %multiple_of3A_114] : memref<16x1000000xf32, #tpu.memory_space<hbm>> -> memref<16x512xf32, #tpu.memory_space<hbm>>
        tpu.wait_dma2 semaphore(%arg9 : memref<!tpu.dma_semaphore, #tpu.memory_space<semaphore_mem>>) src(%dma_wait3A_117 : memref<16x512xf32, #tpu.memory_space<hbm>>) dst(%arg5 : memref<16x512xf32, #tpu.memory_space<vmem>>)
        %ge3A = arith.constant 2 : i32
        %ge3A_118 = arith.cmpi sge, %while3A_62, %ge3A : i32
        %convert_element_type3A_119 = arith.extui %ge3A_118 : i1 to i32
        %cond3A_120 = arith.constant 0 : i32
        %cond3A_121 = arith.cmpi ne, %convert_element_type3A_119, %cond3A_120 : i32
        scf.if %cond3A_121 {
          %sub3A_158 = arith.constant 2 : i32
          %sub3A_159 = arith.subi %while3A_62, %sub3A_158 : i32
          %mul3A_160 = arith.constant 512 : i32
          %mul3A_161 = arith.muli %sub3A_159, %mul3A_160 : i32
          %add3A_162 = arith.addi %mul3A_2, %mul3A_161 : i32
          %mul3A_163 = arith.constant 16 : i32
          %mul3A_164 = arith.muli %add3A_162, %mul3A_163 : i32
          %jit3A_165 = arith.constant 128 : i32
          %div3A_166 = arith.divsi %mul3A_164, %jit3A_165 : i32
          %sign3A_167 = arith.constant 0 : i32
          %sign3A_168 = arith.cmpi sgt, %mul3A_164, %sign3A_167 : i32
          %sign3A_169 = arith.extui %sign3A_168 : i1 to i32
          %sign3A_170 = arith.constant 0 : i32
          %sign3A_171 = arith.cmpi slt, %mul3A_164, %sign3A_170 : i32
          %sign3A_172 = arith.extui %sign3A_171 : i1 to i32
          %sign3A_173 = arith.subi %sign3A_169, %sign3A_172 : i32
          %sign3A_174 = arith.constant 0 : i32
          %sign3A_175 = arith.cmpi sgt, %jit3A_165, %sign3A_174 : i32
          %sign3A_176 = arith.extui %sign3A_175 : i1 to i32
          %sign3A_177 = arith.constant 0 : i32
          %sign3A_178 = arith.cmpi slt, %jit3A_165, %sign3A_177 : i32
          %sign3A_179 = arith.extui %sign3A_178 : i1 to i32
          %sign3A_180 = arith.subi %sign3A_176, %sign3A_179 : i32
          %ne3A_181 = arith.cmpi ne, %sign3A_173, %sign3A_180 : i32
          %rem3A_182 = arith.remsi %mul3A_164, %jit3A_165 : i32
          %ne3A_183 = arith.constant 0 : i32
          %ne3A_184 = arith.cmpi ne, %rem3A_182, %ne3A_183 : i32
          %and3A_185 = arith.andi %ne3A_181, %ne3A_184 : i1
          %sub3A_186 = arith.constant 1 : i32
          %sub3A_187 = arith.subi %div3A_166, %sub3A_186 : i32
          %select_n3A_188 = arith.select %and3A_185, %sub3A_187, %div3A_166 : i32
          %multiple_of3A_189 = tpu.assume_multiple %select_n3A_188, 8 : i32
          %dma_wait3A_190 = arith.constant 0 : i32
          %dma_wait3A_191 = tpu.memref_slice %arg4[%multiple_of3A_189, %dma_wait3A_190] : memref<125008x128xf32, #tpu.memory_space<hbm>> -> memref<64x128xf32, #tpu.memory_space<hbm>>
          %dma_wait3A_192 = arith.constant 0 : i32
          %dma_wait3A_193 = tpu.memref_slice %arg4[%multiple_of3A_189, %dma_wait3A_192] : memref<125008x128xf32, #tpu.memory_space<hbm>> -> memref<64x128xf32, #tpu.memory_space<hbm>>
          tpu.wait_dma2 semaphore(%arg11 : memref<!tpu.dma_semaphore, #tpu.memory_space<semaphore_mem>>) src(%arg7 : memref<64x128xf32, #tpu.memory_space<vmem>>) dst(%dma_wait3A_193 : memref<64x128xf32, #tpu.memory_space<hbm>>)
        } else {
        }
        %scan3A = arith.constant 0 : i32
        %scan3A_122 = arith.constant 0 : i32
        %scan3A_123 = arith.constant 32 : i32
        %scan3A_124 = arith.addi %scan3A_122, %scan3A_123 : i32
        %scan3A_125 = arith.constant 1 : i32
        scf.for %scan3A_158 = %scan3A_122 to %scan3A_124 step %scan3A_125  : i32 {
          %mul3A_159 = arith.constant 16 : i32
          %mul3A_160 = arith.muli %scan3A_158, %mul3A_159 : i32
          %add3A_161 = vector.broadcast %mul3A_160 : i32 to vector<16xi32>
          %add3A_162 = arith.addi %add3A_161, %iota3A : vector<16xi32>
          %shift_right_arithmetic3A = arith.constant 3 : i32
          %shift_right_arithmetic3A_163 = vector.broadcast %shift_right_arithmetic3A : i32 to vector<16xi32>
          %shift_right_arithmetic3A_164 = arith.shrsi %add3A_162, %shift_right_arithmetic3A_163 : vector<16xi32>
          %add3A_165 = vector.broadcast %mul3A_160 : i32 to vector<16xi32>
          %add3A_166 = arith.addi %add3A_165, %iota3A : vector<16xi32>
          %and3A_167 = arith.constant 7 : i32
          %and3A_168 = vector.broadcast %and3A_167 : i32 to vector<16xi32>
          %and3A_169 = arith.andi %add3A_166, %and3A_168 : vector<16xi32>
          %mul3A_170 = arith.constant 16 : i32
          %mul3A_171 = vector.broadcast %mul3A_170 : i32 to vector<16xi32>
          %mul3A_172 = arith.muli %and3A_169, %mul3A_171 : vector<16xi32>
          %add3A_173 = arith.constant 0 : i32
          %add3A_174 = vector.broadcast %add3A_173 : i32 to vector<16xi32>
          %add3A_175 = arith.addi %mul3A_172, %add3A_174 : vector<16xi32>
          %get3A = arith.constant 0 : i32
          %get3A_176 = arith.index_cast %get3A : i32 to index
          %get3A_177 = arith.index_cast %mul3A_160 : i32 to index
          %get3A_178 = tpu.vector_load %arg5[%get3A_176, %get3A_177] {strides = array<i32>} : memref<16x512xf32, #tpu.memory_space<vmem>>, vector<16xf32>,
          tpu.vector_store_idx %arg7[%shift_right_arithmetic3A_164, %add3A_175], %get3A_178 : memref<64x128xf32, #tpu.memory_space<vmem>>[vector<16xi32>, vector<16xi32>], vector<16xf32>,
          %add3A_179 = arith.constant 1 : i32
          %add3A_180 = vector.broadcast %add3A_179 : i32 to vector<16xi32>
          %add3A_181 = arith.addi %mul3A_172, %add3A_180 : vector<16xi32>
          %get3A_182 = arith.constant 1 : i32
          %get3A_183 = arith.index_cast %get3A_182 : i32 to index
          %get3A_184 = arith.index_cast %mul3A_160 : i32 to index
          %get3A_185 = tpu.vector_load %arg5[%get3A_183, %get3A_184] {strides = array<i32>} : memref<16x512xf32, #tpu.memory_space<vmem>>, vector<16xf32>,
          tpu.vector_store_idx %arg7[%shift_right_arithmetic3A_164, %add3A_181], %get3A_185 : memref<64x128xf32, #tpu.memory_space<vmem>>[vector<16xi32>, vector<16xi32>], vector<16xf32>,
          %add3A_186 = arith.constant 2 : i32
          %add3A_187 = vector.broadcast %add3A_186 : i32 to vector<16xi32>
          %add3A_188 = arith.addi %mul3A_172, %add3A_187 : vector<16xi32>
          %get3A_189 = arith.constant 2 : i32
          %get3A_190 = arith.index_cast %get3A_189 : i32 to index
          %get3A_191 = arith.index_cast %mul3A_160 : i32 to index
          %get3A_192 = tpu.vector_load %arg5[%get3A_190, %get3A_191] {strides = array<i32>} : memref<16x512xf32, #tpu.memory_space<vmem>>, vector<16xf32>,
          tpu.vector_store_idx %arg7[%shift_right_arithmetic3A_164, %add3A_188], %get3A_192 : memref<64x128xf32, #tpu.memory_space<vmem>>[vector<16xi32>, vector<16xi32>], vector<16xf32>,
          %add3A_193 = arith.constant 3 : i32
          %add3A_194 = vector.broadcast %add3A_193 : i32 to vector<16xi32>
          %add3A_195 = arith.addi %mul3A_172, %add3A_194 : vector<16xi32>
          %get3A_196 = arith.constant 3 : i32
          %get3A_197 = arith.index_cast %get3A_196 : i32 to index
          %get3A_198 = arith.index_cast %mul3A_160 : i32 to index
          %get3A_199 = tpu.vector_load %arg5[%get3A_197, %get3A_198] {strides = array<i32>} : memref<16x512xf32, #tpu.memory_space<vmem>>, vector<16xf32>,
          tpu.vector_store_idx %arg7[%shift_right_arithmetic3A_164, %add3A_195], %get3A_199 : memref<64x128xf32, #tpu.memory_space<vmem>>[vector<16xi32>, vector<16xi32>], vector<16xf32>,
          %add3A_200 = arith.constant 4 : i32
          %add3A_201 = vector.broadcast %add3A_200 : i32 to vector<16xi32>
          %add3A_202 = arith.addi %mul3A_172, %add3A_201 : vector<16xi32>
          %get3A_203 = arith.constant 4 : i32
          %get3A_204 = arith.index_cast %get3A_203 : i32 to index
          %get3A_205 = arith.index_cast %mul3A_160 : i32 to index
          %get3A_206 = tpu.vector_load %arg5[%get3A_204, %get3A_205] {strides = array<i32>} : memref<16x512xf32, #tpu.memory_space<vmem>>, vector<16xf32>,
          tpu.vector_store_idx %arg7[%shift_right_arithmetic3A_164, %add3A_202], %get3A_206 : memref<64x128xf32, #tpu.memory_space<vmem>>[vector<16xi32>, vector<16xi32>], vector<16xf32>,
          %add3A_207 = arith.constant 5 : i32
          %add3A_208 = vector.broadcast %add3A_207 : i32 to vector<16xi32>
          %add3A_209 = arith.addi %mul3A_172, %add3A_208 : vector<16xi32>
          %get3A_210 = arith.constant 5 : i32
          %get3A_211 = arith.index_cast %get3A_210 : i32 to index
          %get3A_212 = arith.index_cast %mul3A_160 : i32 to index
          %get3A_213 = tpu.vector_load %arg5[%get3A_211, %get3A_212] {strides = array<i32>} : memref<16x512xf32, #tpu.memory_space<vmem>>, vector<16xf32>,
          tpu.vector_store_idx %arg7[%shift_right_arithmetic3A_164, %add3A_209], %get3A_213 : memref<64x128xf32, #tpu.memory_space<vmem>>[vector<16xi32>, vector<16xi32>], vector<16xf32>,
          %add3A_214 = arith.constant 6 : i32
          %add3A_215 = vector.broadcast %add3A_214 : i32 to vector<16xi32>
          %add3A_216 = arith.addi %mul3A_172, %add3A_215 : vector<16xi32>
          %get3A_217 = arith.constant 6 : i32
          %get3A_218 = arith.index_cast %get3A_217 : i32 to index
          %get3A_219 = arith.index_cast %mul3A_160 : i32 to index
          %get3A_220 = tpu.vector_load %arg5[%get3A_218, %get3A_219] {strides = array<i32>} : memref<16x512xf32, #tpu.memory_space<vmem>>, vector<16xf32>,
          tpu.vector_store_idx %arg7[%shift_right_arithmetic3A_164, %add3A_216], %get3A_220 : memref<64x128xf32, #tpu.memory_space<vmem>>[vector<16xi32>, vector<16xi32>], vector<16xf32>,
          %add3A_221 = arith.constant 7 : i32
          %add3A_222 = vector.broadcast %add3A_221 : i32 to vector<16xi32>
          %add3A_223 = arith.addi %mul3A_172, %add3A_222 : vector<16xi32>
          %get3A_224 = arith.constant 7 : i32
          %get3A_225 = arith.index_cast %get3A_224 : i32 to index
          %get3A_226 = arith.index_cast %mul3A_160 : i32 to index
          %get3A_227 = tpu.vector_load %arg5[%get3A_225, %get3A_226] {strides = array<i32>} : memref<16x512xf32, #tpu.memory_space<vmem>>, vector<16xf32>,
          tpu.vector_store_idx %arg7[%shift_right_arithmetic3A_164, %add3A_223], %get3A_227 : memref<64x128xf32, #tpu.memory_space<vmem>>[vector<16xi32>, vector<16xi32>], vector<16xf32>,
          %add3A_228 = arith.constant 8 : i32
          %add3A_229 = vector.broadcast %add3A_228 : i32 to vector<16xi32>
          %add3A_230 = arith.addi %mul3A_172, %add3A_229 : vector<16xi32>
          %get3A_231 = arith.constant 8 : i32
          %get3A_232 = arith.index_cast %get3A_231 : i32 to index
          %get3A_233 = arith.index_cast %mul3A_160 : i32 to index
          %get3A_234 = tpu.vector_load %arg5[%get3A_232, %get3A_233] {strides = array<i32>} : memref<16x512xf32, #tpu.memory_space<vmem>>, vector<16xf32>,
          tpu.vector_store_idx %arg7[%shift_right_arithmetic3A_164, %add3A_230], %get3A_234 : memref<64x128xf32, #tpu.memory_space<vmem>>[vector<16xi32>, vector<16xi32>], vector<16xf32>,
          %add3A_235 = arith.constant 9 : i32
          %add3A_236 = vector.broadcast %add3A_235 : i32 to vector<16xi32>
          %add3A_237 = arith.addi %mul3A_172, %add3A_236 : vector<16xi32>
          %get3A_238 = arith.constant 9 : i32
          %get3A_239 = arith.index_cast %get3A_238 : i32 to index
          %get3A_240 = arith.index_cast %mul3A_160 : i32 to index
          %get3A_241 = tpu.vector_load %arg5[%get3A_239, %get3A_240] {strides = array<i32>} : memref<16x512xf32, #tpu.memory_space<vmem>>, vector<16xf32>,
          tpu.vector_store_idx %arg7[%shift_right_arithmetic3A_164, %add3A_237], %get3A_241 : memref<64x128xf32, #tpu.memory_space<vmem>>[vector<16xi32>, vector<16xi32>], vector<16xf32>,
          %add3A_242 = arith.constant 10 : i32
          %add3A_243 = vector.broadcast %add3A_242 : i32 to vector<16xi32>
          %add3A_244 = arith.addi %mul3A_172, %add3A_243 : vector<16xi32>
          %get3A_245 = arith.constant 10 : i32
          %get3A_246 = arith.index_cast %get3A_245 : i32 to index
          %get3A_247 = arith.index_cast %mul3A_160 : i32 to index
          %get3A_248 = tpu.vector_load %arg5[%get3A_246, %get3A_247] {strides = array<i32>} : memref<16x512xf32, #tpu.memory_space<vmem>>, vector<16xf32>,
          tpu.vector_store_idx %arg7[%shift_right_arithmetic3A_164, %add3A_244], %get3A_248 : memref<64x128xf32, #tpu.memory_space<vmem>>[vector<16xi32>, vector<16xi32>], vector<16xf32>,
          %add3A_249 = arith.constant 11 : i32
          %add3A_250 = vector.broadcast %add3A_249 : i32 to vector<16xi32>
          %add3A_251 = arith.addi %mul3A_172, %add3A_250 : vector<16xi32>
          %get3A_252 = arith.constant 11 : i32
          %get3A_253 = arith.index_cast %get3A_252 : i32 to index
          %get3A_254 = arith.index_cast %mul3A_160 : i32 to index
          %get3A_255 = tpu.vector_load %arg5[%get3A_253, %get3A_254] {strides = array<i32>} : memref<16x512xf32, #tpu.memory_space<vmem>>, vector<16xf32>,
          tpu.vector_store_idx %arg7[%shift_right_arithmetic3A_164, %add3A_251], %get3A_255 : memref<64x128xf32, #tpu.memory_space<vmem>>[vector<16xi32>, vector<16xi32>], vector<16xf32>,
          %add3A_256 = arith.constant 12 : i32
          %add3A_257 = vector.broadcast %add3A_256 : i32 to vector<16xi32>
          %add3A_258 = arith.addi %mul3A_172, %add3A_257 : vector<16xi32>
          %get3A_259 = arith.constant 12 : i32
          %get3A_260 = arith.index_cast %get3A_259 : i32 to index
          %get3A_261 = arith.index_cast %mul3A_160 : i32 to index
          %get3A_262 = tpu.vector_load %arg5[%get3A_260, %get3A_261] {strides = array<i32>} : memref<16x512xf32, #tpu.memory_space<vmem>>, vector<16xf32>,
          tpu.vector_store_idx %arg7[%shift_right_arithmetic3A_164, %add3A_258], %get3A_262 : memref<64x128xf32, #tpu.memory_space<vmem>>[vector<16xi32>, vector<16xi32>], vector<16xf32>,
          %add3A_263 = arith.constant 13 : i32
          %add3A_264 = vector.broadcast %add3A_263 : i32 to vector<16xi32>
          %add3A_265 = arith.addi %mul3A_172, %add3A_264 : vector<16xi32>
          %get3A_266 = arith.constant 13 : i32
          %get3A_267 = arith.index_cast %get3A_266 : i32 to index
          %get3A_268 = arith.index_cast %mul3A_160 : i32 to index
          %get3A_269 = tpu.vector_load %arg5[%get3A_267, %get3A_268] {strides = array<i32>} : memref<16x512xf32, #tpu.memory_space<vmem>>, vector<16xf32>,
          tpu.vector_store_idx %arg7[%shift_right_arithmetic3A_164, %add3A_265], %get3A_269 : memref<64x128xf32, #tpu.memory_space<vmem>>[vector<16xi32>, vector<16xi32>], vector<16xf32>,
          %add3A_270 = arith.constant 14 : i32
          %add3A_271 = vector.broadcast %add3A_270 : i32 to vector<16xi32>
          %add3A_272 = arith.addi %mul3A_172, %add3A_271 : vector<16xi32>
          %get3A_273 = arith.constant 14 : i32
          %get3A_274 = arith.index_cast %get3A_273 : i32 to index
          %get3A_275 = arith.index_cast %mul3A_160 : i32 to index
          %get3A_276 = tpu.vector_load %arg5[%get3A_274, %get3A_275] {strides = array<i32>} : memref<16x512xf32, #tpu.memory_space<vmem>>, vector<16xf32>,
          tpu.vector_store_idx %arg7[%shift_right_arithmetic3A_164, %add3A_272], %get3A_276 : memref<64x128xf32, #tpu.memory_space<vmem>>[vector<16xi32>, vector<16xi32>], vector<16xf32>,
          %add3A_277 = arith.constant 15 : i32
          %add3A_278 = vector.broadcast %add3A_277 : i32 to vector<16xi32>
          %add3A_279 = arith.addi %mul3A_172, %add3A_278 : vector<16xi32>
          %get3A_280 = arith.constant 15 : i32
          %get3A_281 = arith.index_cast %get3A_280 : i32 to index
          %get3A_282 = arith.index_cast %mul3A_160 : i32 to index
          %get3A_283 = tpu.vector_load %arg5[%get3A_281, %get3A_282] {strides = array<i32>} : memref<16x512xf32, #tpu.memory_space<vmem>>, vector<16xf32>,
          tpu.vector_store_idx %arg7[%shift_right_arithmetic3A_164, %add3A_279], %get3A_283 : memref<64x128xf32, #tpu.memory_space<vmem>>[vector<16xi32>, vector<16xi32>], vector<16xf32>,
        }
        %scan3A_126 = arith.constant 32 : i32
        %mul3A_127 = arith.constant 512 : i32
        %mul3A_128 = arith.muli %while3A_62, %mul3A_127 : i32
        %add3A_129 = arith.addi %mul3A_2, %mul3A_128 : i32
        %mul3A_130 = arith.constant 16 : i32
        %mul3A_131 = arith.muli %add3A_129, %mul3A_130 : i32
        %jit3A_132 = arith.constant 128 : i32
        %div3A = arith.divsi %mul3A_131, %jit3A_132 : i32
        %sign3A = arith.constant 0 : i32
        %sign3A_133 = arith.cmpi sgt, %mul3A_131, %sign3A : i32
        %sign3A_134 = arith.extui %sign3A_133 : i1 to i32
        %sign3A_135 = arith.constant 0 : i32
        %sign3A_136 = arith.cmpi slt, %mul3A_131, %sign3A_135 : i32
        %sign3A_137 = arith.extui %sign3A_136 : i1 to i32
        %sign3A_138 = arith.subi %sign3A_134, %sign3A_137 : i32
        %sign3A_139 = arith.constant 0 : i32
        %sign3A_140 = arith.cmpi sgt, %jit3A_132, %sign3A_139 : i32
        %sign3A_141 = arith.extui %sign3A_140 : i1 to i32
        %sign3A_142 = arith.constant 0 : i32
        %sign3A_143 = arith.cmpi slt, %jit3A_132, %sign3A_142 : i32
        %sign3A_144 = arith.extui %sign3A_143 : i1 to i32
        %sign3A_145 = arith.subi %sign3A_141, %sign3A_144 : i32
        %ne3A_146 = arith.cmpi ne, %sign3A_138, %sign3A_145 : i32
        %rem3A_147 = arith.remsi %mul3A_131, %jit3A_132 : i32
        %ne3A_148 = arith.constant 0 : i32
        %ne3A_149 = arith.cmpi ne, %rem3A_147, %ne3A_148 : i32
        %and3A_150 = arith.andi %ne3A_146, %ne3A_149 : i1
        %sub3A = arith.constant 1 : i32
        %sub3A_151 = arith.subi %div3A, %sub3A : i32
        %select_n3A_152 = arith.select %and3A_150, %sub3A_151, %div3A : i32
        %multiple_of3A_153 = tpu.assume_multiple %select_n3A_152, 8 : i32
        %dma_start3A_154 = arith.constant 0 : i32
        %dma_start3A_155 = tpu.memref_slice %arg4[%multiple_of3A_153, %dma_start3A_154] : memref<125008x128xf32, #tpu.memory_space<hbm>> -> memref<64x128xf32, #tpu.memory_space<hbm>>
        %dma_start3A_156 = arith.constant 0 : i32
        %dma_start3A_157 = tpu.memref_slice %arg4[%multiple_of3A_153, %dma_start3A_156] : memref<125008x128xf32, #tpu.memory_space<hbm>> -> memref<64x128xf32, #tpu.memory_space<hbm>>
        tpu.enqueue_dma source(%arg7 : memref<64x128xf32, #tpu.memory_space<vmem>>) target(%dma_start3A_157 : memref<64x128xf32, #tpu.memory_space<hbm>>) target_semaphore(%arg11 : memref<!tpu.dma_semaphore, #tpu.memory_space<semaphore_mem>>)
      } else {
      }
      %jit3A_90 = arith.constant 2 : i32
      %eq3A_91 = arith.constant 0 : i32
      %eq3A_92 = arith.cmpi eq, %jit3A_90, %eq3A_91 : i32
      %jit3A_93 = arith.constant 1 : i32
      %select_n3A_94 = arith.select %eq3A_92, %jit3A_93, %jit3A_90 : i32
      %rem3A_95 = arith.remsi %while3A_62, %select_n3A_94 : i32
      %ne3A_96 = arith.constant 0 : i32
      %ne3A_97 = arith.cmpi ne, %rem3A_95, %ne3A_96 : i32
      %lt3A_98 = arith.constant 0 : i32
      %lt3A_99 = arith.cmpi slt, %rem3A_95, %lt3A_98 : i32
      %lt3A_100 = arith.constant 0 : i32
      %lt3A_101 = arith.cmpi slt, %select_n3A_94, %lt3A_100 : i32
      %ne3A_102 = arith.xori %lt3A_99, %lt3A_101 : i1
      %and3A_103 = arith.andi %ne3A_102, %ne3A_97 : i1
      %add3A_104 = arith.addi %rem3A_95, %select_n3A_94 : i32
      %select_n3A_105 = arith.select %and3A_103, %add3A_104, %rem3A_95 : i32
      %eq3A_106 = arith.constant 1 : i32
      %eq3A_107 = arith.cmpi eq, %select_n3A_105, %eq3A_106 : i32
      %convert_element_type3A_108 = arith.extui %eq3A_107 : i1 to i32
      %cond3A_109 = arith.constant 0 : i32
      %cond3A_110 = arith.cmpi ne, %convert_element_type3A_108, %cond3A_109 : i32
      scf.if %cond3A_110 {
        %mul3A_111 = arith.constant 512 : i32
        %mul3A_112 = arith.muli %while3A_62, %mul3A_111 : i32
        %add3A_113 = arith.addi %mul3A_2, %mul3A_112 : i32
        %multiple_of3A_114 = tpu.assume_multiple %add3A_113, 64 : i32
        %dma_wait3A = arith.constant 0 : i32
        %dma_wait3A_115 = tpu.memref_slice %arg2[%dma_wait3A, %multiple_of3A_114] : memref<16x1000000xf32, #tpu.memory_space<hbm>> -> memref<16x512xf32, #tpu.memory_space<hbm>>
        %dma_wait3A_116 = arith.constant 0 : i32
        %dma_wait3A_117 = tpu.memref_slice %arg2[%dma_wait3A_116, %multiple_of3A_114] : memref<16x1000000xf32, #tpu.memory_space<hbm>> -> memref<16x512xf32, #tpu.memory_space<hbm>>
        tpu.wait_dma2 semaphore(%arg10 : memref<!tpu.dma_semaphore, #tpu.memory_space<semaphore_mem>>) src(%dma_wait3A_117 : memref<16x512xf32, #tpu.memory_space<hbm>>) dst(%arg6 : memref<16x512xf32, #tpu.memory_space<vmem>>)
        %ge3A = arith.constant 2 : i32
        %ge3A_118 = arith.cmpi sge, %while3A_62, %ge3A : i32
        %convert_element_type3A_119 = arith.extui %ge3A_118 : i1 to i32
        %cond3A_120 = arith.constant 0 : i32
        %cond3A_121 = arith.cmpi ne, %convert_element_type3A_119, %cond3A_120 : i32
        scf.if %cond3A_121 {
          %sub3A_158 = arith.constant 2 : i32
          %sub3A_159 = arith.subi %while3A_62, %sub3A_158 : i32
          %mul3A_160 = arith.constant 512 : i32
          %mul3A_161 = arith.muli %sub3A_159, %mul3A_160 : i32
          %add3A_162 = arith.addi %mul3A_2, %mul3A_161 : i32
          %mul3A_163 = arith.constant 16 : i32
          %mul3A_164 = arith.muli %add3A_162, %mul3A_163 : i32
          %jit3A_165 = arith.constant 128 : i32
          %div3A_166 = arith.divsi %mul3A_164, %jit3A_165 : i32
          %sign3A_167 = arith.constant 0 : i32
          %sign3A_168 = arith.cmpi sgt, %mul3A_164, %sign3A_167 : i32
          %sign3A_169 = arith.extui %sign3A_168 : i1 to i32
          %sign3A_170 = arith.constant 0 : i32
          %sign3A_171 = arith.cmpi slt, %mul3A_164, %sign3A_170 : i32
          %sign3A_172 = arith.extui %sign3A_171 : i1 to i32
          %sign3A_173 = arith.subi %sign3A_169, %sign3A_172 : i32
          %sign3A_174 = arith.constant 0 : i32
          %sign3A_175 = arith.cmpi sgt, %jit3A_165, %sign3A_174 : i32
          %sign3A_176 = arith.extui %sign3A_175 : i1 to i32
          %sign3A_177 = arith.constant 0 : i32
          %sign3A_178 = arith.cmpi slt, %jit3A_165, %sign3A_177 : i32
          %sign3A_179 = arith.extui %sign3A_178 : i1 to i32
          %sign3A_180 = arith.subi %sign3A_176, %sign3A_179 : i32
          %ne3A_181 = arith.cmpi ne, %sign3A_173, %sign3A_180 : i32
          %rem3A_182 = arith.remsi %mul3A_164, %jit3A_165 : i32
          %ne3A_183 = arith.constant 0 : i32
          %ne3A_184 = arith.cmpi ne, %rem3A_182, %ne3A_183 : i32
          %and3A_185 = arith.andi %ne3A_181, %ne3A_184 : i1
          %sub3A_186 = arith.constant 1 : i32
          %sub3A_187 = arith.subi %div3A_166, %sub3A_186 : i32
          %select_n3A_188 = arith.select %and3A_185, %sub3A_187, %div3A_166 : i32
          %multiple_of3A_189 = tpu.assume_multiple %select_n3A_188, 8 : i32
          %dma_wait3A_190 = arith.constant 0 : i32
          %dma_wait3A_191 = tpu.memref_slice %arg4[%multiple_of3A_189, %dma_wait3A_190] : memref<125008x128xf32, #tpu.memory_space<hbm>> -> memref<64x128xf32, #tpu.memory_space<hbm>>
          %dma_wait3A_192 = arith.constant 0 : i32
          %dma_wait3A_193 = tpu.memref_slice %arg4[%multiple_of3A_189, %dma_wait3A_192] : memref<125008x128xf32, #tpu.memory_space<hbm>> -> memref<64x128xf32, #tpu.memory_space<hbm>>
          tpu.wait_dma2 semaphore(%arg12 : memref<!tpu.dma_semaphore, #tpu.memory_space<semaphore_mem>>) src(%arg8 : memref<64x128xf32, #tpu.memory_space<vmem>>) dst(%dma_wait3A_193 : memref<64x128xf32, #tpu.memory_space<hbm>>)
        } else {
        }
        %scan3A = arith.constant 0 : i32
        %scan3A_122 = arith.constant 0 : i32
        %scan3A_123 = arith.constant 32 : i32
        %scan3A_124 = arith.addi %scan3A_122, %scan3A_123 : i32
        %scan3A_125 = arith.constant 1 : i32
        scf.for %scan3A_158 = %scan3A_122 to %scan3A_124 step %scan3A_125  : i32 {
          %mul3A_159 = arith.constant 16 : i32
          %mul3A_160 = arith.muli %scan3A_158, %mul3A_159 : i32
          %add3A_161 = vector.broadcast %mul3A_160 : i32 to vector<16xi32>
          %add3A_162 = arith.addi %add3A_161, %iota3A : vector<16xi32>
          %shift_right_arithmetic3A = arith.constant 3 : i32
          %shift_right_arithmetic3A_163 = vector.broadcast %shift_right_arithmetic3A : i32 to vector<16xi32>
          %shift_right_arithmetic3A_164 = arith.shrsi %add3A_162, %shift_right_arithmetic3A_163 : vector<16xi32>
          %add3A_165 = vector.broadcast %mul3A_160 : i32 to vector<16xi32>
          %add3A_166 = arith.addi %add3A_165, %iota3A : vector<16xi32>
          %and3A_167 = arith.constant 7 : i32
          %and3A_168 = vector.broadcast %and3A_167 : i32 to vector<16xi32>
          %and3A_169 = arith.andi %add3A_166, %and3A_168 : vector<16xi32>
          %mul3A_170 = arith.constant 16 : i32
          %mul3A_171 = vector.broadcast %mul3A_170 : i32 to vector<16xi32>
          %mul3A_172 = arith.muli %and3A_169, %mul3A_171 : vector<16xi32>
          %add3A_173 = arith.constant 0 : i32
          %add3A_174 = vector.broadcast %add3A_173 : i32 to vector<16xi32>
          %add3A_175 = arith.addi %mul3A_172, %add3A_174 : vector<16xi32>
          %get3A = arith.constant 0 : i32
          %get3A_176 = arith.index_cast %get3A : i32 to index
          %get3A_177 = arith.index_cast %mul3A_160 : i32 to index
          %get3A_178 = tpu.vector_load %arg6[%get3A_176, %get3A_177] {strides = array<i32>} : memref<16x512xf32, #tpu.memory_space<vmem>>, vector<16xf32>,
          tpu.vector_store_idx %arg8[%shift_right_arithmetic3A_164, %add3A_175], %get3A_178 : memref<64x128xf32, #tpu.memory_space<vmem>>[vector<16xi32>, vector<16xi32>], vector<16xf32>,
          %add3A_179 = arith.constant 1 : i32
          %add3A_180 = vector.broadcast %add3A_179 : i32 to vector<16xi32>
          %add3A_181 = arith.addi %mul3A_172, %add3A_180 : vector<16xi32>
          %get3A_182 = arith.constant 1 : i32
          %get3A_183 = arith.index_cast %get3A_182 : i32 to index
          %get3A_184 = arith.index_cast %mul3A_160 : i32 to index
          %get3A_185 = tpu.vector_load %arg6[%get3A_183, %get3A_184] {strides = array<i32>} : memref<16x512xf32, #tpu.memory_space<vmem>>, vector<16xf32>,
          tpu.vector_store_idx %arg8[%shift_right_arithmetic3A_164, %add3A_181], %get3A_185 : memref<64x128xf32, #tpu.memory_space<vmem>>[vector<16xi32>, vector<16xi32>], vector<16xf32>,
          %add3A_186 = arith.constant 2 : i32
          %add3A_187 = vector.broadcast %add3A_186 : i32 to vector<16xi32>
          %add3A_188 = arith.addi %mul3A_172, %add3A_187 : vector<16xi32>
          %get3A_189 = arith.constant 2 : i32
          %get3A_190 = arith.index_cast %get3A_189 : i32 to index
          %get3A_191 = arith.index_cast %mul3A_160 : i32 to index
          %get3A_192 = tpu.vector_load %arg6[%get3A_190, %get3A_191] {strides = array<i32>} : memref<16x512xf32, #tpu.memory_space<vmem>>, vector<16xf32>,
          tpu.vector_store_idx %arg8[%shift_right_arithmetic3A_164, %add3A_188], %get3A_192 : memref<64x128xf32, #tpu.memory_space<vmem>>[vector<16xi32>, vector<16xi32>], vector<16xf32>,
          %add3A_193 = arith.constant 3 : i32
          %add3A_194 = vector.broadcast %add3A_193 : i32 to vector<16xi32>
          %add3A_195 = arith.addi %mul3A_172, %add3A_194 : vector<16xi32>
          %get3A_196 = arith.constant 3 : i32
          %get3A_197 = arith.index_cast %get3A_196 : i32 to index
          %get3A_198 = arith.index_cast %mul3A_160 : i32 to index
          %get3A_199 = tpu.vector_load %arg6[%get3A_197, %get3A_198] {strides = array<i32>} : memref<16x512xf32, #tpu.memory_space<vmem>>, vector<16xf32>,
          tpu.vector_store_idx %arg8[%shift_right_arithmetic3A_164, %add3A_195], %get3A_199 : memref<64x128xf32, #tpu.memory_space<vmem>>[vector<16xi32>, vector<16xi32>], vector<16xf32>,
          %add3A_200 = arith.constant 4 : i32
          %add3A_201 = vector.broadcast %add3A_200 : i32 to vector<16xi32>
          %add3A_202 = arith.addi %mul3A_172, %add3A_201 : vector<16xi32>
          %get3A_203 = arith.constant 4 : i32
          %get3A_204 = arith.index_cast %get3A_203 : i32 to index
          %get3A_205 = arith.index_cast %mul3A_160 : i32 to index
          %get3A_206 = tpu.vector_load %arg6[%get3A_204, %get3A_205] {strides = array<i32>} : memref<16x512xf32, #tpu.memory_space<vmem>>, vector<16xf32>,
          tpu.vector_store_idx %arg8[%shift_right_arithmetic3A_164, %add3A_202], %get3A_206 : memref<64x128xf32, #tpu.memory_space<vmem>>[vector<16xi32>, vector<16xi32>], vector<16xf32>,
          %add3A_207 = arith.constant 5 : i32
          %add3A_208 = vector.broadcast %add3A_207 : i32 to vector<16xi32>
          %add3A_209 = arith.addi %mul3A_172, %add3A_208 : vector<16xi32>
          %get3A_210 = arith.constant 5 : i32
          %get3A_211 = arith.index_cast %get3A_210 : i32 to index
          %get3A_212 = arith.index_cast %mul3A_160 : i32 to index
          %get3A_213 = tpu.vector_load %arg6[%get3A_211, %get3A_212] {strides = array<i32>} : memref<16x512xf32, #tpu.memory_space<vmem>>, vector<16xf32>,
          tpu.vector_store_idx %arg8[%shift_right_arithmetic3A_164, %add3A_209], %get3A_213 : memref<64x128xf32, #tpu.memory_space<vmem>>[vector<16xi32>, vector<16xi32>], vector<16xf32>,
          %add3A_214 = arith.constant 6 : i32
          %add3A_215 = vector.broadcast %add3A_214 : i32 to vector<16xi32>
          %add3A_216 = arith.addi %mul3A_172, %add3A_215 : vector<16xi32>
          %get3A_217 = arith.constant 6 : i32
          %get3A_218 = arith.index_cast %get3A_217 : i32 to index
          %get3A_219 = arith.index_cast %mul3A_160 : i32 to index
          %get3A_220 = tpu.vector_load %arg6[%get3A_218, %get3A_219] {strides = array<i32>} : memref<16x512xf32, #tpu.memory_space<vmem>>, vector<16xf32>,
          tpu.vector_store_idx %arg8[%shift_right_arithmetic3A_164, %add3A_216], %get3A_220 : memref<64x128xf32, #tpu.memory_space<vmem>>[vector<16xi32>, vector<16xi32>], vector<16xf32>,
          %add3A_221 = arith.constant 7 : i32
          %add3A_222 = vector.broadcast %add3A_221 : i32 to vector<16xi32>
          %add3A_223 = arith.addi %mul3A_172, %add3A_222 : vector<16xi32>
          %get3A_224 = arith.constant 7 : i32
          %get3A_225 = arith.index_cast %get3A_224 : i32 to index
          %get3A_226 = arith.index_cast %mul3A_160 : i32 to index
          %get3A_227 = tpu.vector_load %arg6[%get3A_225, %get3A_226] {strides = array<i32>} : memref<16x512xf32, #tpu.memory_space<vmem>>, vector<16xf32>,
          tpu.vector_store_idx %arg8[%shift_right_arithmetic3A_164, %add3A_223], %get3A_227 : memref<64x128xf32, #tpu.memory_space<vmem>>[vector<16xi32>, vector<16xi32>], vector<16xf32>,
          %add3A_228 = arith.constant 8 : i32
          %add3A_229 = vector.broadcast %add3A_228 : i32 to vector<16xi32>
          %add3A_230 = arith.addi %mul3A_172, %add3A_229 : vector<16xi32>
          %get3A_231 = arith.constant 8 : i32
          %get3A_232 = arith.index_cast %get3A_231 : i32 to index
          %get3A_233 = arith.index_cast %mul3A_160 : i32 to index
          %get3A_234 = tpu.vector_load %arg6[%get3A_232, %get3A_233] {strides = array<i32>} : memref<16x512xf32, #tpu.memory_space<vmem>>, vector<16xf32>,
          tpu.vector_store_idx %arg8[%shift_right_arithmetic3A_164, %add3A_230], %get3A_234 : memref<64x128xf32, #tpu.memory_space<vmem>>[vector<16xi32>, vector<16xi32>], vector<16xf32>,
          %add3A_235 = arith.constant 9 : i32
          %add3A_236 = vector.broadcast %add3A_235 : i32 to vector<16xi32>
          %add3A_237 = arith.addi %mul3A_172, %add3A_236 : vector<16xi32>
          %get3A_238 = arith.constant 9 : i32
          %get3A_239 = arith.index_cast %get3A_238 : i32 to index
          %get3A_240 = arith.index_cast %mul3A_160 : i32 to index
          %get3A_241 = tpu.vector_load %arg6[%get3A_239, %get3A_240] {strides = array<i32>} : memref<16x512xf32, #tpu.memory_space<vmem>>, vector<16xf32>,
          tpu.vector_store_idx %arg8[%shift_right_arithmetic3A_164, %add3A_237], %get3A_241 : memref<64x128xf32, #tpu.memory_space<vmem>>[vector<16xi32>, vector<16xi32>], vector<16xf32>,
          %add3A_242 = arith.constant 10 : i32
          %add3A_243 = vector.broadcast %add3A_242 : i32 to vector<16xi32>
          %add3A_244 = arith.addi %mul3A_172, %add3A_243 : vector<16xi32>
          %get3A_245 = arith.constant 10 : i32
          %get3A_246 = arith.index_cast %get3A_245 : i32 to index
          %get3A_247 = arith.index_cast %mul3A_160 : i32 to index
          %get3A_248 = tpu.vector_load %arg6[%get3A_246, %get3A_247] {strides = array<i32>} : memref<16x512xf32, #tpu.memory_space<vmem>>, vector<16xf32>,
          tpu.vector_store_idx %arg8[%shift_right_arithmetic3A_164, %add3A_244], %get3A_248 : memref<64x128xf32, #tpu.memory_space<vmem>>[vector<16xi32>, vector<16xi32>], vector<16xf32>,
          %add3A_249 = arith.constant 11 : i32
          %add3A_250 = vector.broadcast %add3A_249 : i32 to vector<16xi32>
          %add3A_251 = arith.addi %mul3A_172, %add3A_250 : vector<16xi32>
          %get3A_252 = arith.constant 11 : i32
          %get3A_253 = arith.index_cast %get3A_252 : i32 to index
          %get3A_254 = arith.index_cast %mul3A_160 : i32 to index
          %get3A_255 = tpu.vector_load %arg6[%get3A_253, %get3A_254] {strides = array<i32>} : memref<16x512xf32, #tpu.memory_space<vmem>>, vector<16xf32>,
          tpu.vector_store_idx %arg8[%shift_right_arithmetic3A_164, %add3A_251], %get3A_255 : memref<64x128xf32, #tpu.memory_space<vmem>>[vector<16xi32>, vector<16xi32>], vector<16xf32>,
          %add3A_256 = arith.constant 12 : i32
          %add3A_257 = vector.broadcast %add3A_256 : i32 to vector<16xi32>
          %add3A_258 = arith.addi %mul3A_172, %add3A_257 : vector<16xi32>
          %get3A_259 = arith.constant 12 : i32
          %get3A_260 = arith.index_cast %get3A_259 : i32 to index
          %get3A_261 = arith.index_cast %mul3A_160 : i32 to index
          %get3A_262 = tpu.vector_load %arg6[%get3A_260, %get3A_261] {strides = array<i32>} : memref<16x512xf32, #tpu.memory_space<vmem>>, vector<16xf32>,
          tpu.vector_store_idx %arg8[%shift_right_arithmetic3A_164, %add3A_258], %get3A_262 : memref<64x128xf32, #tpu.memory_space<vmem>>[vector<16xi32>, vector<16xi32>], vector<16xf32>,
          %add3A_263 = arith.constant 13 : i32
          %add3A_264 = vector.broadcast %add3A_263 : i32 to vector<16xi32>
          %add3A_265 = arith.addi %mul3A_172, %add3A_264 : vector<16xi32>
          %get3A_266 = arith.constant 13 : i32
          %get3A_267 = arith.index_cast %get3A_266 : i32 to index
          %get3A_268 = arith.index_cast %mul3A_160 : i32 to index
          %get3A_269 = tpu.vector_load %arg6[%get3A_267, %get3A_268] {strides = array<i32>} : memref<16x512xf32, #tpu.memory_space<vmem>>, vector<16xf32>,
          tpu.vector_store_idx %arg8[%shift_right_arithmetic3A_164, %add3A_265], %get3A_269 : memref<64x128xf32, #tpu.memory_space<vmem>>[vector<16xi32>, vector<16xi32>], vector<16xf32>,
          %add3A_270 = arith.constant 14 : i32
          %add3A_271 = vector.broadcast %add3A_270 : i32 to vector<16xi32>
          %add3A_272 = arith.addi %mul3A_172, %add3A_271 : vector<16xi32>
          %get3A_273 = arith.constant 14 : i32
          %get3A_274 = arith.index_cast %get3A_273 : i32 to index
          %get3A_275 = arith.index_cast %mul3A_160 : i32 to index
          %get3A_276 = tpu.vector_load %arg6[%get3A_274, %get3A_275] {strides = array<i32>} : memref<16x512xf32, #tpu.memory_space<vmem>>, vector<16xf32>,
          tpu.vector_store_idx %arg8[%shift_right_arithmetic3A_164, %add3A_272], %get3A_276 : memref<64x128xf32, #tpu.memory_space<vmem>>[vector<16xi32>, vector<16xi32>], vector<16xf32>,
          %add3A_277 = arith.constant 15 : i32
          %add3A_278 = vector.broadcast %add3A_277 : i32 to vector<16xi32>
          %add3A_279 = arith.addi %mul3A_172, %add3A_278 : vector<16xi32>
          %get3A_280 = arith.constant 15 : i32
          %get3A_281 = arith.index_cast %get3A_280 : i32 to index
          %get3A_282 = arith.index_cast %mul3A_160 : i32 to index
          %get3A_283 = tpu.vector_load %arg6[%get3A_281, %get3A_282] {strides = array<i32>} : memref<16x512xf32, #tpu.memory_space<vmem>>, vector<16xf32>,
          tpu.vector_store_idx %arg8[%shift_right_arithmetic3A_164, %add3A_279], %get3A_283 : memref<64x128xf32, #tpu.memory_space<vmem>>[vector<16xi32>, vector<16xi32>], vector<16xf32>,
        }
        %scan3A_126 = arith.constant 32 : i32
        %mul3A_127 = arith.constant 512 : i32
        %mul3A_128 = arith.muli %while3A_62, %mul3A_127 : i32
        %add3A_129 = arith.addi %mul3A_2, %mul3A_128 : i32
        %mul3A_130 = arith.constant 16 : i32
        %mul3A_131 = arith.muli %add3A_129, %mul3A_130 : i32
        %jit3A_132 = arith.constant 128 : i32
        %div3A = arith.divsi %mul3A_131, %jit3A_132 : i32
        %sign3A = arith.constant 0 : i32
        %sign3A_133 = arith.cmpi sgt, %mul3A_131, %sign3A : i32
        %sign3A_134 = arith.extui %sign3A_133 : i1 to i32
        %sign3A_135 = arith.constant 0 : i32
        %sign3A_136 = arith.cmpi slt, %mul3A_131, %sign3A_135 : i32
        %sign3A_137 = arith.extui %sign3A_136 : i1 to i32
        %sign3A_138 = arith.subi %sign3A_134, %sign3A_137 : i32
        %sign3A_139 = arith.constant 0 : i32
        %sign3A_140 = arith.cmpi sgt, %jit3A_132, %sign3A_139 : i32
        %sign3A_141 = arith.extui %sign3A_140 : i1 to i32
        %sign3A_142 = arith.constant 0 : i32
        %sign3A_143 = arith.cmpi slt, %jit3A_132, %sign3A_142 : i32
        %sign3A_144 = arith.extui %sign3A_143 : i1 to i32
        %sign3A_145 = arith.subi %sign3A_141, %sign3A_144 : i32
        %ne3A_146 = arith.cmpi ne, %sign3A_138, %sign3A_145 : i32
        %rem3A_147 = arith.remsi %mul3A_131, %jit3A_132 : i32
        %ne3A_148 = arith.constant 0 : i32
        %ne3A_149 = arith.cmpi ne, %rem3A_147, %ne3A_148 : i32
        %and3A_150 = arith.andi %ne3A_146, %ne3A_149 : i1
        %sub3A = arith.constant 1 : i32
        %sub3A_151 = arith.subi %div3A, %sub3A : i32
        %select_n3A_152 = arith.select %and3A_150, %sub3A_151, %div3A : i32
        %multiple_of3A_153 = tpu.assume_multiple %select_n3A_152, 8 : i32
        %dma_start3A_154 = arith.constant 0 : i32
        %dma_start3A_155 = tpu.memref_slice %arg4[%multiple_of3A_153, %dma_start3A_154] : memref<125008x128xf32, #tpu.memory_space<hbm>> -> memref<64x128xf32, #tpu.memory_space<hbm>>
        %dma_start3A_156 = arith.constant 0 : i32
        %dma_start3A_157 = tpu.memref_slice %arg4[%multiple_of3A_153, %dma_start3A_156] : memref<125008x128xf32, #tpu.memory_space<hbm>> -> memref<64x128xf32, #tpu.memory_space<hbm>>
        tpu.enqueue_dma source(%arg8 : memref<64x128xf32, #tpu.memory_space<vmem>>) target(%dma_start3A_157 : memref<64x128xf32, #tpu.memory_space<hbm>>) target_semaphore(%arg12 : memref<!tpu.dma_semaphore, #tpu.memory_space<semaphore_mem>>)
      } else {
      }
    }
    %while3A_20 = arith.constant 1 : i32
    scf.for %while3A_62 = %while3A_18 to %while3A_14 step %while3A_20  : i32 {
      %add3A_63 = arith.constant 1 : i32
      %add3A_64 = arith.addi %while3A_62, %add3A_63 : i32
      %lt3A_65 = arith.cmpi slt, %add3A_64, %add3A_6 : i32
      %convert_element_type3A_66 = arith.extui %lt3A_65 : i1 to i32
      %cond3A_67 = arith.constant 0 : i32
      %cond3A_68 = arith.cmpi ne, %convert_element_type3A_66, %cond3A_67 : i32
      scf.if %cond3A_68 {
        %jit3A_111 = arith.constant 2 : i32
        %eq3A_112 = arith.constant 0 : i32
        %eq3A_113 = arith.cmpi eq, %jit3A_111, %eq3A_112 : i32
        %jit3A_114 = arith.constant 1 : i32
        %select_n3A_115 = arith.select %eq3A_113, %jit3A_114, %jit3A_111 : i32
        %rem3A_116 = arith.remsi %while3A_62, %select_n3A_115 : i32
        %ne3A_117 = arith.constant 0 : i32
        %ne3A_118 = arith.cmpi ne, %rem3A_116, %ne3A_117 : i32
        %lt3A_119 = arith.constant 0 : i32
        %lt3A_120 = arith.cmpi slt, %rem3A_116, %lt3A_119 : i32
        %lt3A_121 = arith.constant 0 : i32
        %lt3A_122 = arith.cmpi slt, %select_n3A_115, %lt3A_121 : i32
        %ne3A_123 = arith.xori %lt3A_120, %lt3A_122 : i1
        %and3A_124 = arith.andi %ne3A_123, %ne3A_118 : i1
        %add3A_125 = arith.addi %rem3A_116, %select_n3A_115 : i32
        %select_n3A_126 = arith.select %and3A_124, %add3A_125, %rem3A_116 : i32
        %eq3A_127 = arith.constant 0 : i32
        %eq3A_128 = arith.cmpi eq, %select_n3A_126, %eq3A_127 : i32
        %convert_element_type3A_129 = arith.extui %eq3A_128 : i1 to i32
        %cond3A_130 = arith.constant 0 : i32
        %cond3A_131 = arith.cmpi ne, %convert_element_type3A_129, %cond3A_130 : i32
        scf.if %cond3A_131 {
          %add3A_153 = arith.constant 1 : i32
          %add3A_154 = arith.addi %while3A_62, %add3A_153 : i32
          %mul3A_155 = arith.constant 512 : i32
          %mul3A_156 = arith.muli %add3A_154, %mul3A_155 : i32
          %add3A_157 = arith.addi %mul3A_2, %mul3A_156 : i32
          %multiple_of3A_158 = tpu.assume_multiple %add3A_157, 64 : i32
          %dma_start3A_159 = arith.constant 0 : i32
          %dma_start3A_160 = tpu.memref_slice %arg2[%dma_start3A_159, %multiple_of3A_158] : memref<16x1000000xf32, #tpu.memory_space<hbm>> -> memref<16x512xf32, #tpu.memory_space<hbm>>
          %dma_start3A_161 = arith.constant 0 : i32
          %dma_start3A_162 = tpu.memref_slice %arg2[%dma_start3A_161, %multiple_of3A_158] : memref<16x1000000xf32, #tpu.memory_space<hbm>> -> memref<16x512xf32, #tpu.memory_space<hbm>>
          tpu.enqueue_dma source(%dma_start3A_162 : memref<16x512xf32, #tpu.memory_space<hbm>>) target(%arg6 : memref<16x512xf32, #tpu.memory_space<vmem>>) target_semaphore(%arg10 : memref<!tpu.dma_semaphore, #tpu.memory_space<semaphore_mem>>)
        } else {
        }
        %jit3A_132 = arith.constant 2 : i32
        %eq3A_133 = arith.constant 0 : i32
        %eq3A_134 = arith.cmpi eq, %jit3A_132, %eq3A_133 : i32
        %jit3A_135 = arith.constant 1 : i32
        %select_n3A_136 = arith.select %eq3A_134, %jit3A_135, %jit3A_132 : i32
        %rem3A_137 = arith.remsi %while3A_62, %select_n3A_136 : i32
        %ne3A_138 = arith.constant 0 : i32
        %ne3A_139 = arith.cmpi ne, %rem3A_137, %ne3A_138 : i32
        %lt3A_140 = arith.constant 0 : i32
        %lt3A_141 = arith.cmpi slt, %rem3A_137, %lt3A_140 : i32
        %lt3A_142 = arith.constant 0 : i32
        %lt3A_143 = arith.cmpi slt, %select_n3A_136, %lt3A_142 : i32
        %ne3A_144 = arith.xori %lt3A_141, %lt3A_143 : i1
        %and3A_145 = arith.andi %ne3A_144, %ne3A_139 : i1
        %add3A_146 = arith.addi %rem3A_137, %select_n3A_136 : i32
        %select_n3A_147 = arith.select %and3A_145, %add3A_146, %rem3A_137 : i32
        %eq3A_148 = arith.constant 1 : i32
        %eq3A_149 = arith.cmpi eq, %select_n3A_147, %eq3A_148 : i32
        %convert_element_type3A_150 = arith.extui %eq3A_149 : i1 to i32
        %cond3A_151 = arith.constant 0 : i32
        %cond3A_152 = arith.cmpi ne, %convert_element_type3A_150, %cond3A_151 : i32
        scf.if %cond3A_152 {
          %add3A_153 = arith.constant 1 : i32
          %add3A_154 = arith.addi %while3A_62, %add3A_153 : i32
          %mul3A_155 = arith.constant 512 : i32
          %mul3A_156 = arith.muli %add3A_154, %mul3A_155 : i32
          %add3A_157 = arith.addi %mul3A_2, %mul3A_156 : i32
          %multiple_of3A_158 = tpu.assume_multiple %add3A_157, 64 : i32
          %dma_start3A_159 = arith.constant 0 : i32
          %dma_start3A_160 = tpu.memref_slice %arg2[%dma_start3A_159, %multiple_of3A_158] : memref<16x1000000xf32, #tpu.memory_space<hbm>> -> memref<16x512xf32, #tpu.memory_space<hbm>>
          %dma_start3A_161 = arith.constant 0 : i32
          %dma_start3A_162 = tpu.memref_slice %arg2[%dma_start3A_161, %multiple_of3A_158] : memref<16x1000000xf32, #tpu.memory_space<hbm>> -> memref<16x512xf32, #tpu.memory_space<hbm>>
          tpu.enqueue_dma source(%dma_start3A_162 : memref<16x512xf32, #tpu.memory_space<hbm>>) target(%arg5 : memref<16x512xf32, #tpu.memory_space<vmem>>) target_semaphore(%arg9 : memref<!tpu.dma_semaphore, #tpu.memory_space<semaphore_mem>>)
        } else {
        }
      } else {
      }
      %jit3A_69 = arith.constant 2 : i32
      %eq3A_70 = arith.constant 0 : i32
      %eq3A_71 = arith.cmpi eq, %jit3A_69, %eq3A_70 : i32
      %jit3A_72 = arith.constant 1 : i32
      %select_n3A_73 = arith.select %eq3A_71, %jit3A_72, %jit3A_69 : i32
      %rem3A_74 = arith.remsi %while3A_62, %select_n3A_73 : i32
      %ne3A_75 = arith.constant 0 : i32
      %ne3A_76 = arith.cmpi ne, %rem3A_74, %ne3A_75 : i32
      %lt3A_77 = arith.constant 0 : i32
      %lt3A_78 = arith.cmpi slt, %rem3A_74, %lt3A_77 : i32
      %lt3A_79 = arith.constant 0 : i32
      %lt3A_80 = arith.cmpi slt, %select_n3A_73, %lt3A_79 : i32
      %ne3A_81 = arith.xori %lt3A_78, %lt3A_80 : i1
      %and3A_82 = arith.andi %ne3A_81, %ne3A_76 : i1
      %add3A_83 = arith.addi %rem3A_74, %select_n3A_73 : i32
      %select_n3A_84 = arith.select %and3A_82, %add3A_83, %rem3A_74 : i32
      %eq3A_85 = arith.constant 0 : i32
      %eq3A_86 = arith.cmpi eq, %select_n3A_84, %eq3A_85 : i32
      %convert_element_type3A_87 = arith.extui %eq3A_86 : i1 to i32
      %cond3A_88 = arith.constant 0 : i32
      %cond3A_89 = arith.cmpi ne, %convert_element_type3A_87, %cond3A_88 : i32
      scf.if %cond3A_89 {
        %mul3A_111 = arith.constant 512 : i32
        %mul3A_112 = arith.muli %while3A_62, %mul3A_111 : i32
        %add3A_113 = arith.addi %mul3A_2, %mul3A_112 : i32
        %multiple_of3A_114 = tpu.assume_multiple %add3A_113, 64 : i32
        %dma_wait3A = arith.constant 0 : i32
        %dma_wait3A_115 = tpu.memref_slice %arg2[%dma_wait3A, %multiple_of3A_114] : memref<16x1000000xf32, #tpu.memory_space<hbm>> -> memref<16x512xf32, #tpu.memory_space<hbm>>
        %dma_wait3A_116 = arith.constant 0 : i32
        %dma_wait3A_117 = tpu.memref_slice %arg2[%dma_wait3A_116, %multiple_of3A_114] : memref<16x1000000xf32, #tpu.memory_space<hbm>> -> memref<16x512xf32, #tpu.memory_space<hbm>>
        tpu.wait_dma2 semaphore(%arg9 : memref<!tpu.dma_semaphore, #tpu.memory_space<semaphore_mem>>) src(%dma_wait3A_117 : memref<16x512xf32, #tpu.memory_space<hbm>>) dst(%arg5 : memref<16x512xf32, #tpu.memory_space<vmem>>)
        %ge3A = arith.constant 2 : i32
        %ge3A_118 = arith.cmpi sge, %while3A_62, %ge3A : i32
        %convert_element_type3A_119 = arith.extui %ge3A_118 : i1 to i32
        %cond3A_120 = arith.constant 0 : i32
        %cond3A_121 = arith.cmpi ne, %convert_element_type3A_119, %cond3A_120 : i32
        scf.if %cond3A_121 {
          %sub3A_158 = arith.constant 2 : i32
          %sub3A_159 = arith.subi %while3A_62, %sub3A_158 : i32
          %mul3A_160 = arith.constant 512 : i32
          %mul3A_161 = arith.muli %sub3A_159, %mul3A_160 : i32
          %add3A_162 = arith.addi %mul3A_2, %mul3A_161 : i32
          %mul3A_163 = arith.constant 16 : i32
          %mul3A_164 = arith.muli %add3A_162, %mul3A_163 : i32
          %jit3A_165 = arith.constant 128 : i32
          %div3A_166 = arith.divsi %mul3A_164, %jit3A_165 : i32
          %sign3A_167 = arith.constant 0 : i32
          %sign3A_168 = arith.cmpi sgt, %mul3A_164, %sign3A_167 : i32
          %sign3A_169 = arith.extui %sign3A_168 : i1 to i32
          %sign3A_170 = arith.constant 0 : i32
          %sign3A_171 = arith.cmpi slt, %mul3A_164, %sign3A_170 : i32
          %sign3A_172 = arith.extui %sign3A_171 : i1 to i32
          %sign3A_173 = arith.subi %sign3A_169, %sign3A_172 : i32
          %sign3A_174 = arith.constant 0 : i32
          %sign3A_175 = arith.cmpi sgt, %jit3A_165, %sign3A_174 : i32
          %sign3A_176 = arith.extui %sign3A_175 : i1 to i32
          %sign3A_177 = arith.constant 0 : i32
          %sign3A_178 = arith.cmpi slt, %jit3A_165, %sign3A_177 : i32
          %sign3A_179 = arith.extui %sign3A_178 : i1 to i32
          %sign3A_180 = arith.subi %sign3A_176, %sign3A_179 : i32
          %ne3A_181 = arith.cmpi ne, %sign3A_173, %sign3A_180 : i32
          %rem3A_182 = arith.remsi %mul3A_164, %jit3A_165 : i32
          %ne3A_183 = arith.constant 0 : i32
          %ne3A_184 = arith.cmpi ne, %rem3A_182, %ne3A_183 : i32
          %and3A_185 = arith.andi %ne3A_181, %ne3A_184 : i1
          %sub3A_186 = arith.constant 1 : i32
          %sub3A_187 = arith.subi %div3A_166, %sub3A_186 : i32
          %select_n3A_188 = arith.select %and3A_185, %sub3A_187, %div3A_166 : i32
          %multiple_of3A_189 = tpu.assume_multiple %select_n3A_188, 8 : i32
          %dma_wait3A_190 = arith.constant 0 : i32
          %dma_wait3A_191 = tpu.memref_slice %arg4[%multiple_of3A_189, %dma_wait3A_190] : memref<125008x128xf32, #tpu.memory_space<hbm>> -> memref<64x128xf32, #tpu.memory_space<hbm>>
          %dma_wait3A_192 = arith.constant 0 : i32
          %dma_wait3A_193 = tpu.memref_slice %arg4[%multiple_of3A_189, %dma_wait3A_192] : memref<125008x128xf32, #tpu.memory_space<hbm>> -> memref<64x128xf32, #tpu.memory_space<hbm>>
          tpu.wait_dma2 semaphore(%arg11 : memref<!tpu.dma_semaphore, #tpu.memory_space<semaphore_mem>>) src(%arg7 : memref<64x128xf32, #tpu.memory_space<vmem>>) dst(%dma_wait3A_193 : memref<64x128xf32, #tpu.memory_space<hbm>>)
        } else {
        }
        %scan3A = arith.constant 0 : i32
        %scan3A_122 = arith.constant 0 : i32
        %scan3A_123 = arith.constant 32 : i32
        %scan3A_124 = arith.addi %scan3A_122, %scan3A_123 : i32
        %scan3A_125 = arith.constant 1 : i32
        scf.for %scan3A_158 = %scan3A_122 to %scan3A_124 step %scan3A_125  : i32 {
          %mul3A_159 = arith.constant 16 : i32
          %mul3A_160 = arith.muli %scan3A_158, %mul3A_159 : i32
          %add3A_161 = vector.broadcast %mul3A_160 : i32 to vector<16xi32>
          %add3A_162 = arith.addi %add3A_161, %iota3A : vector<16xi32>
          %shift_right_arithmetic3A = arith.constant 3 : i32
          %shift_right_arithmetic3A_163 = vector.broadcast %shift_right_arithmetic3A : i32 to vector<16xi32>
          %shift_right_arithmetic3A_164 = arith.shrsi %add3A_162, %shift_right_arithmetic3A_163 : vector<16xi32>
          %add3A_165 = vector.broadcast %mul3A_160 : i32 to vector<16xi32>
          %add3A_166 = arith.addi %add3A_165, %iota3A : vector<16xi32>
          %and3A_167 = arith.constant 7 : i32
          %and3A_168 = vector.broadcast %and3A_167 : i32 to vector<16xi32>
          %and3A_169 = arith.andi %add3A_166, %and3A_168 : vector<16xi32>
          %mul3A_170 = arith.constant 16 : i32
          %mul3A_171 = vector.broadcast %mul3A_170 : i32 to vector<16xi32>
          %mul3A_172 = arith.muli %and3A_169, %mul3A_171 : vector<16xi32>
          %add3A_173 = arith.constant 0 : i32
          %add3A_174 = vector.broadcast %add3A_173 : i32 to vector<16xi32>
          %add3A_175 = arith.addi %mul3A_172, %add3A_174 : vector<16xi32>
          %get3A = arith.constant 0 : i32
          %get3A_176 = arith.index_cast %get3A : i32 to index
          %get3A_177 = arith.index_cast %mul3A_160 : i32 to index
          %get3A_178 = tpu.vector_load %arg5[%get3A_176, %get3A_177] {strides = array<i32>} : memref<16x512xf32, #tpu.memory_space<vmem>>, vector<16xf32>,
          tpu.vector_store_idx %arg7[%shift_right_arithmetic3A_164, %add3A_175], %get3A_178 : memref<64x128xf32, #tpu.memory_space<vmem>>[vector<16xi32>, vector<16xi32>], vector<16xf32>,
          %add3A_179 = arith.constant 1 : i32
          %add3A_180 = vector.broadcast %add3A_179 : i32 to vector<16xi32>
          %add3A_181 = arith.addi %mul3A_172, %add3A_180 : vector<16xi32>
          %get3A_182 = arith.constant 1 : i32
          %get3A_183 = arith.index_cast %get3A_182 : i32 to index
          %get3A_184 = arith.index_cast %mul3A_160 : i32 to index
          %get3A_185 = tpu.vector_load %arg5[%get3A_183, %get3A_184] {strides = array<i32>} : memref<16x512xf32, #tpu.memory_space<vmem>>, vector<16xf32>,
          tpu.vector_store_idx %arg7[%shift_right_arithmetic3A_164, %add3A_181], %get3A_185 : memref<64x128xf32, #tpu.memory_space<vmem>>[vector<16xi32>, vector<16xi32>], vector<16xf32>,
          %add3A_186 = arith.constant 2 : i32
          %add3A_187 = vector.broadcast %add3A_186 : i32 to vector<16xi32>
          %add3A_188 = arith.addi %mul3A_172, %add3A_187 : vector<16xi32>
          %get3A_189 = arith.constant 2 : i32
          %get3A_190 = arith.index_cast %get3A_189 : i32 to index
          %get3A_191 = arith.index_cast %mul3A_160 : i32 to index
          %get3A_192 = tpu.vector_load %arg5[%get3A_190, %get3A_191] {strides = array<i32>} : memref<16x512xf32, #tpu.memory_space<vmem>>, vector<16xf32>,
          tpu.vector_store_idx %arg7[%shift_right_arithmetic3A_164, %add3A_188], %get3A_192 : memref<64x128xf32, #tpu.memory_space<vmem>>[vector<16xi32>, vector<16xi32>], vector<16xf32>,
          %add3A_193 = arith.constant 3 : i32
          %add3A_194 = vector.broadcast %add3A_193 : i32 to vector<16xi32>
          %add3A_195 = arith.addi %mul3A_172, %add3A_194 : vector<16xi32>
          %get3A_196 = arith.constant 3 : i32
          %get3A_197 = arith.index_cast %get3A_196 : i32 to index
          %get3A_198 = arith.index_cast %mul3A_160 : i32 to index
          %get3A_199 = tpu.vector_load %arg5[%get3A_197, %get3A_198] {strides = array<i32>} : memref<16x512xf32, #tpu.memory_space<vmem>>, vector<16xf32>,
          tpu.vector_store_idx %arg7[%shift_right_arithmetic3A_164, %add3A_195], %get3A_199 : memref<64x128xf32, #tpu.memory_space<vmem>>[vector<16xi32>, vector<16xi32>], vector<16xf32>,
          %add3A_200 = arith.constant 4 : i32
          %add3A_201 = vector.broadcast %add3A_200 : i32 to vector<16xi32>
          %add3A_202 = arith.addi %mul3A_172, %add3A_201 : vector<16xi32>
          %get3A_203 = arith.constant 4 : i32
          %get3A_204 = arith.index_cast %get3A_203 : i32 to index
          %get3A_205 = arith.index_cast %mul3A_160 : i32 to index
          %get3A_206 = tpu.vector_load %arg5[%get3A_204, %get3A_205] {strides = array<i32>} : memref<16x512xf32, #tpu.memory_space<vmem>>, vector<16xf32>,
          tpu.vector_store_idx %arg7[%shift_right_arithmetic3A_164, %add3A_202], %get3A_206 : memref<64x128xf32, #tpu.memory_space<vmem>>[vector<16xi32>, vector<16xi32>], vector<16xf32>,
          %add3A_207 = arith.constant 5 : i32
          %add3A_208 = vector.broadcast %add3A_207 : i32 to vector<16xi32>
          %add3A_209 = arith.addi %mul3A_172, %add3A_208 : vector<16xi32>
          %get3A_210 = arith.constant 5 : i32
          %get3A_211 = arith.index_cast %get3A_210 : i32 to index
          %get3A_212 = arith.index_cast %mul3A_160 : i32 to index
          %get3A_213 = tpu.vector_load %arg5[%get3A_211, %get3A_212] {strides = array<i32>} : memref<16x512xf32, #tpu.memory_space<vmem>>, vector<16xf32>,
          tpu.vector_store_idx %arg7[%shift_right_arithmetic3A_164, %add3A_209], %get3A_213 : memref<64x128xf32, #tpu.memory_space<vmem>>[vector<16xi32>, vector<16xi32>], vector<16xf32>,
          %add3A_214 = arith.constant 6 : i32
          %add3A_215 = vector.broadcast %add3A_214 : i32 to vector<16xi32>
          %add3A_216 = arith.addi %mul3A_172, %add3A_215 : vector<16xi32>
          %get3A_217 = arith.constant 6 : i32
          %get3A_218 = arith.index_cast %get3A_217 : i32 to index
          %get3A_219 = arith.index_cast %mul3A_160 : i32 to index
          %get3A_220 = tpu.vector_load %arg5[%get3A_218, %get3A_219] {strides = array<i32>} : memref<16x512xf32, #tpu.memory_space<vmem>>, vector<16xf32>,
          tpu.vector_store_idx %arg7[%shift_right_arithmetic3A_164, %add3A_216], %get3A_220 : memref<64x128xf32, #tpu.memory_space<vmem>>[vector<16xi32>, vector<16xi32>], vector<16xf32>,
          %add3A_221 = arith.constant 7 : i32
          %add3A_222 = vector.broadcast %add3A_221 : i32 to vector<16xi32>
          %add3A_223 = arith.addi %mul3A_172, %add3A_222 : vector<16xi32>
          %get3A_224 = arith.constant 7 : i32
          %get3A_225 = arith.index_cast %get3A_224 : i32 to index
          %get3A_226 = arith.index_cast %mul3A_160 : i32 to index
          %get3A_227 = tpu.vector_load %arg5[%get3A_225, %get3A_226] {strides = array<i32>} : memref<16x512xf32, #tpu.memory_space<vmem>>, vector<16xf32>,
          tpu.vector_store_idx %arg7[%shift_right_arithmetic3A_164, %add3A_223], %get3A_227 : memref<64x128xf32, #tpu.memory_space<vmem>>[vector<16xi32>, vector<16xi32>], vector<16xf32>,
          %add3A_228 = arith.constant 8 : i32
          %add3A_229 = vector.broadcast %add3A_228 : i32 to vector<16xi32>
          %add3A_230 = arith.addi %mul3A_172, %add3A_229 : vector<16xi32>
          %get3A_231 = arith.constant 8 : i32
          %get3A_232 = arith.index_cast %get3A_231 : i32 to index
          %get3A_233 = arith.index_cast %mul3A_160 : i32 to index
          %get3A_234 = tpu.vector_load %arg5[%get3A_232, %get3A_233] {strides = array<i32>} : memref<16x512xf32, #tpu.memory_space<vmem>>, vector<16xf32>,
          tpu.vector_store_idx %arg7[%shift_right_arithmetic3A_164, %add3A_230], %get3A_234 : memref<64x128xf32, #tpu.memory_space<vmem>>[vector<16xi32>, vector<16xi32>], vector<16xf32>,
          %add3A_235 = arith.constant 9 : i32
          %add3A_236 = vector.broadcast %add3A_235 : i32 to vector<16xi32>
          %add3A_237 = arith.addi %mul3A_172, %add3A_236 : vector<16xi32>
          %get3A_238 = arith.constant 9 : i32
          %get3A_239 = arith.index_cast %get3A_238 : i32 to index
          %get3A_240 = arith.index_cast %mul3A_160 : i32 to index
          %get3A_241 = tpu.vector_load %arg5[%get3A_239, %get3A_240] {strides = array<i32>} : memref<16x512xf32, #tpu.memory_space<vmem>>, vector<16xf32>,
          tpu.vector_store_idx %arg7[%shift_right_arithmetic3A_164, %add3A_237], %get3A_241 : memref<64x128xf32, #tpu.memory_space<vmem>>[vector<16xi32>, vector<16xi32>], vector<16xf32>,
          %add3A_242 = arith.constant 10 : i32
          %add3A_243 = vector.broadcast %add3A_242 : i32 to vector<16xi32>
          %add3A_244 = arith.addi %mul3A_172, %add3A_243 : vector<16xi32>
          %get3A_245 = arith.constant 10 : i32
          %get3A_246 = arith.index_cast %get3A_245 : i32 to index
          %get3A_247 = arith.index_cast %mul3A_160 : i32 to index
          %get3A_248 = tpu.vector_load %arg5[%get3A_246, %get3A_247] {strides = array<i32>} : memref<16x512xf32, #tpu.memory_space<vmem>>, vector<16xf32>,
          tpu.vector_store_idx %arg7[%shift_right_arithmetic3A_164, %add3A_244], %get3A_248 : memref<64x128xf32, #tpu.memory_space<vmem>>[vector<16xi32>, vector<16xi32>], vector<16xf32>,
          %add3A_249 = arith.constant 11 : i32
          %add3A_250 = vector.broadcast %add3A_249 : i32 to vector<16xi32>
          %add3A_251 = arith.addi %mul3A_172, %add3A_250 : vector<16xi32>
          %get3A_252 = arith.constant 11 : i32
          %get3A_253 = arith.index_cast %get3A_252 : i32 to index
          %get3A_254 = arith.index_cast %mul3A_160 : i32 to index
          %get3A_255 = tpu.vector_load %arg5[%get3A_253, %get3A_254] {strides = array<i32>} : memref<16x512xf32, #tpu.memory_space<vmem>>, vector<16xf32>,
          tpu.vector_store_idx %arg7[%shift_right_arithmetic3A_164, %add3A_251], %get3A_255 : memref<64x128xf32, #tpu.memory_space<vmem>>[vector<16xi32>, vector<16xi32>], vector<16xf32>,
          %add3A_256 = arith.constant 12 : i32
          %add3A_257 = vector.broadcast %add3A_256 : i32 to vector<16xi32>
          %add3A_258 = arith.addi %mul3A_172, %add3A_257 : vector<16xi32>
          %get3A_259 = arith.constant 12 : i32
          %get3A_260 = arith.index_cast %get3A_259 : i32 to index
          %get3A_261 = arith.index_cast %mul3A_160 : i32 to index
          %get3A_262 = tpu.vector_load %arg5[%get3A_260, %get3A_261] {strides = array<i32>} : memref<16x512xf32, #tpu.memory_space<vmem>>, vector<16xf32>,
          tpu.vector_store_idx %arg7[%shift_right_arithmetic3A_164, %add3A_258], %get3A_262 : memref<64x128xf32, #tpu.memory_space<vmem>>[vector<16xi32>, vector<16xi32>], vector<16xf32>,
          %add3A_263 = arith.constant 13 : i32
          %add3A_264 = vector.broadcast %add3A_263 : i32 to vector<16xi32>
          %add3A_265 = arith.addi %mul3A_172, %add3A_264 : vector<16xi32>
          %get3A_266 = arith.constant 13 : i32
          %get3A_267 = arith.index_cast %get3A_266 : i32 to index
          %get3A_268 = arith.index_cast %mul3A_160 : i32 to index
          %get3A_269 = tpu.vector_load %arg5[%get3A_267, %get3A_268] {strides = array<i32>} : memref<16x512xf32, #tpu.memory_space<vmem>>, vector<16xf32>,
          tpu.vector_store_idx %arg7[%shift_right_arithmetic3A_164, %add3A_265], %get3A_269 : memref<64x128xf32, #tpu.memory_space<vmem>>[vector<16xi32>, vector<16xi32>], vector<16xf32>,
          %add3A_270 = arith.constant 14 : i32
          %add3A_271 = vector.broadcast %add3A_270 : i32 to vector<16xi32>
          %add3A_272 = arith.addi %mul3A_172, %add3A_271 : vector<16xi32>
          %get3A_273 = arith.constant 14 : i32
          %get3A_274 = arith.index_cast %get3A_273 : i32 to index
          %get3A_275 = arith.index_cast %mul3A_160 : i32 to index
          %get3A_276 = tpu.vector_load %arg5[%get3A_274, %get3A_275] {strides = array<i32>} : memref<16x512xf32, #tpu.memory_space<vmem>>, vector<16xf32>,
          tpu.vector_store_idx %arg7[%shift_right_arithmetic3A_164, %add3A_272], %get3A_276 : memref<64x128xf32, #tpu.memory_space<vmem>>[vector<16xi32>, vector<16xi32>], vector<16xf32>,
          %add3A_277 = arith.constant 15 : i32
          %add3A_278 = vector.broadcast %add3A_277 : i32 to vector<16xi32>
          %add3A_279 = arith.addi %mul3A_172, %add3A_278 : vector<16xi32>
          %get3A_280 = arith.constant 15 : i32
          %get3A_281 = arith.index_cast %get3A_280 : i32 to index
          %get3A_282 = arith.index_cast %mul3A_160 : i32 to index
          %get3A_283 = tpu.vector_load %arg5[%get3A_281, %get3A_282] {strides = array<i32>} : memref<16x512xf32, #tpu.memory_space<vmem>>, vector<16xf32>,
          tpu.vector_store_idx %arg7[%shift_right_arithmetic3A_164, %add3A_279], %get3A_283 : memref<64x128xf32, #tpu.memory_space<vmem>>[vector<16xi32>, vector<16xi32>], vector<16xf32>,
        }
        %scan3A_126 = arith.constant 32 : i32
        %mul3A_127 = arith.constant 512 : i32
        %mul3A_128 = arith.muli %while3A_62, %mul3A_127 : i32
        %add3A_129 = arith.addi %mul3A_2, %mul3A_128 : i32
        %mul3A_130 = arith.constant 16 : i32
        %mul3A_131 = arith.muli %add3A_129, %mul3A_130 : i32
        %jit3A_132 = arith.constant 128 : i32
        %div3A = arith.divsi %mul3A_131, %jit3A_132 : i32
        %sign3A = arith.constant 0 : i32
        %sign3A_133 = arith.cmpi sgt, %mul3A_131, %sign3A : i32
        %sign3A_134 = arith.extui %sign3A_133 : i1 to i32
        %sign3A_135 = arith.constant 0 : i32
        %sign3A_136 = arith.cmpi slt, %mul3A_131, %sign3A_135 : i32
        %sign3A_137 = arith.extui %sign3A_136 : i1 to i32
        %sign3A_138 = arith.subi %sign3A_134, %sign3A_137 : i32
        %sign3A_139 = arith.constant 0 : i32
        %sign3A_140 = arith.cmpi sgt, %jit3A_132, %sign3A_139 : i32
        %sign3A_141 = arith.extui %sign3A_140 : i1 to i32
        %sign3A_142 = arith.constant 0 : i32
        %sign3A_143 = arith.cmpi slt, %jit3A_132, %sign3A_142 : i32
        %sign3A_144 = arith.extui %sign3A_143 : i1 to i32
        %sign3A_145 = arith.subi %sign3A_141, %sign3A_144 : i32
        %ne3A_146 = arith.cmpi ne, %sign3A_138, %sign3A_145 : i32
        %rem3A_147 = arith.remsi %mul3A_131, %jit3A_132 : i32
        %ne3A_148 = arith.constant 0 : i32
        %ne3A_149 = arith.cmpi ne, %rem3A_147, %ne3A_148 : i32
        %and3A_150 = arith.andi %ne3A_146, %ne3A_149 : i1
        %sub3A = arith.constant 1 : i32
        %sub3A_151 = arith.subi %div3A, %sub3A : i32
        %select_n3A_152 = arith.select %and3A_150, %sub3A_151, %div3A : i32
        %multiple_of3A_153 = tpu.assume_multiple %select_n3A_152, 8 : i32
        %dma_start3A_154 = arith.constant 0 : i32
        %dma_start3A_155 = tpu.memref_slice %arg4[%multiple_of3A_153, %dma_start3A_154] : memref<125008x128xf32, #tpu.memory_space<hbm>> -> memref<64x128xf32, #tpu.memory_space<hbm>>
        %dma_start3A_156 = arith.constant 0 : i32
        %dma_start3A_157 = tpu.memref_slice %arg4[%multiple_of3A_153, %dma_start3A_156] : memref<125008x128xf32, #tpu.memory_space<hbm>> -> memref<64x128xf32, #tpu.memory_space<hbm>>
        tpu.enqueue_dma source(%arg7 : memref<64x128xf32, #tpu.memory_space<vmem>>) target(%dma_start3A_157 : memref<64x128xf32, #tpu.memory_space<hbm>>) target_semaphore(%arg11 : memref<!tpu.dma_semaphore, #tpu.memory_space<semaphore_mem>>)
      } else {
      }
      %jit3A_90 = arith.constant 2 : i32
      %eq3A_91 = arith.constant 0 : i32
      %eq3A_92 = arith.cmpi eq, %jit3A_90, %eq3A_91 : i32
      %jit3A_93 = arith.constant 1 : i32
      %select_n3A_94 = arith.select %eq3A_92, %jit3A_93, %jit3A_90 : i32
      %rem3A_95 = arith.remsi %while3A_62, %select_n3A_94 : i32
      %ne3A_96 = arith.constant 0 : i32
      %ne3A_97 = arith.cmpi ne, %rem3A_95, %ne3A_96 : i32
      %lt3A_98 = arith.constant 0 : i32
      %lt3A_99 = arith.cmpi slt, %rem3A_95, %lt3A_98 : i32
      %lt3A_100 = arith.constant 0 : i32
      %lt3A_101 = arith.cmpi slt, %select_n3A_94, %lt3A_100 : i32
      %ne3A_102 = arith.xori %lt3A_99, %lt3A_101 : i1
      %and3A_103 = arith.andi %ne3A_102, %ne3A_97 : i1
      %add3A_104 = arith.addi %rem3A_95, %select_n3A_94 : i32
      %select_n3A_105 = arith.select %and3A_103, %add3A_104, %rem3A_95 : i32
      %eq3A_106 = arith.constant 1 : i32
      %eq3A_107 = arith.cmpi eq, %select_n3A_105, %eq3A_106 : i32
      %convert_element_type3A_108 = arith.extui %eq3A_107 : i1 to i32
      %cond3A_109 = arith.constant 0 : i32
      %cond3A_110 = arith.cmpi ne, %convert_element_type3A_108, %cond3A_109 : i32
      scf.if %cond3A_110 {
        %mul3A_111 = arith.constant 512 : i32
        %mul3A_112 = arith.muli %while3A_62, %mul3A_111 : i32
        %add3A_113 = arith.addi %mul3A_2, %mul3A_112 : i32
        %multiple_of3A_114 = tpu.assume_multiple %add3A_113, 64 : i32
        %dma_wait3A = arith.constant 0 : i32
        %dma_wait3A_115 = tpu.memref_slice %arg2[%dma_wait3A, %multiple_of3A_114] : memref<16x1000000xf32, #tpu.memory_space<hbm>> -> memref<16x512xf32, #tpu.memory_space<hbm>>
        %dma_wait3A_116 = arith.constant 0 : i32
        %dma_wait3A_117 = tpu.memref_slice %arg2[%dma_wait3A_116, %multiple_of3A_114] : memref<16x1000000xf32, #tpu.memory_space<hbm>> -> memref<16x512xf32, #tpu.memory_space<hbm>>
        tpu.wait_dma2 semaphore(%arg10 : memref<!tpu.dma_semaphore, #tpu.memory_space<semaphore_mem>>) src(%dma_wait3A_117 : memref<16x512xf32, #tpu.memory_space<hbm>>) dst(%arg6 : memref<16x512xf32, #tpu.memory_space<vmem>>)
        %ge3A = arith.constant 2 : i32
        %ge3A_118 = arith.cmpi sge, %while3A_62, %ge3A : i32
        %convert_element_type3A_119 = arith.extui %ge3A_118 : i1 to i32
        %cond3A_120 = arith.constant 0 : i32
        %cond3A_121 = arith.cmpi ne, %convert_element_type3A_119, %cond3A_120 : i32
        scf.if %cond3A_121 {
          %sub3A_158 = arith.constant 2 : i32
          %sub3A_159 = arith.subi %while3A_62, %sub3A_158 : i32
          %mul3A_160 = arith.constant 512 : i32
          %mul3A_161 = arith.muli %sub3A_159, %mul3A_160 : i32
          %add3A_162 = arith.addi %mul3A_2, %mul3A_161 : i32
          %mul3A_163 = arith.constant 16 : i32
          %mul3A_164 = arith.muli %add3A_162, %mul3A_163 : i32
          %jit3A_165 = arith.constant 128 : i32
          %div3A_166 = arith.divsi %mul3A_164, %jit3A_165 : i32
          %sign3A_167 = arith.constant 0 : i32
          %sign3A_168 = arith.cmpi sgt, %mul3A_164, %sign3A_167 : i32
          %sign3A_169 = arith.extui %sign3A_168 : i1 to i32
          %sign3A_170 = arith.constant 0 : i32
          %sign3A_171 = arith.cmpi slt, %mul3A_164, %sign3A_170 : i32
          %sign3A_172 = arith.extui %sign3A_171 : i1 to i32
          %sign3A_173 = arith.subi %sign3A_169, %sign3A_172 : i32
          %sign3A_174 = arith.constant 0 : i32
          %sign3A_175 = arith.cmpi sgt, %jit3A_165, %sign3A_174 : i32
          %sign3A_176 = arith.extui %sign3A_175 : i1 to i32
          %sign3A_177 = arith.constant 0 : i32
          %sign3A_178 = arith.cmpi slt, %jit3A_165, %sign3A_177 : i32
          %sign3A_179 = arith.extui %sign3A_178 : i1 to i32
          %sign3A_180 = arith.subi %sign3A_176, %sign3A_179 : i32
          %ne3A_181 = arith.cmpi ne, %sign3A_173, %sign3A_180 : i32
          %rem3A_182 = arith.remsi %mul3A_164, %jit3A_165 : i32
          %ne3A_183 = arith.constant 0 : i32
          %ne3A_184 = arith.cmpi ne, %rem3A_182, %ne3A_183 : i32
          %and3A_185 = arith.andi %ne3A_181, %ne3A_184 : i1
          %sub3A_186 = arith.constant 1 : i32
          %sub3A_187 = arith.subi %div3A_166, %sub3A_186 : i32
          %select_n3A_188 = arith.select %and3A_185, %sub3A_187, %div3A_166 : i32
          %multiple_of3A_189 = tpu.assume_multiple %select_n3A_188, 8 : i32
          %dma_wait3A_190 = arith.constant 0 : i32
          %dma_wait3A_191 = tpu.memref_slice %arg4[%multiple_of3A_189, %dma_wait3A_190] : memref<125008x128xf32, #tpu.memory_space<hbm>> -> memref<64x128xf32, #tpu.memory_space<hbm>>
          %dma_wait3A_192 = arith.constant 0 : i32
          %dma_wait3A_193 = tpu.memref_slice %arg4[%multiple_of3A_189, %dma_wait3A_192] : memref<125008x128xf32, #tpu.memory_space<hbm>> -> memref<64x128xf32, #tpu.memory_space<hbm>>
          tpu.wait_dma2 semaphore(%arg12 : memref<!tpu.dma_semaphore, #tpu.memory_space<semaphore_mem>>) src(%arg8 : memref<64x128xf32, #tpu.memory_space<vmem>>) dst(%dma_wait3A_193 : memref<64x128xf32, #tpu.memory_space<hbm>>)
        } else {
        }
        %scan3A = arith.constant 0 : i32
        %scan3A_122 = arith.constant 0 : i32
        %scan3A_123 = arith.constant 32 : i32
        %scan3A_124 = arith.addi %scan3A_122, %scan3A_123 : i32
        %scan3A_125 = arith.constant 1 : i32
        scf.for %scan3A_158 = %scan3A_122 to %scan3A_124 step %scan3A_125  : i32 {
          %mul3A_159 = arith.constant 16 : i32
          %mul3A_160 = arith.muli %scan3A_158, %mul3A_159 : i32
          %add3A_161 = vector.broadcast %mul3A_160 : i32 to vector<16xi32>
          %add3A_162 = arith.addi %add3A_161, %iota3A : vector<16xi32>
          %shift_right_arithmetic3A = arith.constant 3 : i32
          %shift_right_arithmetic3A_163 = vector.broadcast %shift_right_arithmetic3A : i32 to vector<16xi32>
          %shift_right_arithmetic3A_164 = arith.shrsi %add3A_162, %shift_right_arithmetic3A_163 : vector<16xi32>
          %add3A_165 = vector.broadcast %mul3A_160 : i32 to vector<16xi32>
          %add3A_166 = arith.addi %add3A_165, %iota3A : vector<16xi32>
          %and3A_167 = arith.constant 7 : i32
          %and3A_168 = vector.broadcast %and3A_167 : i32 to vector<16xi32>
          %and3A_169 = arith.andi %add3A_166, %and3A_168 : vector<16xi32>
          %mul3A_170 = arith.constant 16 : i32
          %mul3A_171 = vector.broadcast %mul3A_170 : i32 to vector<16xi32>
          %mul3A_172 = arith.muli %and3A_169, %mul3A_171 : vector<16xi32>
          %add3A_173 = arith.constant 0 : i32
          %add3A_174 = vector.broadcast %add3A_173 : i32 to vector<16xi32>
          %add3A_175 = arith.addi %mul3A_172, %add3A_174 : vector<16xi32>
          %get3A = arith.constant 0 : i32
          %get3A_176 = arith.index_cast %get3A : i32 to index
          %get3A_177 = arith.index_cast %mul3A_160 : i32 to index
          %get3A_178 = tpu.vector_load %arg6[%get3A_176, %get3A_177] {strides = array<i32>} : memref<16x512xf32, #tpu.memory_space<vmem>>, vector<16xf32>,
          tpu.vector_store_idx %arg8[%shift_right_arithmetic3A_164, %add3A_175], %get3A_178 : memref<64x128xf32, #tpu.memory_space<vmem>>[vector<16xi32>, vector<16xi32>], vector<16xf32>,
          %add3A_179 = arith.constant 1 : i32
          %add3A_180 = vector.broadcast %add3A_179 : i32 to vector<16xi32>
          %add3A_181 = arith.addi %mul3A_172, %add3A_180 : vector<16xi32>
          %get3A_182 = arith.constant 1 : i32
          %get3A_183 = arith.index_cast %get3A_182 : i32 to index
          %get3A_184 = arith.index_cast %mul3A_160 : i32 to index
          %get3A_185 = tpu.vector_load %arg6[%get3A_183, %get3A_184] {strides = array<i32>} : memref<16x512xf32, #tpu.memory_space<vmem>>, vector<16xf32>,
          tpu.vector_store_idx %arg8[%shift_right_arithmetic3A_164, %add3A_181], %get3A_185 : memref<64x128xf32, #tpu.memory_space<vmem>>[vector<16xi32>, vector<16xi32>], vector<16xf32>,
          %add3A_186 = arith.constant 2 : i32
          %add3A_187 = vector.broadcast %add3A_186 : i32 to vector<16xi32>
          %add3A_188 = arith.addi %mul3A_172, %add3A_187 : vector<16xi32>
          %get3A_189 = arith.constant 2 : i32
          %get3A_190 = arith.index_cast %get3A_189 : i32 to index
          %get3A_191 = arith.index_cast %mul3A_160 : i32 to index
          %get3A_192 = tpu.vector_load %arg6[%get3A_190, %get3A_191] {strides = array<i32>} : memref<16x512xf32, #tpu.memory_space<vmem>>, vector<16xf32>,
          tpu.vector_store_idx %arg8[%shift_right_arithmetic3A_164, %add3A_188], %get3A_192 : memref<64x128xf32, #tpu.memory_space<vmem>>[vector<16xi32>, vector<16xi32>], vector<16xf32>,
          %add3A_193 = arith.constant 3 : i32
          %add3A_194 = vector.broadcast %add3A_193 : i32 to vector<16xi32>
          %add3A_195 = arith.addi %mul3A_172, %add3A_194 : vector<16xi32>
          %get3A_196 = arith.constant 3 : i32
          %get3A_197 = arith.index_cast %get3A_196 : i32 to index
          %get3A_198 = arith.index_cast %mul3A_160 : i32 to index
          %get3A_199 = tpu.vector_load %arg6[%get3A_197, %get3A_198] {strides = array<i32>} : memref<16x512xf32, #tpu.memory_space<vmem>>, vector<16xf32>,
          tpu.vector_store_idx %arg8[%shift_right_arithmetic3A_164, %add3A_195], %get3A_199 : memref<64x128xf32, #tpu.memory_space<vmem>>[vector<16xi32>, vector<16xi32>], vector<16xf32>,
          %add3A_200 = arith.constant 4 : i32
          %add3A_201 = vector.broadcast %add3A_200 : i32 to vector<16xi32>
          %add3A_202 = arith.addi %mul3A_172, %add3A_201 : vector<16xi32>
          %get3A_203 = arith.constant 4 : i32
          %get3A_204 = arith.index_cast %get3A_203 : i32 to index
          %get3A_205 = arith.index_cast %mul3A_160 : i32 to index
          %get3A_206 = tpu.vector_load %arg6[%get3A_204, %get3A_205] {strides = array<i32>} : memref<16x512xf32, #tpu.memory_space<vmem>>, vector<16xf32>,
          tpu.vector_store_idx %arg8[%shift_right_arithmetic3A_164, %add3A_202], %get3A_206 : memref<64x128xf32, #tpu.memory_space<vmem>>[vector<16xi32>, vector<16xi32>], vector<16xf32>,
          %add3A_207 = arith.constant 5 : i32
          %add3A_208 = vector.broadcast %add3A_207 : i32 to vector<16xi32>
          %add3A_209 = arith.addi %mul3A_172, %add3A_208 : vector<16xi32>
          %get3A_210 = arith.constant 5 : i32
          %get3A_211 = arith.index_cast %get3A_210 : i32 to index
          %get3A_212 = arith.index_cast %mul3A_160 : i32 to index
          %get3A_213 = tpu.vector_load %arg6[%get3A_211, %get3A_212] {strides = array<i32>} : memref<16x512xf32, #tpu.memory_space<vmem>>, vector<16xf32>,
          tpu.vector_store_idx %arg8[%shift_right_arithmetic3A_164, %add3A_209], %get3A_213 : memref<64x128xf32, #tpu.memory_space<vmem>>[vector<16xi32>, vector<16xi32>], vector<16xf32>,
          %add3A_214 = arith.constant 6 : i32
          %add3A_215 = vector.broadcast %add3A_214 : i32 to vector<16xi32>
          %add3A_216 = arith.addi %mul3A_172, %add3A_215 : vector<16xi32>
          %get3A_217 = arith.constant 6 : i32
          %get3A_218 = arith.index_cast %get3A_217 : i32 to index
          %get3A_219 = arith.index_cast %mul3A_160 : i32 to index
          %get3A_220 = tpu.vector_load %arg6[%get3A_218, %get3A_219] {strides = array<i32>} : memref<16x512xf32, #tpu.memory_space<vmem>>, vector<16xf32>,
          tpu.vector_store_idx %arg8[%shift_right_arithmetic3A_164, %add3A_216], %get3A_220 : memref<64x128xf32, #tpu.memory_space<vmem>>[vector<16xi32>, vector<16xi32>], vector<16xf32>,
          %add3A_221 = arith.constant 7 : i32
          %add3A_222 = vector.broadcast %add3A_221 : i32 to vector<16xi32>
          %add3A_223 = arith.addi %mul3A_172, %add3A_222 : vector<16xi32>
          %get3A_224 = arith.constant 7 : i32
          %get3A_225 = arith.index_cast %get3A_224 : i32 to index
          %get3A_226 = arith.index_cast %mul3A_160 : i32 to index
          %get3A_227 = tpu.vector_load %arg6[%get3A_225, %get3A_226] {strides = array<i32>} : memref<16x512xf32, #tpu.memory_space<vmem>>, vector<16xf32>,
          tpu.vector_store_idx %arg8[%shift_right_arithmetic3A_164, %add3A_223], %get3A_227 : memref<64x128xf32, #tpu.memory_space<vmem>>[vector<16xi32>, vector<16xi32>], vector<16xf32>,
          %add3A_228 = arith.constant 8 : i32
          %add3A_229 = vector.broadcast %add3A_228 : i32 to vector<16xi32>
          %add3A_230 = arith.addi %mul3A_172, %add3A_229 : vector<16xi32>
          %get3A_231 = arith.constant 8 : i32
          %get3A_232 = arith.index_cast %get3A_231 : i32 to index
          %get3A_233 = arith.index_cast %mul3A_160 : i32 to index
          %get3A_234 = tpu.vector_load %arg6[%get3A_232, %get3A_233] {strides = array<i32>} : memref<16x512xf32, #tpu.memory_space<vmem>>, vector<16xf32>,
          tpu.vector_store_idx %arg8[%shift_right_arithmetic3A_164, %add3A_230], %get3A_234 : memref<64x128xf32, #tpu.memory_space<vmem>>[vector<16xi32>, vector<16xi32>], vector<16xf32>,
          %add3A_235 = arith.constant 9 : i32
          %add3A_236 = vector.broadcast %add3A_235 : i32 to vector<16xi32>
          %add3A_237 = arith.addi %mul3A_172, %add3A_236 : vector<16xi32>
          %get3A_238 = arith.constant 9 : i32
          %get3A_239 = arith.index_cast %get3A_238 : i32 to index
          %get3A_240 = arith.index_cast %mul3A_160 : i32 to index
          %get3A_241 = tpu.vector_load %arg6[%get3A_239, %get3A_240] {strides = array<i32>} : memref<16x512xf32, #tpu.memory_space<vmem>>, vector<16xf32>,
          tpu.vector_store_idx %arg8[%shift_right_arithmetic3A_164, %add3A_237], %get3A_241 : memref<64x128xf32, #tpu.memory_space<vmem>>[vector<16xi32>, vector<16xi32>], vector<16xf32>,
          %add3A_242 = arith.constant 10 : i32
          %add3A_243 = vector.broadcast %add3A_242 : i32 to vector<16xi32>
          %add3A_244 = arith.addi %mul3A_172, %add3A_243 : vector<16xi32>
          %get3A_245 = arith.constant 10 : i32
          %get3A_246 = arith.index_cast %get3A_245 : i32 to index
          %get3A_247 = arith.index_cast %mul3A_160 : i32 to index
          %get3A_248 = tpu.vector_load %arg6[%get3A_246, %get3A_247] {strides = array<i32>} : memref<16x512xf32, #tpu.memory_space<vmem>>, vector<16xf32>,
          tpu.vector_store_idx %arg8[%shift_right_arithmetic3A_164, %add3A_244], %get3A_248 : memref<64x128xf32, #tpu.memory_space<vmem>>[vector<16xi32>, vector<16xi32>], vector<16xf32>,
          %add3A_249 = arith.constant 11 : i32
          %add3A_250 = vector.broadcast %add3A_249 : i32 to vector<16xi32>
          %add3A_251 = arith.addi %mul3A_172, %add3A_250 : vector<16xi32>
          %get3A_252 = arith.constant 11 : i32
          %get3A_253 = arith.index_cast %get3A_252 : i32 to index
          %get3A_254 = arith.index_cast %mul3A_160 : i32 to index
          %get3A_255 = tpu.vector_load %arg6[%get3A_253, %get3A_254] {strides = array<i32>} : memref<16x512xf32, #tpu.memory_space<vmem>>, vector<16xf32>,
          tpu.vector_store_idx %arg8[%shift_right_arithmetic3A_164, %add3A_251], %get3A_255 : memref<64x128xf32, #tpu.memory_space<vmem>>[vector<16xi32>, vector<16xi32>], vector<16xf32>,
          %add3A_256 = arith.constant 12 : i32
          %add3A_257 = vector.broadcast %add3A_256 : i32 to vector<16xi32>
          %add3A_258 = arith.addi %mul3A_172, %add3A_257 : vector<16xi32>
          %get3A_259 = arith.constant 12 : i32
          %get3A_260 = arith.index_cast %get3A_259 : i32 to index
          %get3A_261 = arith.index_cast %mul3A_160 : i32 to index
          %get3A_262 = tpu.vector_load %arg6[%get3A_260, %get3A_261] {strides = array<i32>} : memref<16x512xf32, #tpu.memory_space<vmem>>, vector<16xf32>,
          tpu.vector_store_idx %arg8[%shift_right_arithmetic3A_164, %add3A_258], %get3A_262 : memref<64x128xf32, #tpu.memory_space<vmem>>[vector<16xi32>, vector<16xi32>], vector<16xf32>,
          %add3A_263 = arith.constant 13 : i32
          %add3A_264 = vector.broadcast %add3A_263 : i32 to vector<16xi32>
          %add3A_265 = arith.addi %mul3A_172, %add3A_264 : vector<16xi32>
          %get3A_266 = arith.constant 13 : i32
          %get3A_267 = arith.index_cast %get3A_266 : i32 to index
          %get3A_268 = arith.index_cast %mul3A_160 : i32 to index
          %get3A_269 = tpu.vector_load %arg6[%get3A_267, %get3A_268] {strides = array<i32>} : memref<16x512xf32, #tpu.memory_space<vmem>>, vector<16xf32>,
          tpu.vector_store_idx %arg8[%shift_right_arithmetic3A_164, %add3A_265], %get3A_269 : memref<64x128xf32, #tpu.memory_space<vmem>>[vector<16xi32>, vector<16xi32>], vector<16xf32>,
          %add3A_270 = arith.constant 14 : i32
          %add3A_271 = vector.broadcast %add3A_270 : i32 to vector<16xi32>
          %add3A_272 = arith.addi %mul3A_172, %add3A_271 : vector<16xi32>
          %get3A_273 = arith.constant 14 : i32
          %get3A_274 = arith.index_cast %get3A_273 : i32 to index
          %get3A_275 = arith.index_cast %mul3A_160 : i32 to index
          %get3A_276 = tpu.vector_load %arg6[%get3A_274, %get3A_275] {strides = array<i32>} : memref<16x512xf32, #tpu.memory_space<vmem>>, vector<16xf32>,
          tpu.vector_store_idx %arg8[%shift_right_arithmetic3A_164, %add3A_272], %get3A_276 : memref<64x128xf32, #tpu.memory_space<vmem>>[vector<16xi32>, vector<16xi32>], vector<16xf32>,
          %add3A_277 = arith.constant 15 : i32
          %add3A_278 = vector.broadcast %add3A_277 : i32 to vector<16xi32>
          %add3A_279 = arith.addi %mul3A_172, %add3A_278 : vector<16xi32>
          %get3A_280 = arith.constant 15 : i32
          %get3A_281 = arith.index_cast %get3A_280 : i32 to index
          %get3A_282 = arith.index_cast %mul3A_160 : i32 to index
          %get3A_283 = tpu.vector_load %arg6[%get3A_281, %get3A_282] {strides = array<i32>} : memref<16x512xf32, #tpu.memory_space<vmem>>, vector<16xf32>,
          tpu.vector_store_idx %arg8[%shift_right_arithmetic3A_164, %add3A_279], %get3A_283 : memref<64x128xf32, #tpu.memory_space<vmem>>[vector<16xi32>, vector<16xi32>], vector<16xf32>,
        }
        %scan3A_126 = arith.constant 32 : i32
        %mul3A_127 = arith.constant 512 : i32
        %mul3A_128 = arith.muli %while3A_62, %mul3A_127 : i32
        %add3A_129 = arith.addi %mul3A_2, %mul3A_128 : i32
        %mul3A_130 = arith.constant 16 : i32
        %mul3A_131 = arith.muli %add3A_129, %mul3A_130 : i32
        %jit3A_132 = arith.constant 128 : i32
        %div3A = arith.divsi %mul3A_131, %jit3A_132 : i32
        %sign3A = arith.constant 0 : i32
        %sign3A_133 = arith.cmpi sgt, %mul3A_131, %sign3A : i32
        %sign3A_134 = arith.extui %sign3A_133 : i1 to i32
        %sign3A_135 = arith.constant 0 : i32
        %sign3A_136 = arith.cmpi slt, %mul3A_131, %sign3A_135 : i32
        %sign3A_137 = arith.extui %sign3A_136 : i1 to i32
        %sign3A_138 = arith.subi %sign3A_134, %sign3A_137 : i32
        %sign3A_139 = arith.constant 0 : i32
        %sign3A_140 = arith.cmpi sgt, %jit3A_132, %sign3A_139 : i32
        %sign3A_141 = arith.extui %sign3A_140 : i1 to i32
        %sign3A_142 = arith.constant 0 : i32
        %sign3A_143 = arith.cmpi slt, %jit3A_132, %sign3A_142 : i32
        %sign3A_144 = arith.extui %sign3A_143 : i1 to i32
        %sign3A_145 = arith.subi %sign3A_141, %sign3A_144 : i32
        %ne3A_146 = arith.cmpi ne, %sign3A_138, %sign3A_145 : i32
        %rem3A_147 = arith.remsi %mul3A_131, %jit3A_132 : i32
        %ne3A_148 = arith.constant 0 : i32
        %ne3A_149 = arith.cmpi ne, %rem3A_147, %ne3A_148 : i32
        %and3A_150 = arith.andi %ne3A_146, %ne3A_149 : i1
        %sub3A = arith.constant 1 : i32
        %sub3A_151 = arith.subi %div3A, %sub3A : i32
        %select_n3A_152 = arith.select %and3A_150, %sub3A_151, %div3A : i32
        %multiple_of3A_153 = tpu.assume_multiple %select_n3A_152, 8 : i32
        %dma_start3A_154 = arith.constant 0 : i32
        %dma_start3A_155 = tpu.memref_slice %arg4[%multiple_of3A_153, %dma_start3A_154] : memref<125008x128xf32, #tpu.memory_space<hbm>> -> memref<64x128xf32, #tpu.memory_space<hbm>>
        %dma_start3A_156 = arith.constant 0 : i32
        %dma_start3A_157 = tpu.memref_slice %arg4[%multiple_of3A_153, %dma_start3A_156] : memref<125008x128xf32, #tpu.memory_space<hbm>> -> memref<64x128xf32, #tpu.memory_space<hbm>>
        tpu.enqueue_dma source(%arg8 : memref<64x128xf32, #tpu.memory_space<vmem>>) target(%dma_start3A_157 : memref<64x128xf32, #tpu.memory_space<hbm>>) target_semaphore(%arg12 : memref<!tpu.dma_semaphore, #tpu.memory_space<semaphore_mem>>)
      } else {
      }
    }
    %jit3A_21 = arith.constant 2 : i32
    %eq3A_22 = arith.constant 0 : i32
    %eq3A_23 = arith.cmpi eq, %jit3A_21, %eq3A_22 : i32
    %jit3A_24 = arith.constant 1 : i32
    %select_n3A_25 = arith.select %eq3A_23, %jit3A_24, %jit3A_21 : i32
    %rem3A = arith.remsi %add3A_6, %select_n3A_25 : i32
    %ne3A = arith.constant 0 : i32
    %ne3A_26 = arith.cmpi ne, %rem3A, %ne3A : i32
    %lt3A = arith.constant 0 : i32
    %lt3A_27 = arith.cmpi slt, %rem3A, %lt3A : i32
    %lt3A_28 = arith.constant 0 : i32
    %lt3A_29 = arith.cmpi slt, %select_n3A_25, %lt3A_28 : i32
    %ne3A_30 = arith.xori %lt3A_27, %lt3A_29 : i1
    %and3A = arith.andi %ne3A_30, %ne3A_26 : i1
    %add3A_31 = arith.addi %rem3A, %select_n3A_25 : i32
    %select_n3A_32 = arith.select %and3A, %add3A_31, %rem3A : i32
    %eq3A_33 = arith.constant 0 : i32
    %eq3A_34 = arith.cmpi eq, %select_n3A_32, %eq3A_33 : i32
    %convert_element_type3A = arith.extui %eq3A_34 : i1 to i32
    %cond3A = arith.constant 0 : i32
    %cond3A_35 = arith.cmpi ne, %convert_element_type3A, %cond3A : i32
    scf.if %cond3A_35 {
      %sub3A = arith.constant 2 : i32
      %sub3A_62 = arith.subi %add3A_6, %sub3A : i32
      %mul3A_63 = arith.constant 512 : i32
      %mul3A_64 = arith.muli %sub3A_62, %mul3A_63 : i32
      %add3A_65 = arith.addi %mul3A_2, %mul3A_64 : i32
      %mul3A_66 = arith.constant 16 : i32
      %mul3A_67 = arith.muli %add3A_65, %mul3A_66 : i32
      %jit3A_68 = arith.constant 128 : i32
      %div3A = arith.divsi %mul3A_67, %jit3A_68 : i32
      %sign3A = arith.constant 0 : i32
      %sign3A_69 = arith.cmpi sgt, %mul3A_67, %sign3A : i32
      %sign3A_70 = arith.extui %sign3A_69 : i1 to i32
      %sign3A_71 = arith.constant 0 : i32
      %sign3A_72 = arith.cmpi slt, %mul3A_67, %sign3A_71 : i32
      %sign3A_73 = arith.extui %sign3A_72 : i1 to i32
      %sign3A_74 = arith.subi %sign3A_70, %sign3A_73 : i32
      %sign3A_75 = arith.constant 0 : i32
      %sign3A_76 = arith.cmpi sgt, %jit3A_68, %sign3A_75 : i32
      %sign3A_77 = arith.extui %sign3A_76 : i1 to i32
      %sign3A_78 = arith.constant 0 : i32
      %sign3A_79 = arith.cmpi slt, %jit3A_68, %sign3A_78 : i32
      %sign3A_80 = arith.extui %sign3A_79 : i1 to i32
      %sign3A_81 = arith.subi %sign3A_77, %sign3A_80 : i32
      %ne3A_82 = arith.cmpi ne, %sign3A_74, %sign3A_81 : i32
      %rem3A_83 = arith.remsi %mul3A_67, %jit3A_68 : i32
      %ne3A_84 = arith.constant 0 : i32
      %ne3A_85 = arith.cmpi ne, %rem3A_83, %ne3A_84 : i32
      %and3A_86 = arith.andi %ne3A_82, %ne3A_85 : i1
      %sub3A_87 = arith.constant 1 : i32
      %sub3A_88 = arith.subi %div3A, %sub3A_87 : i32
      %select_n3A_89 = arith.select %and3A_86, %sub3A_88, %div3A : i32
      %multiple_of3A_90 = tpu.assume_multiple %select_n3A_89, 8 : i32
      %dma_wait3A = arith.constant 0 : i32
      %dma_wait3A_91 = tpu.memref_slice %arg4[%multiple_of3A_90, %dma_wait3A] : memref<125008x128xf32, #tpu.memory_space<hbm>> -> memref<64x128xf32, #tpu.memory_space<hbm>>
      %dma_wait3A_92 = arith.constant 0 : i32
      %dma_wait3A_93 = tpu.memref_slice %arg4[%multiple_of3A_90, %dma_wait3A_92] : memref<125008x128xf32, #tpu.memory_space<hbm>> -> memref<64x128xf32, #tpu.memory_space<hbm>>
      tpu.wait_dma2 semaphore(%arg11 : memref<!tpu.dma_semaphore, #tpu.memory_space<semaphore_mem>>) src(%arg7 : memref<64x128xf32, #tpu.memory_space<vmem>>) dst(%dma_wait3A_93 : memref<64x128xf32, #tpu.memory_space<hbm>>)
      %sub3A_94 = arith.constant 1 : i32
      %sub3A_95 = arith.subi %add3A_6, %sub3A_94 : i32
      %mul3A_96 = arith.constant 512 : i32
      %mul3A_97 = arith.muli %sub3A_95, %mul3A_96 : i32
      %add3A_98 = arith.addi %mul3A_2, %mul3A_97 : i32
      %mul3A_99 = arith.constant 16 : i32
      %mul3A_100 = arith.muli %add3A_98, %mul3A_99 : i32
      %jit3A_101 = arith.constant 128 : i32
      %div3A_102 = arith.divsi %mul3A_100, %jit3A_101 : i32
      %sign3A_103 = arith.constant 0 : i32
      %sign3A_104 = arith.cmpi sgt, %mul3A_100, %sign3A_103 : i32
      %sign3A_105 = arith.extui %sign3A_104 : i1 to i32
      %sign3A_106 = arith.constant 0 : i32
      %sign3A_107 = arith.cmpi slt, %mul3A_100, %sign3A_106 : i32
      %sign3A_108 = arith.extui %sign3A_107 : i1 to i32
      %sign3A_109 = arith.subi %sign3A_105, %sign3A_108 : i32
      %sign3A_110 = arith.constant 0 : i32
      %sign3A_111 = arith.cmpi sgt, %jit3A_101, %sign3A_110 : i32
      %sign3A_112 = arith.extui %sign3A_111 : i1 to i32
      %sign3A_113 = arith.constant 0 : i32
      %sign3A_114 = arith.cmpi slt, %jit3A_101, %sign3A_113 : i32
      %sign3A_115 = arith.extui %sign3A_114 : i1 to i32
      %sign3A_116 = arith.subi %sign3A_112, %sign3A_115 : i32
      %ne3A_117 = arith.cmpi ne, %sign3A_109, %sign3A_116 : i32
      %rem3A_118 = arith.remsi %mul3A_100, %jit3A_101 : i32
      %ne3A_119 = arith.constant 0 : i32
      %ne3A_120 = arith.cmpi ne, %rem3A_118, %ne3A_119 : i32
      %and3A_121 = arith.andi %ne3A_117, %ne3A_120 : i1
      %sub3A_122 = arith.constant 1 : i32
      %sub3A_123 = arith.subi %div3A_102, %sub3A_122 : i32
      %select_n3A_124 = arith.select %and3A_121, %sub3A_123, %div3A_102 : i32
      %multiple_of3A_125 = tpu.assume_multiple %select_n3A_124, 8 : i32
      %dma_wait3A_126 = arith.constant 0 : i32
      %dma_wait3A_127 = tpu.memref_slice %arg4[%multiple_of3A_125, %dma_wait3A_126] : memref<125008x128xf32, #tpu.memory_space<hbm>> -> memref<64x128xf32, #tpu.memory_space<hbm>>
      %dma_wait3A_128 = arith.constant 0 : i32
      %dma_wait3A_129 = tpu.memref_slice %arg4[%multiple_of3A_125, %dma_wait3A_128] : memref<125008x128xf32, #tpu.memory_space<hbm>> -> memref<64x128xf32, #tpu.memory_space<hbm>>
      tpu.wait_dma2 semaphore(%arg12 : memref<!tpu.dma_semaphore, #tpu.memory_space<semaphore_mem>>) src(%arg8 : memref<64x128xf32, #tpu.memory_space<vmem>>) dst(%dma_wait3A_129 : memref<64x128xf32, #tpu.memory_space<hbm>>)
    } else {
    }
    %jit3A_36 = arith.constant 2 : i32
    %eq3A_37 = arith.constant 0 : i32
    %eq3A_38 = arith.cmpi eq, %jit3A_36, %eq3A_37 : i32
    %jit3A_39 = arith.constant 1 : i32
    %select_n3A_40 = arith.select %eq3A_38, %jit3A_39, %jit3A_36 : i32
    %rem3A_41 = arith.remsi %add3A_6, %select_n3A_40 : i32
    %ne3A_42 = arith.constant 0 : i32
    %ne3A_43 = arith.cmpi ne, %rem3A_41, %ne3A_42 : i32
    %lt3A_44 = arith.constant 0 : i32
    %lt3A_45 = arith.cmpi slt, %rem3A_41, %lt3A_44 : i32
    %lt3A_46 = arith.constant 0 : i32
    %lt3A_47 = arith.cmpi slt, %select_n3A_40, %lt3A_46 : i32
    %ne3A_48 = arith.xori %lt3A_45, %lt3A_47 : i1
    %and3A_49 = arith.andi %ne3A_48, %ne3A_43 : i1
    %add3A_50 = arith.addi %rem3A_41, %select_n3A_40 : i32
    %select_n3A_51 = arith.select %and3A_49, %add3A_50, %rem3A_41 : i32
    %eq3A_52 = arith.constant 1 : i32
    %eq3A_53 = arith.cmpi eq, %select_n3A_51, %eq3A_52 : i32
    %convert_element_type3A_54 = arith.extui %eq3A_53 : i1 to i32
    %cond3A_55 = arith.constant 0 : i32
    %cond3A_56 = arith.cmpi ne, %convert_element_type3A_54, %cond3A_55 : i32
    scf.if %cond3A_56 {
      %sub3A = arith.constant 2 : i32
      %sub3A_62 = arith.subi %add3A_6, %sub3A : i32
      %mul3A_63 = arith.constant 512 : i32
      %mul3A_64 = arith.muli %sub3A_62, %mul3A_63 : i32
      %add3A_65 = arith.addi %mul3A_2, %mul3A_64 : i32
      %mul3A_66 = arith.constant 16 : i32
      %mul3A_67 = arith.muli %add3A_65, %mul3A_66 : i32
      %jit3A_68 = arith.constant 128 : i32
      %div3A = arith.divsi %mul3A_67, %jit3A_68 : i32
      %sign3A = arith.constant 0 : i32
      %sign3A_69 = arith.cmpi sgt, %mul3A_67, %sign3A : i32
      %sign3A_70 = arith.extui %sign3A_69 : i1 to i32
      %sign3A_71 = arith.constant 0 : i32
      %sign3A_72 = arith.cmpi slt, %mul3A_67, %sign3A_71 : i32
      %sign3A_73 = arith.extui %sign3A_72 : i1 to i32
      %sign3A_74 = arith.subi %sign3A_70, %sign3A_73 : i32
      %sign3A_75 = arith.constant 0 : i32
      %sign3A_76 = arith.cmpi sgt, %jit3A_68, %sign3A_75 : i32
      %sign3A_77 = arith.extui %sign3A_76 : i1 to i32
      %sign3A_78 = arith.constant 0 : i32
      %sign3A_79 = arith.cmpi slt, %jit3A_68, %sign3A_78 : i32
      %sign3A_80 = arith.extui %sign3A_79 : i1 to i32
      %sign3A_81 = arith.subi %sign3A_77, %sign3A_80 : i32
      %ne3A_82 = arith.cmpi ne, %sign3A_74, %sign3A_81 : i32
      %rem3A_83 = arith.remsi %mul3A_67, %jit3A_68 : i32
      %ne3A_84 = arith.constant 0 : i32
      %ne3A_85 = arith.cmpi ne, %rem3A_83, %ne3A_84 : i32
      %and3A_86 = arith.andi %ne3A_82, %ne3A_85 : i1
      %sub3A_87 = arith.constant 1 : i32
      %sub3A_88 = arith.subi %div3A, %sub3A_87 : i32
      %select_n3A_89 = arith.select %and3A_86, %sub3A_88, %div3A : i32
      %multiple_of3A_90 = tpu.assume_multiple %select_n3A_89, 8 : i32
      %dma_wait3A = arith.constant 0 : i32
      %dma_wait3A_91 = tpu.memref_slice %arg4[%multiple_of3A_90, %dma_wait3A] : memref<125008x128xf32, #tpu.memory_space<hbm>> -> memref<64x128xf32, #tpu.memory_space<hbm>>
      %dma_wait3A_92 = arith.constant 0 : i32
      %dma_wait3A_93 = tpu.memref_slice %arg4[%multiple_of3A_90, %dma_wait3A_92] : memref<125008x128xf32, #tpu.memory_space<hbm>> -> memref<64x128xf32, #tpu.memory_space<hbm>>
      tpu.wait_dma2 semaphore(%arg12 : memref<!tpu.dma_semaphore, #tpu.memory_space<semaphore_mem>>) src(%arg8 : memref<64x128xf32, #tpu.memory_space<vmem>>) dst(%dma_wait3A_93 : memref<64x128xf32, #tpu.memory_space<hbm>>)
      %sub3A_94 = arith.constant 1 : i32
      %sub3A_95 = arith.subi %add3A_6, %sub3A_94 : i32
      %mul3A_96 = arith.constant 512 : i32
      %mul3A_97 = arith.muli %sub3A_95, %mul3A_96 : i32
      %add3A_98 = arith.addi %mul3A_2, %mul3A_97 : i32
      %mul3A_99 = arith.constant 16 : i32
      %mul3A_100 = arith.muli %add3A_98, %mul3A_99 : i32
      %jit3A_101 = arith.constant 128 : i32
      %div3A_102 = arith.divsi %mul3A_100, %jit3A_101 : i32
      %sign3A_103 = arith.constant 0 : i32
      %sign3A_104 = arith.cmpi sgt, %mul3A_100, %sign3A_103 : i32
      %sign3A_105 = arith.extui %sign3A_104 : i1 to i32
      %sign3A_106 = arith.constant 0 : i32
      %sign3A_107 = arith.cmpi slt, %mul3A_100, %sign3A_106 : i32
      %sign3A_108 = arith.extui %sign3A_107 : i1 to i32
      %sign3A_109 = arith.subi %sign3A_105, %sign3A_108 : i32
      %sign3A_110 = arith.constant 0 : i32
      %sign3A_111 = arith.cmpi sgt, %jit3A_101, %sign3A_110 : i32
      %sign3A_112 = arith.extui %sign3A_111 : i1 to i32
      %sign3A_113 = arith.constant 0 : i32
      %sign3A_114 = arith.cmpi slt, %jit3A_101, %sign3A_113 : i32
      %sign3A_115 = arith.extui %sign3A_114 : i1 to i32
      %sign3A_116 = arith.subi %sign3A_112, %sign3A_115 : i32
      %ne3A_117 = arith.cmpi ne, %sign3A_109, %sign3A_116 : i32
      %rem3A_118 = arith.remsi %mul3A_100, %jit3A_101 : i32
      %ne3A_119 = arith.constant 0 : i32
      %ne3A_120 = arith.cmpi ne, %rem3A_118, %ne3A_119 : i32
      %and3A_121 = arith.andi %ne3A_117, %ne3A_120 : i1
      %sub3A_122 = arith.constant 1 : i32
      %sub3A_123 = arith.subi %div3A_102, %sub3A_122 : i32
      %select_n3A_124 = arith.select %and3A_121, %sub3A_123, %div3A_102 : i32
      %multiple_of3A_125 = tpu.assume_multiple %select_n3A_124, 8 : i32
      %dma_wait3A_126 = arith.constant 0 : i32
      %dma_wait3A_127 = tpu.memref_slice %arg4[%multiple_of3A_125, %dma_wait3A_126] : memref<125008x128xf32, #tpu.memory_space<hbm>> -> memref<64x128xf32, #tpu.memory_space<hbm>>
      %dma_wait3A_128 = arith.constant 0 : i32
      %dma_wait3A_129 = tpu.memref_slice %arg4[%multiple_of3A_125, %dma_wait3A_128] : memref<125008x128xf32, #tpu.memory_space<hbm>> -> memref<64x128xf32, #tpu.memory_space<hbm>>
      tpu.wait_dma2 semaphore(%arg11 : memref<!tpu.dma_semaphore, #tpu.memory_space<semaphore_mem>>) src(%arg7 : memref<64x128xf32, #tpu.memory_space<vmem>>) dst(%dma_wait3A_129 : memref<64x128xf32, #tpu.memory_space<hbm>>)
    } else {
    }
    %eq3A_57 = arith.constant 31 : i32
    %eq3A_58 = arith.cmpi eq, %add3A, %eq3A_57 : i32
    %convert_element_type3A_59 = arith.extui %eq3A_58 : i1 to i32
    %cond3A_60 = arith.constant 0 : i32
    %cond3A_61 = arith.cmpi ne, %convert_element_type3A_59, %cond3A_60 : i32
    scf.if %cond3A_61 {
      "tpu.region"() ({
        %run_scoped3A = tpu.sem_alloc : memref<!tpu.dma_semaphore, #tpu.memory_space<semaphore_mem>>
        %dma_start3A_62 = arith.constant 124992 : i32
        %dma_start3A_63 = arith.constant 0 : i32
        %dma_start3A_64 = tpu.memref_slice %arg4[%dma_start3A_62, %dma_start3A_63] : memref<125008x128xf32, #tpu.memory_space<hbm>> -> memref<8x128xf32, #tpu.memory_space<hbm>>
        tpu.enqueue_dma source(%arg3 : memref<8x128xf32, #tpu.memory_space<hbm>>) target(%dma_start3A_64 : memref<8x128xf32, #tpu.memory_space<hbm>>) target_semaphore(%run_scoped3A : memref<!tpu.dma_semaphore, #tpu.memory_space<semaphore_mem>>)
        %dma_wait3A = arith.constant 124992 : i32
        %dma_wait3A_65 = arith.constant 0 : i32
        %dma_wait3A_66 = tpu.memref_slice %arg4[%dma_wait3A, %dma_wait3A_65] : memref<125008x128xf32, #tpu.memory_space<hbm>> -> memref<8x128xf32, #tpu.memory_space<hbm>>
        tpu.wait_dma2 semaphore(%run_scoped3A : memref<!tpu.dma_semaphore, #tpu.memory_space<semaphore_mem>>) src(%arg3 : memref<8x128xf32, #tpu.memory_space<hbm>>) dst(%dma_wait3A_66 : memref<8x128xf32, #tpu.memory_space<hbm>>)
        tpu.yield
      }) : () -> ()
    } else {
    }
    return
  }
}

</mosaic_0001>

<sc_bundles>
// kernel: kernel.4.cloned.1.call-start
scs
__scs_entry_jumppad:
0x0: {  	(pc) =	sbr.rel $0x88, $3  }
0x1: {  	(tag) =	ssettag $0x0;
	lr =	simm.s32 $0x1  }
0x2: {  	[smem:$0x3F9E] =	sst lr;
	_ =	strace $0xD0000000  }
0x3: {  	_ = 	snop  }
0x4: {  	_ = 	snop  }
0x5: {  	_ = 	snop  }
0x6: {  	_ = 	snop  }
0x7: {  	_ = 	snop  }
__scs_overlays_trampoline_lowered:
0x8: {  	[smem:$0x3FAD] =	sst s0  }
0x9: {  	[smem:$0x3FAE] =	sst s1  }
0xa: {  	[smem:$0x3FAF] =	sst s2  }
0xb: {  	[smem:$0x3FB0] =	sst s3  }
0xc: {  	[smem:$0x3FB1] =	sst s4  }
0xd: {  	[smem:$0x3FB2] =	sst s5  }
0xe: {  	[smem:$0x3FB3] =	sst s6  }
0xf: {  	[smem:$0x3FB4] =	sst s7  }
0x10: {  	[smem:$0x3FB5] =	sst s8  }
0x11: {  	[smem:$0x3FB6] =	sst s9;
	s0 =	simm.s32 @!p0 $0x0  }
0x12: {  	s1 =	sld [smem:$0x3F9C];
	s0 =	simm.s32 @p0 $0x1  }
0x13: {  	[smem:$0x3FB7] =	sst s0;
	s0 =	simm.s32 @!p1 $0x0  }
0x14: {  	s2 =	sld [smem:$0x3F9B];
	s0 =	simm.s32 @p1 $0x1  }
0x15: {  	[smem:$0x3FB8] =	sst s0;
	s0 =	simm.s32 @!p2 $0x0  }
0x16: {  	s3 =	sld [smem:$0x3FDB];
	s0 =	simm.s32 @p2 $0x1  }
0x17: {  	s4 =	simm.s32 $0x1BF5;
	[smem:$0x3FBA] =	sst s0  }
0x18: {  	s0 =	sld [smem:$0x3F9D];
	_ =	swait.ge [sflag:s4], $0x0  }
0x19: {  	s7 =	sld [smem:$0x3F9E]  }
0x1a: {  	s8 =	sadd.s32 $0xFFFFE003, lr  }
0x1b: {  	s9 =	sadd.s32 $0xFFFFFEF7, lr;
	s5 =	simm.s32 $0xFFFFFFFF;
	p2 =	slt.u32 s8, $0xFFFFF086  }
0x1c: {  	p1 =	slt.u32 s9, $0xF7A;
	s5 =	simm.s32 @!p2 $0x0  }
0x1d: {  	s5 =	simm.s32 @p1 $0x1;
	p0 =	seq.s32 s7, s2  }
0x1e: {  	s7 =	smul.u32 @!p0 $0xF7A, s2;
	p2 =	seq.s32 @!p0 s5, $0x0  }
0x1f: {  	s9 =	smul.u32 $0xF7A, s1;
	s8 =	simm.s32 @!p0 $0x1BF5;
	p2 =	por !p2, p0  }
0x20: {  	[sflag:s8] =	ssyncset.s32 @!p0 $0xFFFFF086;
	s6 =	sadd.s32 @!p0 s3, s7;
	s7 =	simm.s32 @!p0 $0x108  }
0x21: {  	s3 =	sadd.s32 s3, s9;
	s6 =	sadd.s32 @!p0 $0x88, s6;
	s7 =	simm.s32 @p2 $0x1082  }
0x22: {  	[simem:s7], [sflag:s8] =	dma.local @!p0 [hbm:s6], $0xF7A  }
0x23: {  	s9 =	sor.u32 $0xD0000000, s2;
	s6 =	simm.s32 $0x108;
	_ =	swait.ge @!p0 [sflag:s8], $0x0  }
0x24: {  	s3 =	sadd.s32 $0x88, s3;
	s6 =	simm.s32 @!p1 $0x1082;
	[sflag:s4] =	ssyncset.s32 $0xFFFFF086  }
0x25: {  	[simem:s6], [sflag:s4] =	dma.local [hbm:s3], $0xF7A  }
0x26: {  	[smem:$0x3F9E] =	sst s1;
	(tag) =	ssettag s2;
	_ =	strace s9  }
0x27: {  	s1 =	sld [smem:$0x3FAE]  }
0x28: {  	s2 =	sld [smem:$0x3FAF]  }
0x29: {  	s4 =	sld [smem:$0x3FB1]  }
0x2a: {  	p0 =	seq.s32 s5, $0x0;
	s5 =	sld [smem:$0x3FB2]  }
0x2b: {  	s6 =	sld [smem:$0x3FB3]  }
0x2c: {  	s7 =	sld [smem:$0x3FB4]  }
0x2d: {  	s3 =	simm.s32 $0x108;
	s8 =	sld [smem:$0x3FB5]  }
0x2e: {  	s3 =	simm.s32 @!p0 $0x1082;
	s9 =	sld [smem:$0x3FB6]  }
0x2f: {  	lr =	sadd.s32 s0, s3;
	s0 =	sld [smem:$0x3FAD]  }
0x30: {  	s3 =	sld [smem:$0x3FB0]  }
0x31: {  	[smem:$0x3FB9] =	sst s10  }
0x32: {  	s10 =	sld [smem:$0x3FB7];
	_ =	sdelay $0x3  }
0x33: {  	p0 =	seq.s32 s10, $0x1;
	s10 =	sld [smem:$0x3FB9];
	_ =	sdelay $0x3  }
0x34: {  	[smem:$0x3FB9] =	sst s10  }
0x35: {  	s10 =	sld [smem:$0x3FB8];
	_ =	sdelay $0x3  }
0x36: {  	p1 =	seq.s32 s10, $0x1;
	s10 =	sld [smem:$0x3FB9];
	_ =	sdelay $0x3  }
0x37: {  	[smem:$0x3FB9] =	sst s10  }
0x38: {  	s10 =	sld [smem:$0x3FBA]  }
0x39: {  	_ = 	snop;
	(pc) =	sbr.ind lr, $3  }
0x3a: {  	_ = 	snop  }
0x3b: {  	_ = 	snop  }
0x3c: {  	p2 =	seq.s32 s10, $0x1;
	s10 =	sld [smem:$0x3FB9]  }
0x3d: {  	_ =	shalt  }
0x3e: {  	_ =	shalt  }
0x3f: {  	_ =	shalt  }
0x40: {  	_ =	shalt  }
0x41: {  	_ =	shalt  }
0x42: {  	_ =	shalt  }
0x43: {  	_ =	shalt  }
0x44: {  	_ =	shalt  }
0x45: {  	_ =	shalt  }
0x46: {  	_ =	shalt  }
0x47: {  	_ =	shalt  }
0x48: {  	_ =	shalt  }
0x49: {  	_ =	shalt  }
0x4a: {  	_ =	shalt  }
0x4b: {  	_ =	shalt  }
0x4c: {  	_ =	shalt  }
0x4d: {  	_ =	shalt  }
0x4e: {  	_ =	shalt  }
0x4f: {  	_ =	shalt  }
0x50: {  	_ =	shalt  }
0x51: {  	_ =	shalt  }
0x52: {  	_ =	shalt  }
0x53: {  	_ =	shalt  }
0x54: {  	_ =	shalt  }
0x55: {  	_ =	shalt  }
0x56: {  	_ =	shalt  }
0x57: {  	_ =	shalt  }
0x58: {  	_ =	shalt  }
0x59: {  	_ =	shalt  }
0x5a: {  	_ =	shalt  }
0x5b: {  	_ =	shalt  }
0x5c: {  	_ =	shalt  }
0x5d: {  	_ =	shalt  }
0x5e: {  	_ =	shalt  }
0x5f: {  	_ =	shalt  }
0x60: {  	_ =	shalt  }
0x61: {  	_ =	shalt  }
0x62: {  	_ =	shalt  }
0x63: {  	_ =	shalt  }
0x64: {  	_ =	shalt  }
0x65: {  	_ =	shalt  }
0x66: {  	_ =	shalt  }
0x67: {  	_ =	shalt  }
0x68: {  	_ =	shalt  }
0x69: {  	_ =	shalt  }
0x6a: {  	_ =	shalt  }
0x6b: {  	_ =	shalt  }
0x6c: {  	_ =	shalt  }
0x6d: {  	_ =	shalt  }
0x6e: {  	_ =	shalt  }
0x6f: {  	_ =	shalt  }
0x70: {  	_ =	shalt  }
0x71: {  	_ =	shalt  }
0x72: {  	_ =	shalt  }
0x73: {  	_ =	shalt  }
0x74: {  	_ =	shalt  }
0x75: {  	_ =	shalt  }
0x76: {  	_ =	shalt  }
0x77: {  	_ =	shalt  }
0x78: {  	_ =	shalt  }
0x79: {  	_ =	shalt  }
0x7a: {  	_ =	shalt  }
0x7b: {  	_ =	shalt  }
0x7c: {  	_ =	shalt  }
0x7d: {  	_ =	shalt  }
0x7e: {  	_ =	shalt  }
0x7f: {  	_ =	shalt  }
0x80: {  	_ =	shalt  }
0x81: {  	_ =	shalt  }
0x82: {  	_ =	shalt  }
0x83: {  	_ =	shalt  }
0x84: {  	_ =	shalt  }
0x85: {  	_ =	shalt  }
0x86: {  	_ =	shalt  }
0x87: {  	_ =	shalt  }
.Lfunc_end0:
.L_simem_size_0:
called_computation_lowered:
.L_overlay_start_0:
0x88: {  	s2 =	sld [smem:$0x3FD9]  }
0x89: {  	s3 =	sld [smem:$0x3FFE];
	_ =	sdelay $0x1  }
0x8a: {  	s1 =	srdreg.scid  }
0x8b: {  	s0 =	sand.u32 $0x1, s1  }
0x8c: {  	s17 =	sshll.u32 s0, $0xA;
	s2 =	sadd.s32 s3, s2  }
0x8d: {  	s2 =	sadd.s32 s2, s17  }
0x8e: {  	[smem:$0x3FC5] =	sst s2  }
0x8f: {  	_ = 	snop  }
0x90: {  	s2 =	sld [smem:$0x3FC7];
	(tm) =	ssettm $0x1  }
0x91: {  	s18 =	sld [smem:$0x3FFB];
	_ =	sdelay $0x3  }
0x92: {  	_ =	strace s18  }
0x93: {  	s3 =	sld [smem:$0x3FFC];
	_ =	sdelay $0x3  }
0x94: {  	_ =	strace s3  }
0x95: {  	s3 =	sld [smem:$0x3FFD];
	_ =	sdelay $0x3  }
0x96: {  	_ =	strace s3  }
0x97: {  	_ =	strace $0x8FFFFFFF  }
0x98: {  	s19 =	sld [smem:$0x3FDB];
	_ =	sdelay $0x1  }
0x99: {  	s4 =	simm.s32 $_scs_section_size  }
0x9a: {  	s5 =	simm.s32 $_size__tile_overlayer_lowered;
	s6 =	simm.s32 $_tile_overlayer_lowered  }
0x9b: {  	s22 =	simm.s32 $0x1BFF;
	s21 =	sshll.u32 s6, $0x1;
	s3 =	sadd.s32 s4, s19  }
0x9c: {  	s7 =	simm.s32 $0x0;
	s20 =	sshll.u32 s5, $0x1;
	s5 =	sadd.s32 s21, s3  }
0x9d: {  	[timem:s7], [sflag:s22] =	dma.local [hbm:s5], s20  }
0x9e: {  	_ =	swait.ge [sflag:s22], s20  }
0x9f: {  	s4 =	ssub.s32 $0x0, s20;
	[sflag:s22] =	ssyncset.done $0x0  }
0xa0: {  	[sflag:s22] =	ssyncadd.s32 s4;
	_ =	sdelay $0x1  }
0xa1: {  	s23 =	simm.s32 $0x1B8B  }
0xa2: {  	_ =	swait.ge [sflag:s23], $0x1  }
0xa3: {  	[sflag:s23] =	ssyncset.done $0x0  }
0xa4: {  	s25 =	simm.s32 $0x1B8E;
	s24 =	sld [smem:$0x3FFE];
	[sflag:s23] =	ssyncadd.s32 $0xFFFFFFFF  }
0xa5: {  	s26 =	simm.s32 $execute0_lowered;
	[smem:$0x3FD2] =	sst s25  }
0xa6: {  	s5 =	sshll.u32 s26, $0x1;
	_ =	strace $0x80000046;
	[dreg:$0x1] =	wrdreg $0xFFFFFFFF  }
0xa7: {  	s28 =	simm.s32 $_size_execute0_lowered;
	s3 =	sadd.s32 s3, s5;
	[dreg:$0x0] =	wrdreg $0x0  }
0xa8: {  	s5 =	sshll.u32 s28, $0x1;
	[dreg:$0x2] =	wrdreg s3  }
0xa9: {  	[dreg:$0x3] =	wrdreg s5  }
0xaa: {  	[dreg:$0x4] =	wrdreg $0xC0  }
0xab: {  	_ =	task [dreg:s7], $0x5FFFF  }
0xac: {  	[dreg:$0x1] =	wrdreg $0xFFFFFFFF  }
0xad: {  	[dreg:$0x0] =	wrdreg $0x60  }
0xae: {  	[dreg:$0x2] =	wrdreg s2  }
0xaf: {  	[dreg:$0x3] =	wrdreg s24  }
0xb0: {  	[dreg:$0x4] =	wrdreg $0x9  }
0xb1: {  	_ =	task.clear_ibuf [dreg:s7], $0x5FFFF;
	_ =	strace $0x90000046  }
0xb2: {  	s29 =	simm.s32 $0x9;
	_ =	strace $0x80000048  }
0xb3: {  	_ =	swait.ge [sflag:s29], $0x1  }
0xb4: {  	[sflag:s29] =	ssyncadd.s32 $0xFFFFFFFF  }
0xb5: {  	_ =	strace $0x90000048  }
0xb6: {  	_ =	sfence  }
0xb7: {  	s30 =	sld [smem:$0x0];
	_ =	sdelay $0x2  }
0xb8: {  	s31 =	sshll.u32 s1, $0xD;
	s1 =	sshrl.u32 s1, $0x2  }
0xb9: {  	s3 =	sand.u32 $0x4000, s31;
	s1 =	sadd.s32 s1, s30  }
0xba: {  	s0 =	sor.u32 s3, s0;
	s1 =	sshll.u32 s1, $0x11  }
0xbb: {  	s0 =	sor.u32 s1, s0  }
0xbc: {  	s0 =	sadd.s32 $0x8F2B, s0  }
0xbd: {  	[sflag:s0] =	ssyncadd.remote.s32 $0x1  }
0xbe: {  	_ =	sfence.sel $0xFFFF  }
0xbf: {  	[dreg:$0x0] =	wrdreg $0xFFFFFFFF;
	(pc) =	sbr.abs _section_cstart, $3  }
0xc0: {  	[dreg:$0x1] =	wrdreg $0xFFFFFFFF  }
0xc1: {  	_ =	task.clear_ibuf [dreg:s7], $0x2FFFF;
	_ =	strace $0x9FFFFFFF  }
0xc2: {  	(tm) =	ssettm $0x7FFFFFFF  }
0xc3: {  	_ =	shalt  }
tec
execute0_lowered:
.L_overlay_start_1:
0x0: {  	(tag) =	ssettag $0x1  }
0x1: {  	s1 =	rddreg [dreg:$0x0]  }
0x2: {  	s10 =	rddreg [dreg:$0x1]  }
0x3: {  	s0 =	rddreg [dreg:$0x2];
	s3 =	simm.s32 $0x0;
	s4 =	srdreg.scid  }
0x4: {  	s2 =	stileid.u32;
	s12 =	simm.s32 $0x3;
	s14 =	simm.s32 $0x1000  }
0x5: {  	s15 =	simm.s32 $0x7A1400;
	s16 =	simm.s32 $0x2000;
	s17 =	simm.s32 $0x2  }
0x6: {  	s18 =	simm.s32 $0x6000;
	s20 =	simm.s32 $0x4000;
	s21 =	simm.s32 $0x0  }
0x7: {  	v1 =	vlaneseq.u32;
	[smem:$0x7FF] =	sst s3;
	s6 =	sand.u32 $0x1, s4;
	s7 =	sshll.u32 s2, $0x1  }
0x8: {  	s4 =	sadd.s32 $0xC00, s10;
	s5 =	sadd.s32 $0xE00, s10;
	v0 =	vand.u32 $0x7, v1;
	s10 =	sadd.s32 $0x1E9200, s10  }
0x9: {  	_ =	strace $0x80000047;
	s19 =	sor.u32 s6, s7;
	s31 =	ssub.s32 $0x2, s6;
	v0 =	vmul.u32 $0x10, v0  }
0xa: {  	v1 =	vmul.u32 $0x10, v1;
	s6 =	simm.s32 $0x3E;
	p0 =	seq.s32 s19, $0x1F;
	s9 =	smul.u32 $0x7A00, s19  }
.Ltmp0:
0xb: {  	s8 =	sshrl.u32 s31, $0x1;
	s6 =	simm.s32 @!p0 $0x3D;
	v2 =	vor.u32 $0x1, v0;
	v3 =	vor.u32 $0x2, v0;
	v4 =	vor.u32 $0x3, v0;
	(pc) =	sbr.rel .LBB2_1-.Ltmp0, $4  }
0xc: {  	s7 =	smul.u32 $0x3D000, s19;
	s13 =	ssub.s32 s31, s8;
	v5 =	vor.u32 $0x4, v0;
	v6 =	vor.u32 $0x5, v0;
	v7 =	vor.u32 $0x6, v0;
	s11 =	sand.u32 $0x1, s6  }
0xd: {  	v8 =	vor.u32 $0x7, v0;
	v9 =	vor.u32 $0x8, v0;
	v10 =	vor.u32 $0x9, v0;
	s8 =	sadd.s32 s1, s9;
	p0 =	seq.s32 s11, $0x1;
	s11 =	simm.s32 $0x4  }
0xe: {  	v11 =	vor.u32 $0xA, v0;
	v12 =	vor.u32 $0xB, v0;
	v13 =	vor.u32 $0xC, v0;
	s9 =	smul.u32 $0x7A000, s19;
	s13 =	smax.u32 s13, $0x1;
	s11 =	simm.s32 @!p0 $0x3  }
0xf: {  	v14 =	vor.u32 $0xD, v0;
	v15 =	vor.u32 $0xE, v0;
	v16 =	vor.u32 $0xF, v0;
	s12 =	simm.s32 @!p0 $0x4;
	p0 =	sne.s32 s19, $0x1F;
	s19 =	simm.s32 $0x1  }
.LBB2_14:
0x10: {  	_ =	swait.ge [sflag:s11], $0x2000  }
0x11: {  	[sflag:s11] =	ssyncset.done $0x0  }
0x12: {  	[sflag:s11] =	ssyncadd.s32 $0xFFFFE000  }
0x13: {  	_ =	swait.ge [sflag:s12], $0x2000  }
0x14: {  	s22 =	sshll.u32 @!p0 s2, $0x6;
	s21 =	sadd.s32 $0x1, s21;
	[sflag:s12] =	ssyncset.done $0x0  }
0x15: {  	s22 =	sor.u32 @!p0 $0x1C05, s22;
	p1 =	sne.s32 s21, s13;
	[sflag:s12] =	ssyncadd.s32 $0xFFFFE000  }
0x16: {  	[hbm:s10], [sflag:s22] =	dma.local @!p0 [hbm:s4], $0x80  }
.Ltmp1:
0x17: {  	_ = 	snop;
	(pc) =	sbr.rel @!p1 .LBB2_15-.Ltmp1, $4  }
0x18: {  	s22 =	simm.s32 @!p0 $0x5  }
0x19: {  	_ =	swait.ge @!p0 [sflag:s22], $0x80  }
0x1a: {  	[sflag:s22] =	ssyncset.done @!p0 $0x0  }
0x1b: {  	[sflag:s22] =	ssyncadd.s32 @!p0 $0xFFFFFF80  }
.LBB2_1:
.Ltmp2:
0x1c: {  	(pc) =	sbr.rel .LBB2_2-.Ltmp2, $3  }
0x1d: {  	_ =	sdelay $0x1  }
0x1e: {  	[tilespmem:s3], [sflag:$0x1] =	stream.strided.gather [hbm4b:s8+s14], $0x2000, s15, s14, $0x38;
	[tilespmem:$0x8000] =	vst v63  }
0x1f: {  	s23 =	simm.s32 $0x0  }
.LBB2_13:
0x20: {  	p1 =	sne.s32 s22, s6  }
.Ltmp3:
0x21: {  	_ = 	snop;
	(pc) =	sbr.rel @!p1 .LBB2_14-.Ltmp3, $2  }
0x22: {  	_ =	sdelay $0x2  }
0x23: {  	s23 =	smov.u32 s22  }
.LBB2_2:
0x24: {  	s22 =	sadd.s32 $0x1, s23  }
0x25: {  	p2 =	sge.u32 s22, s6  }
.Ltmp4:
0x26: {  	_ = 	snop;
	(pc) =	sbr.rel @p2 .LBB2_6-.Ltmp4, $3  }
0x27: {  	_ =	sdelay $0x1  }
0x28: {  	s24 =	sand.u32 $0x1, s23  }
0x29: {  	p1 =	seq.s32 s24, $0x1  }
.Ltmp5:
0x2a: {  	(pc) =	sbr.rel @!p1 .LBB2_4-.Ltmp5, $4  }
0x2b: {  	s24 =	sshll.u32 s22, $0xC  }
0x2c: {  	s24 =	sadd.s32 s7, s24  }
0x2d: {  	s24 =	sshrl.u32 s24, $0x3  }
0x2e: {  	s24 =	sadd.s32 s1, s24  }
.Ltmp6:
0x2f: {  	(pc) =	sbr.rel .LBB2_10-.Ltmp6, $2  }
0x30: {  	_ =	sdelay $0x2  }
0x31: {  	[tilespmem:s3], [sflag:$0x1] =	stream.strided.gather [hbm4b:s24+s14], $0x2000, s15, s14, $0x38;
	[tilespmem:$0x8000] =	vst v63  }
.LBB2_6:
.Ltmp7:
0x32: {  	(pc) =	sbr.rel @p1 .LBB2_10-.Ltmp7, $4  }
.Ltmp8:
0x33: {  	(pc) =	sbr.rel @!p1 .LBB2_7-.Ltmp8, $4  }
0x34: {  	_ = 	snop  }
0x35: {  	_ = 	snop  }
0x36: {  	_ = 	snop  }
0x37: {  	_ = 	snop  }
.LBB2_4:
0x38: {  	[tilespmem:s16], [sflag:$0x2] =	stream.strided.gather [hbm4b:s24+s14], $0x2000, s15, s14, $0x38;
	[tilespmem:$0x8000] =	vst v63  }
0x39: {  	s24 =	simm.s32 $0x0  }
.LBB2_7:
0x3a: {  	_ =	swait.ge [sflag:s19], $0x2000  }
0x3b: {  	p1 =	slt.u32 s23, $0x2;
	s25 =	simm.s32 $0x0;
	[sflag:s19] =	ssyncset.done $0x0  }
0x3c: {  	s26 =	simm.s32 @!p1 $0x3;
	v17 =	vmov s25;
	[sflag:s19] =	ssyncadd.s32 $0xFFFFE000  }
0x3d: {  	v17 =	vshll.u32 v17, $0x4;
	_ =	swait.ge @!p1 [sflag:s26], $0x2000  }
0x3e: {  	s28 =	sand.u32 $0x70, s25;
	s29 =	sand.u32 $0xC00, s25;
	v17 =	vor.u32 v1, v17;
	[sflag:s26] =	ssyncset.done @!p1 $0x0  }
0x3f: {  	s28 =	sor.u32 s28, s29;
	v17 =	vand.u32 $0x1F80, v17;
	[sflag:s26] =	ssyncadd.s32 @!p1 $0xFFFFE000  }
0x40: {  	v19 =	vor.u32 v0, v17;
	v18 =	vld [tilespmem:s28+$0x0];
	_ =	sdelay $0x4  }
0x41: {  	[tilespmem:v19+s20+$0x0] =	vst.idx.msk $0xffff, v18  }
0x42: {  	v19 =	vor.u32 v2, v17;
	v18 =	vld [tilespmem:s28+$0x80];
	_ =	sdelay $0x4  }
0x43: {  	[tilespmem:v19+s20+$0x0] =	vst.idx.msk $0xffff, v18  }
0x44: {  	v19 =	vor.u32 v3, v17;
	v18 =	vld [tilespmem:s28+$0x100];
	_ =	sdelay $0x4  }
0x45: {  	[tilespmem:v19+s20+$0x0] =	vst.idx.msk $0xffff, v18  }
0x46: {  	v19 =	vor.u32 v4, v17;
	v18 =	vld [tilespmem:s28+$0x180];
	_ =	sdelay $0x4  }
0x47: {  	[tilespmem:v19+s20+$0x0] =	vst.idx.msk $0xffff, v18  }
0x48: {  	v19 =	vor.u32 v5, v17;
	v18 =	vld [tilespmem:s28+$0x200];
	_ =	sdelay $0x4  }
0x49: {  	[tilespmem:v19+s20+$0x0] =	vst.idx.msk $0xffff, v18  }
0x4a: {  	v19 =	vor.u32 v6, v17;
	v18 =	vld [tilespmem:s28+$0x280];
	_ =	sdelay $0x4  }
0x4b: {  	[tilespmem:v19+s20+$0x0] =	vst.idx.msk $0xffff, v18  }
0x4c: {  	v19 =	vor.u32 v7, v17;
	v18 =	vld [tilespmem:s28+$0x300];
	_ =	sdelay $0x3  }
0x4d: {  	s31 =	sor.u32 s25, s25  }
0x4e: {  	s26 =	sor.u32 $0x380, s31;
	[tilespmem:v19+s20+$0x0] =	vst.idx.msk $0xffff, v18  }
0x4f: {  	v19 =	vor.u32 v8, v17;
	v18 =	vld [tilespmem:s26+$0x0];
	_ =	sdelay $0x4  }
0x50: {  	[tilespmem:v19+s20+$0x0] =	vst.idx.msk $0xffff, v18  }
0x51: {  	v19 =	vor.u32 v9, v17;
	v18 =	vld [tilespmem:s28+$0x1000];
	_ =	sdelay $0x4  }
0x52: {  	[tilespmem:v19+s20+$0x0] =	vst.idx.msk $0xffff, v18  }
0x53: {  	v19 =	vor.u32 v10, v17;
	v18 =	vld [tilespmem:s28+$0x1080];
	_ =	sdelay $0x4  }
0x54: {  	[tilespmem:v19+s20+$0x0] =	vst.idx.msk $0xffff, v18  }
0x55: {  	v19 =	vor.u32 v11, v17;
	v18 =	vld [tilespmem:s28+$0x1100];
	_ =	sdelay $0x4  }
0x56: {  	[tilespmem:v19+s20+$0x0] =	vst.idx.msk $0xffff, v18  }
0x57: {  	v19 =	vor.u32 v12, v17;
	v18 =	vld [tilespmem:s28+$0x1180];
	_ =	sdelay $0x4  }
0x58: {  	[tilespmem:v19+s20+$0x0] =	vst.idx.msk $0xffff, v18  }
0x59: {  	v19 =	vor.u32 v13, v17;
	v18 =	vld [tilespmem:s28+$0x1200];
	_ =	sdelay $0x4  }
0x5a: {  	[tilespmem:v19+s20+$0x0] =	vst.idx.msk $0xffff, v18  }
0x5b: {  	v19 =	vor.u32 v14, v17;
	v18 =	vld [tilespmem:s28+$0x1280];
	_ =	sdelay $0x4  }
0x5c: {  	[tilespmem:v19+s20+$0x0] =	vst.idx.msk $0xffff, v18  }
0x5d: {  	v19 =	vor.u32 v15, v17;
	v18 =	vld [tilespmem:s28+$0x1300];
	_ =	sdelay $0x4  }
0x5e: {  	[tilespmem:v19+s20+$0x0] =	vst.idx.msk $0xffff, v18  }
0x5f: {  	v19 =	vor.u32 v16, v17;
	v18 =	vld [tilespmem:s28+$0x1380]  }
0x60: {  	s26 =	simm.s32 $0x10  }
0x61: {  	v17 =	vmov s26;
	s28 =	simm.s32 $0x20  }
.LBB2_8:
0x62: {  	p1 =	sne.s32 s28, $0x1F0;
	v17 =	vshll.u32 v17, $0x4;
	s25 =	sadd.s32 $0x80, s25  }
0x63: {  	s29 =	sand.u32 $0x70, s26;
	s30 =	sand.u32 $0xC00, s25;
	v17 =	vor.u32 v1, v17  }
0x64: {  	s29 =	sor.u32 s29, s30;
	v17 =	vand.u32 $0x1F80, v17;
	[tilespmem:v19+s20+$0x0] =	vst.idx.msk $0xffff, v18  }
0x65: {  	v18 =	vld [tilespmem:s29+$0x0];
	v19 =	vor.u32 v0, v17;
	_ =	sdelay $0x4  }
0x66: {  	[tilespmem:v19+s20+$0x0] =	vst.idx.msk $0xffff, v18  }
0x67: {  	v19 =	vor.u32 v2, v17;
	v18 =	vld [tilespmem:s29+$0x80];
	_ =	sdelay $0x4  }
0x68: {  	[tilespmem:v19+s20+$0x0] =	vst.idx.msk $0xffff, v18  }
0x69: {  	v19 =	vor.u32 v3, v17;
	v18 =	vld [tilespmem:s29+$0x100];
	_ =	sdelay $0x4  }
0x6a: {  	[tilespmem:v19+s20+$0x0] =	vst.idx.msk $0xffff, v18  }
0x6b: {  	v19 =	vor.u32 v4, v17;
	v18 =	vld [tilespmem:s29+$0x180];
	_ =	sdelay $0x4  }
0x6c: {  	[tilespmem:v19+s20+$0x0] =	vst.idx.msk $0xffff, v18  }
0x6d: {  	v19 =	vor.u32 v5, v17;
	v18 =	vld [tilespmem:s29+$0x200];
	_ =	sdelay $0x4  }
0x6e: {  	[tilespmem:v19+s20+$0x0] =	vst.idx.msk $0xffff, v18  }
0x6f: {  	v19 =	vor.u32 v6, v17;
	v18 =	vld [tilespmem:s29+$0x280];
	_ =	sdelay $0x4  }
0x70: {  	[tilespmem:v19+s20+$0x0] =	vst.idx.msk $0xffff, v18  }
0x71: {  	v19 =	vor.u32 v7, v17;
	v18 =	vld [tilespmem:s29+$0x300];
	_ =	sdelay $0x3  }
0x72: {  	s30 =	sor.u32 s25, s26;
	s26 =	smov.u32 s28  }
0x73: {  	s30 =	sor.u32 $0x380, s30;
	[tilespmem:v19+s20+$0x0] =	vst.idx.msk $0xffff, v18  }
0x74: {  	v19 =	vor.u32 v8, v17;
	v18 =	vld [tilespmem:s30+$0x0];
	_ =	sdelay $0x4  }
0x75: {  	[tilespmem:v19+s20+$0x0] =	vst.idx.msk $0xffff, v18  }
0x76: {  	v19 =	vor.u32 v9, v17;
	v18 =	vld [tilespmem:s29+$0x1000];
	_ =	sdelay $0x4  }
0x77: {  	[tilespmem:v19+s20+$0x0] =	vst.idx.msk $0xffff, v18  }
0x78: {  	v19 =	vor.u32 v10, v17;
	v18 =	vld [tilespmem:s29+$0x1080];
	_ =	sdelay $0x4  }
0x79: {  	[tilespmem:v19+s20+$0x0] =	vst.idx.msk $0xffff, v18  }
0x7a: {  	v19 =	vor.u32 v11, v17;
	v18 =	vld [tilespmem:s29+$0x1100];
	_ =	sdelay $0x4  }
0x7b: {  	[tilespmem:v19+s20+$0x0] =	vst.idx.msk $0xffff, v18  }
0x7c: {  	v19 =	vor.u32 v12, v17;
	v18 =	vld [tilespmem:s29+$0x1180];
	_ =	sdelay $0x4  }
0x7d: {  	[tilespmem:v19+s20+$0x0] =	vst.idx.msk $0xffff, v18  }
0x7e: {  	v19 =	vor.u32 v13, v17;
	v18 =	vld [tilespmem:s29+$0x1200];
	_ =	sdelay $0x4  }
0x7f: {  	[tilespmem:v19+s20+$0x0] =	vst.idx.msk $0xffff, v18  }
0x80: {  	v19 =	vor.u32 v14, v17;
	v18 =	vld [tilespmem:s29+$0x1280];
	_ =	sdelay $0x4  }
0x81: {  	[tilespmem:v19+s20+$0x0] =	vst.idx.msk $0xffff, v18  }
0x82: {  	v19 =	vor.u32 v15, v17;
	v18 =	vld [tilespmem:s29+$0x1300];
	_ =	sdelay $0x3  }
.Ltmp9:
0x83: {  	(pc) =	sbr.rel @p1 .LBB2_8-.Ltmp9, $3  }
0x84: {  	[tilespmem:v19+s20+$0x0] =	vst.idx.msk $0xffff, v18  }
0x85: {  	v19 =	vor.u32 v16, v17;
	v18 =	vld [tilespmem:s29+$0x1380];
	_ =	sdelay $0x1  }
0x86: {  	s28 =	sadd.s32 $0x10, s28;
	v17 =	vmov s26  }
0x87: {  	_ =	sdelay $0x1  }
0x88: {  	v17 =	vshll.u32 v17, $0x4;
	s25 =	sadd.s32 $0x80, s25  }
0x89: {  	s28 =	sand.u32 $0x70, s26;
	s29 =	sand.u32 $0xC00, s25;
	v17 =	vor.u32 v1, v17  }
0x8a: {  	s28 =	sor.u32 s28, s29;
	v17 =	vand.u32 $0x1F80, v17;
	[tilespmem:v19+s20+$0x0] =	vst.idx.msk $0xffff, v18  }
0x8b: {  	v18 =	vld [tilespmem:s28+$0x0];
	v19 =	vor.u32 v0, v17;
	_ =	sdelay $0x4  }
0x8c: {  	[tilespmem:v19+s20+$0x0] =	vst.idx.msk $0xffff, v18  }
0x8d: {  	v19 =	vor.u32 v2, v17;
	v18 =	vld [tilespmem:s28+$0x80];
	_ =	sdelay $0x4  }
0x8e: {  	[tilespmem:v19+s20+$0x0] =	vst.idx.msk $0xffff, v18  }
0x8f: {  	v19 =	vor.u32 v3, v17;
	v18 =	vld [tilespmem:s28+$0x100];
	_ =	sdelay $0x4  }
0x90: {  	[tilespmem:v19+s20+$0x0] =	vst.idx.msk $0xffff, v18  }
0x91: {  	v19 =	vor.u32 v4, v17;
	v18 =	vld [tilespmem:s28+$0x180];
	_ =	sdelay $0x4  }
0x92: {  	[tilespmem:v19+s20+$0x0] =	vst.idx.msk $0xffff, v18  }
0x93: {  	v19 =	vor.u32 v5, v17;
	v18 =	vld [tilespmem:s28+$0x200];
	_ =	sdelay $0x4  }
0x94: {  	[tilespmem:v19+s20+$0x0] =	vst.idx.msk $0xffff, v18  }
0x95: {  	v19 =	vor.u32 v6, v17;
	v18 =	vld [tilespmem:s28+$0x280];
	_ =	sdelay $0x4  }
0x96: {  	[tilespmem:v19+s20+$0x0] =	vst.idx.msk $0xffff, v18  }
0x97: {  	v19 =	vor.u32 v7, v17;
	v18 =	vld [tilespmem:s28+$0x300];
	_ =	sdelay $0x3  }
0x98: {  	s25 =	sor.u32 s25, s26  }
0x99: {  	s25 =	sor.u32 $0x380, s25;
	[tilespmem:v19+s20+$0x0] =	vst.idx.msk $0xffff, v18  }
0x9a: {  	v19 =	vor.u32 v8, v17;
	v18 =	vld [tilespmem:s25+$0x0];
	_ =	sdelay $0x4  }
0x9b: {  	[tilespmem:v19+s20+$0x0] =	vst.idx.msk $0xffff, v18  }
0x9c: {  	v19 =	vor.u32 v9, v17;
	v18 =	vld [tilespmem:s28+$0x1000];
	_ =	sdelay $0x4  }
0x9d: {  	[tilespmem:v19+s20+$0x0] =	vst.idx.msk $0xffff, v18  }
0x9e: {  	v19 =	vor.u32 v10, v17;
	v18 =	vld [tilespmem:s28+$0x1080];
	_ =	sdelay $0x4  }
0x9f: {  	[tilespmem:v19+s20+$0x0] =	vst.idx.msk $0xffff, v18  }
0xa0: {  	v19 =	vor.u32 v11, v17;
	v18 =	vld [tilespmem:s28+$0x1100];
	_ =	sdelay $0x4  }
0xa1: {  	[tilespmem:v19+s20+$0x0] =	vst.idx.msk $0xffff, v18  }
0xa2: {  	v19 =	vor.u32 v12, v17;
	v18 =	vld [tilespmem:s28+$0x1180];
	_ =	sdelay $0x4  }
0xa3: {  	[tilespmem:v19+s20+$0x0] =	vst.idx.msk $0xffff, v18  }
0xa4: {  	v19 =	vor.u32 v13, v17;
	v18 =	vld [tilespmem:s28+$0x1200];
	_ =	sdelay $0x4  }
0xa5: {  	[tilespmem:v19+s20+$0x0] =	vst.idx.msk $0xffff, v18  }
0xa6: {  	v19 =	vor.u32 v14, v17;
	v18 =	vld [tilespmem:s28+$0x1280];
	_ =	sdelay $0x4  }
0xa7: {  	[tilespmem:v19+s20+$0x0] =	vst.idx.msk $0xffff, v18  }
0xa8: {  	v19 =	vor.u32 v15, v17;
	v18 =	vld [tilespmem:s28+$0x1300];
	_ =	sdelay $0x4  }
0xa9: {  	[tilespmem:v19+s20+$0x0] =	vst.idx.msk $0xffff, v18  }
0xaa: {  	v17 =	vor.u32 v16, v17;
	v18 =	vld [tilespmem:s28+$0x1380]  }
0xab: {  	p1 =	seq.s32 s24, $0x0  }
.Ltmp10:
0xac: {  	s31 =	sshll.u32 s23, $0xD;
	(pc) =	sbr.rel @p1 .LBB2_13-.Ltmp10, $4  }
0xad: {  	s25 =	sadd.s32 s9, s31  }
0xae: {  	s25 =	sshrl.u32 s25, $0x3  }
0xaf: {  	s25 =	sadd.s32 s5, s25;
	[tilespmem:v17+s20+$0x0] =	vst.idx.msk $0xffff, v18  }
0xb0: {  	[hbm4b:s25+s3] =	stream.linear.scatter [tilespmem:s20], [sflag:$0x3], $0x2000, $0x38;
	[tilespmem:$0x8000] =	vst v63  }
.LBB2_10:
0xb1: {  	_ =	swait.ge [sflag:s17], $0x2000  }
0xb2: {  	p1 =	slt.u32 s23, $0x2;
	s24 =	simm.s32 $0x0;
	[sflag:s17] =	ssyncset.done $0x0  }
0xb3: {  	s25 =	simm.s32 @!p1 $0x4;
	v17 =	vmov s24;
	[sflag:s17] =	ssyncadd.s32 $0xFFFFE000  }
0xb4: {  	v17 =	vshll.u32 v17, $0x4;
	_ =	swait.ge @!p1 [sflag:s25], $0x2000  }
0xb5: {  	s26 =	sand.u32 $0x70, s24;
	s28 =	sand.u32 $0xC00, s24;
	v17 =	vor.u32 v1, v17;
	[sflag:s25] =	ssyncset.done @!p1 $0x0  }
0xb6: {  	s26 =	sor.u32 s26, s28;
	v17 =	vand.u32 $0x1F80, v17;
	[sflag:s25] =	ssyncadd.s32 @!p1 $0xFFFFE000  }
0xb7: {  	v19 =	vor.u32 v0, v17;
	v18 =	vld [tilespmem:s26+$0x2000];
	_ =	sdelay $0x4  }
0xb8: {  	[tilespmem:v19+s18+$0x0] =	vst.idx.msk $0xffff, v18  }
0xb9: {  	v19 =	vor.u32 v2, v17;
	v18 =	vld [tilespmem:s26+$0x2080];
	_ =	sdelay $0x4  }
0xba: {  	[tilespmem:v19+s18+$0x0] =	vst.idx.msk $0xffff, v18  }
0xbb: {  	v19 =	vor.u32 v3, v17;
	v18 =	vld [tilespmem:s26+$0x2100];
	_ =	sdelay $0x4  }
0xbc: {  	[tilespmem:v19+s18+$0x0] =	vst.idx.msk $0xffff, v18  }
0xbd: {  	v19 =	vor.u32 v4, v17;
	v18 =	vld [tilespmem:s26+$0x2180];
	_ =	sdelay $0x4  }
0xbe: {  	[tilespmem:v19+s18+$0x0] =	vst.idx.msk $0xffff, v18  }
0xbf: {  	v19 =	vor.u32 v5, v17;
	v18 =	vld [tilespmem:s26+$0x2200];
	_ =	sdelay $0x4  }
0xc0: {  	[tilespmem:v19+s18+$0x0] =	vst.idx.msk $0xffff, v18  }
0xc1: {  	v19 =	vor.u32 v6, v17;
	v18 =	vld [tilespmem:s26+$0x2280];
	_ =	sdelay $0x4  }
0xc2: {  	[tilespmem:v19+s18+$0x0] =	vst.idx.msk $0xffff, v18  }
0xc3: {  	v19 =	vor.u32 v7, v17;
	v18 =	vld [tilespmem:s26+$0x2300];
	_ =	sdelay $0x3  }
0xc4: {  	s31 =	sor.u32 s24, s24  }
0xc5: {  	s25 =	sor.u32 $0x380, s31;
	[tilespmem:v19+s18+$0x0] =	vst.idx.msk $0xffff, v18  }
0xc6: {  	v19 =	vor.u32 v8, v17;
	v18 =	vld [tilespmem:s25+$0x2000];
	_ =	sdelay $0x4  }
0xc7: {  	[tilespmem:v19+s18+$0x0] =	vst.idx.msk $0xffff, v18  }
0xc8: {  	v19 =	vor.u32 v9, v17;
	v18 =	vld [tilespmem:s26+$0x3000];
	_ =	sdelay $0x4  }
0xc9: {  	[tilespmem:v19+s18+$0x0] =	vst.idx.msk $0xffff, v18  }
0xca: {  	v19 =	vor.u32 v10, v17;
	v18 =	vld [tilespmem:s26+$0x3080];
	_ =	sdelay $0x4  }
0xcb: {  	[tilespmem:v19+s18+$0x0] =	vst.idx.msk $0xffff, v18  }
0xcc: {  	v19 =	vor.u32 v11, v17;
	v18 =	vld [tilespmem:s26+$0x3100];
	_ =	sdelay $0x4  }
0xcd: {  	[tilespmem:v19+s18+$0x0] =	vst.idx.msk $0xffff, v18  }
0xce: {  	v19 =	vor.u32 v12, v17;
	v18 =	vld [tilespmem:s26+$0x3180];
	_ =	sdelay $0x4  }
0xcf: {  	[tilespmem:v19+s18+$0x0] =	vst.idx.msk $0xffff, v18  }
0xd0: {  	v19 =	vor.u32 v13, v17;
	v18 =	vld [tilespmem:s26+$0x3200];
	_ =	sdelay $0x4  }
0xd1: {  	[tilespmem:v19+s18+$0x0] =	vst.idx.msk $0xffff, v18  }
0xd2: {  	v19 =	vor.u32 v14, v17;
	v18 =	vld [tilespmem:s26+$0x3280];
	_ =	sdelay $0x4  }
0xd3: {  	[tilespmem:v19+s18+$0x0] =	vst.idx.msk $0xffff, v18  }
0xd4: {  	v19 =	vor.u32 v15, v17;
	v18 =	vld [tilespmem:s26+$0x3300];
	_ =	sdelay $0x4  }
0xd5: {  	[tilespmem:v19+s18+$0x0] =	vst.idx.msk $0xffff, v18  }
0xd6: {  	v19 =	vor.u32 v16, v17;
	v18 =	vld [tilespmem:s26+$0x3380]  }
0xd7: {  	s25 =	simm.s32 $0x10  }
0xd8: {  	v17 =	vmov s25;
	s26 =	simm.s32 $0x20  }
.LBB2_11:
0xd9: {  	p1 =	sne.s32 s26, $0x1F0;
	v17 =	vshll.u32 v17, $0x4;
	s24 =	sadd.s32 $0x80, s24  }
0xda: {  	s28 =	sand.u32 $0x70, s25;
	s29 =	sand.u32 $0xC00, s24;
	v17 =	vor.u32 v1, v17  }
0xdb: {  	s28 =	sor.u32 s28, s29;
	v17 =	vand.u32 $0x1F80, v17;
	[tilespmem:v19+s18+$0x0] =	vst.idx.msk $0xffff, v18  }
0xdc: {  	v18 =	vld [tilespmem:s28+$0x2000];
	v19 =	vor.u32 v0, v17;
	_ =	sdelay $0x4  }
0xdd: {  	[tilespmem:v19+s18+$0x0] =	vst.idx.msk $0xffff, v18  }
0xde: {  	v19 =	vor.u32 v2, v17;
	v18 =	vld [tilespmem:s28+$0x2080];
	_ =	sdelay $0x4  }
0xdf: {  	[tilespmem:v19+s18+$0x0] =	vst.idx.msk $0xffff, v18  }
0xe0: {  	v19 =	vor.u32 v3, v17;
	v18 =	vld [tilespmem:s28+$0x2100];
	_ =	sdelay $0x4  }
0xe1: {  	[tilespmem:v19+s18+$0x0] =	vst.idx.msk $0xffff, v18  }
0xe2: {  	v19 =	vor.u32 v4, v17;
	v18 =	vld [tilespmem:s28+$0x2180];
	_ =	sdelay $0x4  }
0xe3: {  	[tilespmem:v19+s18+$0x0] =	vst.idx.msk $0xffff, v18  }
0xe4: {  	v19 =	vor.u32 v5, v17;
	v18 =	vld [tilespmem:s28+$0x2200];
	_ =	sdelay $0x4  }
0xe5: {  	[tilespmem:v19+s18+$0x0] =	vst.idx.msk $0xffff, v18  }
0xe6: {  	v19 =	vor.u32 v6, v17;
	v18 =	vld [tilespmem:s28+$0x2280];
	_ =	sdelay $0x4  }
0xe7: {  	[tilespmem:v19+s18+$0x0] =	vst.idx.msk $0xffff, v18  }
0xe8: {  	v19 =	vor.u32 v7, v17;
	v18 =	vld [tilespmem:s28+$0x2300];
	_ =	sdelay $0x3  }
0xe9: {  	s29 =	sor.u32 s24, s25;
	s25 =	smov.u32 s26  }
0xea: {  	s29 =	sor.u32 $0x380, s29;
	[tilespmem:v19+s18+$0x0] =	vst.idx.msk $0xffff, v18  }
0xeb: {  	v19 =	vor.u32 v8, v17;
	v18 =	vld [tilespmem:s29+$0x2000];
	_ =	sdelay $0x4  }
0xec: {  	[tilespmem:v19+s18+$0x0] =	vst.idx.msk $0xffff, v18  }
0xed: {  	v19 =	vor.u32 v9, v17;
	v18 =	vld [tilespmem:s28+$0x3000];
	_ =	sdelay $0x4  }
0xee: {  	[tilespmem:v19+s18+$0x0] =	vst.idx.msk $0xffff, v18  }
0xef: {  	v19 =	vor.u32 v10, v17;
	v18 =	vld [tilespmem:s28+$0x3080];
	_ =	sdelay $0x4  }
0xf0: {  	[tilespmem:v19+s18+$0x0] =	vst.idx.msk $0xffff, v18  }
0xf1: {  	v19 =	vor.u32 v11, v17;
	v18 =	vld [tilespmem:s28+$0x3100];
	_ =	sdelay $0x4  }
0xf2: {  	[tilespmem:v19+s18+$0x0] =	vst.idx.msk $0xffff, v18  }
0xf3: {  	v19 =	vor.u32 v12, v17;
	v18 =	vld [tilespmem:s28+$0x3180];
	_ =	sdelay $0x4  }
0xf4: {  	[tilespmem:v19+s18+$0x0] =	vst.idx.msk $0xffff, v18  }
0xf5: {  	v19 =	vor.u32 v13, v17;
	v18 =	vld [tilespmem:s28+$0x3200];
	_ =	sdelay $0x4  }
0xf6: {  	[tilespmem:v19+s18+$0x0] =	vst.idx.msk $0xffff, v18  }
0xf7: {  	v19 =	vor.u32 v14, v17;
	v18 =	vld [tilespmem:s28+$0x3280];
	_ =	sdelay $0x4  }
0xf8: {  	[tilespmem:v19+s18+$0x0] =	vst.idx.msk $0xffff, v18  }
0xf9: {  	v19 =	vor.u32 v15, v17;
	v18 =	vld [tilespmem:s28+$0x3300];
	_ =	sdelay $0x3  }
.Ltmp11:
0xfa: {  	(pc) =	sbr.rel @p1 .LBB2_11-.Ltmp11, $3  }
0xfb: {  	[tilespmem:v19+s18+$0x0] =	vst.idx.msk $0xffff, v18  }
0xfc: {  	v19 =	vor.u32 v16, v17;
	v18 =	vld [tilespmem:s28+$0x3380];
	_ =	sdelay $0x1  }
0xfd: {  	s26 =	sadd.s32 $0x10, s26;
	v17 =	vmov s25  }
0xfe: {  	_ =	sdelay $0x1  }
0xff: {  	v17 =	vshll.u32 v17, $0x4;
	s24 =	sadd.s32 $0x80, s24  }
0x100: {  	s26 =	sand.u32 $0x70, s25;
	s28 =	sand.u32 $0xC00, s24;
	v17 =	vor.u32 v1, v17  }
0x101: {  	s26 =	sor.u32 s26, s28;
	v17 =	vand.u32 $0x1F80, v17;
	[tilespmem:v19+s18+$0x0] =	vst.idx.msk $0xffff, v18  }
0x102: {  	v18 =	vld [tilespmem:s26+$0x2000];
	v19 =	vor.u32 v0, v17;
	_ =	sdelay $0x4  }
0x103: {  	[tilespmem:v19+s18+$0x0] =	vst.idx.msk $0xffff, v18  }
0x104: {  	v19 =	vor.u32 v2, v17;
	v18 =	vld [tilespmem:s26+$0x2080];
	_ =	sdelay $0x4  }
0x105: {  	[tilespmem:v19+s18+$0x0] =	vst.idx.msk $0xffff, v18  }
0x106: {  	v19 =	vor.u32 v3, v17;
	v18 =	vld [tilespmem:s26+$0x2100];
	_ =	sdelay $0x4  }
0x107: {  	[tilespmem:v19+s18+$0x0] =	vst.idx.msk $0xffff, v18  }
0x108: {  	v19 =	vor.u32 v4, v17;
	v18 =	vld [tilespmem:s26+$0x2180];
	_ =	sdelay $0x4  }
0x109: {  	[tilespmem:v19+s18+$0x0] =	vst.idx.msk $0xffff, v18  }
0x10a: {  	v19 =	vor.u32 v5, v17;
	v18 =	vld [tilespmem:s26+$0x2200];
	_ =	sdelay $0x4  }
0x10b: {  	[tilespmem:v19+s18+$0x0] =	vst.idx.msk $0xffff, v18  }
0x10c: {  	v19 =	vor.u32 v6, v17;
	v18 =	vld [tilespmem:s26+$0x2280];
	_ =	sdelay $0x4  }
0x10d: {  	[tilespmem:v19+s18+$0x0] =	vst.idx.msk $0xffff, v18  }
0x10e: {  	v19 =	vor.u32 v7, v17;
	v18 =	vld [tilespmem:s26+$0x2300];
	_ =	sdelay $0x3  }
0x10f: {  	s24 =	sor.u32 s24, s25  }
0x110: {  	s24 =	sor.u32 $0x380, s24;
	[tilespmem:v19+s18+$0x0] =	vst.idx.msk $0xffff, v18  }
0x111: {  	v19 =	vor.u32 v8, v17;
	v18 =	vld [tilespmem:s24+$0x2000];
	_ =	sdelay $0x4  }
0x112: {  	[tilespmem:v19+s18+$0x0] =	vst.idx.msk $0xffff, v18  }
0x113: {  	v19 =	vor.u32 v9, v17;
	v18 =	vld [tilespmem:s26+$0x3000];
	_ =	sdelay $0x4  }
0x114: {  	[tilespmem:v19+s18+$0x0] =	vst.idx.msk $0xffff, v18  }
0x115: {  	v19 =	vor.u32 v10, v17;
	v18 =	vld [tilespmem:s26+$0x3080];
	_ =	sdelay $0x4  }
0x116: {  	[tilespmem:v19+s18+$0x0] =	vst.idx.msk $0xffff, v18  }
0x117: {  	v19 =	vor.u32 v11, v17;
	v18 =	vld [tilespmem:s26+$0x3100];
	_ =	sdelay $0x4  }
0x118: {  	[tilespmem:v19+s18+$0x0] =	vst.idx.msk $0xffff, v18  }
0x119: {  	v19 =	vor.u32 v12, v17;
	v18 =	vld [tilespmem:s26+$0x3180];
	_ =	sdelay $0x4  }
0x11a: {  	[tilespmem:v19+s18+$0x0] =	vst.idx.msk $0xffff, v18  }
0x11b: {  	v19 =	vor.u32 v13, v17;
	v18 =	vld [tilespmem:s26+$0x3200];
	_ =	sdelay $0x4  }
0x11c: {  	[tilespmem:v19+s18+$0x0] =	vst.idx.msk $0xffff, v18  }
0x11d: {  	v19 =	vor.u32 v14, v17;
	v18 =	vld [tilespmem:s26+$0x3280];
	_ =	sdelay $0x4  }
0x11e: {  	[tilespmem:v19+s18+$0x0] =	vst.idx.msk $0xffff, v18  }
0x11f: {  	v19 =	vor.u32 v15, v17;
	v18 =	vld [tilespmem:s26+$0x3300];
	_ =	sdelay $0x4  }
0x120: {  	[tilespmem:v19+s18+$0x0] =	vst.idx.msk $0xffff, v18  }
0x121: {  	v17 =	vor.u32 v16, v17;
	v18 =	vld [tilespmem:s26+$0x3380];
	_ =	sdelay $0x1  }
.Ltmp12:
0x122: {  	s23 =	sshll.u32 s23, $0xD;
	(pc) =	sbr.rel .LBB2_13-.Ltmp12, $4  }
0x123: {  	s23 =	sadd.s32 s9, s23  }
0x124: {  	s23 =	sshrl.u32 s23, $0x3  }
0x125: {  	s23 =	sadd.s32 s5, s23;
	[tilespmem:v17+s18+$0x0] =	vst.idx.msk $0xffff, v18  }
0x126: {  	[hbm4b:s23+s3] =	stream.linear.scatter [tilespmem:s18], [sflag:$0x4], $0x2000, $0x38;
	[tilespmem:$0x8000] =	vst v63  }
.LBB2_15:
0x127: {  	_ =	sfence.sel $0x180000  }
0x128: {  	[bflag:$0x0] =	sbarrier.arrive $0xFFFF  }
0x129: {  	p0 =	sne.s32 s2, $0x0;
	_ =	strace $0x90000047  }
0x12a: {  	s0 =	sadd.s32 @!p0 $0x100000, s0;
	[bflag:$0x2] =	sbarrier.arrive $0xFFFF  }
0x12b: {  	[sflag:s0] =	ssyncadd.tile.s32 @!p0 $0x1;
	_ =	shalt  }
.Lfunc_end2:
_tile_overlayer_lowered:
.L_overlay_start_2:
0x12c: {  	(tag) =	ssettag $0x2  }
0x12d: {  	s0 =	rddreg [dreg:$0x0];
	s2 =	stileid.u32  }
0x12e: {  	s1 =	rddreg [dreg:$0x1];
	p0 =	sne.s32 s2, $0x0  }
0x12f: {  	s3 =	rddreg [dreg:$0x2];
	[bflag:$0x3] =	sbarrier.arrive $0xFFFF;
	s2 =	simm.s32 @!p0 $0x1C05  }
0x130: {  	[timem:s3], [sflag:s2] =	dma.local @!p0 [hbm:s0], s1  }
0x131: {  	s0 =	simm.s32 @!p0 $0x5  }
0x132: {  	_ =	swait.ge @!p0 [sflag:s0], s1  }
0x133: {  	s1 =	ssub.s32 @!p0 $0x0, s1;
	[sflag:s0] =	ssyncset.done @!p0 $0x0  }
0x134: {  	[sflag:s0] =	ssyncadd.s32 @!p0 s1  }
0x135: {  	[bflag:$0x3] =	sbarrier.arrive $0xFFFF  }
0x136: {  	_ =	shalt  }

// kernel: kernel.7.cloned.1.call-start
scs
__scs_entry_jumppad:
0x0: {  	(pc) =	sbr.rel $0x88, $3  }
0x1: {  	(tag) =	ssettag $0x0;
	lr =	simm.s32 $0x1  }
0x2: {  	[smem:$0x3F9E] =	sst lr;
	_ =	strace $0xD0000000  }
0x3: {  	_ = 	snop  }
0x4: {  	_ = 	snop  }
0x5: {  	_ = 	snop  }
0x6: {  	_ = 	snop  }
0x7: {  	_ = 	snop  }
__scs_overlays_trampoline_lowered:
0x8: {  	[smem:$0x3FAD] =	sst s0  }
0x9: {  	[smem:$0x3FAE] =	sst s1  }
0xa: {  	[smem:$0x3FAF] =	sst s2  }
0xb: {  	[smem:$0x3FB0] =	sst s3  }
0xc: {  	[smem:$0x3FB1] =	sst s4  }
0xd: {  	[smem:$0x3FB2] =	sst s5  }
0xe: {  	[smem:$0x3FB3] =	sst s6  }
0xf: {  	[smem:$0x3FB4] =	sst s7  }
0x10: {  	[smem:$0x3FB5] =	sst s8  }
0x11: {  	[smem:$0x3FB6] =	sst s9;
	s0 =	simm.s32 @!p0 $0x0  }
0x12: {  	s1 =	sld [smem:$0x3F9C];
	s0 =	simm.s32 @p0 $0x1  }
0x13: {  	[smem:$0x3FB7] =	sst s0;
	s0 =	simm.s32 @!p1 $0x0  }
0x14: {  	s2 =	sld [smem:$0x3F9B];
	s0 =	simm.s32 @p1 $0x1  }
0x15: {  	[smem:$0x3FB8] =	sst s0;
	s0 =	simm.s32 @!p2 $0x0  }
0x16: {  	s3 =	sld [smem:$0x3FDB];
	s0 =	simm.s32 @p2 $0x1  }
0x17: {  	s4 =	simm.s32 $0x1BF5;
	[smem:$0x3FBA] =	sst s0  }
0x18: {  	s0 =	sld [smem:$0x3F9D];
	_ =	swait.ge [sflag:s4], $0x0  }
0x19: {  	s7 =	sld [smem:$0x3F9E]  }
0x1a: {  	s8 =	sadd.s32 $0xFFFFE003, lr  }
0x1b: {  	s9 =	sadd.s32 $0xFFFFFEF7, lr;
	s5 =	simm.s32 $0xFFFFFFFF;
	p2 =	slt.u32 s8, $0xFFFFF086  }
0x1c: {  	p1 =	slt.u32 s9, $0xF7A;
	s5 =	simm.s32 @!p2 $0x0  }
0x1d: {  	s5 =	simm.s32 @p1 $0x1;
	p0 =	seq.s32 s7, s2  }
0x1e: {  	s7 =	smul.u32 @!p0 $0xF7A, s2;
	p2 =	seq.s32 @!p0 s5, $0x0  }
0x1f: {  	s9 =	smul.u32 $0xF7A, s1;
	s8 =	simm.s32 @!p0 $0x1BF5;
	p2 =	por !p2, p0  }
0x20: {  	[sflag:s8] =	ssyncset.s32 @!p0 $0xFFFFF086;
	s6 =	sadd.s32 @!p0 s3, s7;
	s7 =	simm.s32 @!p0 $0x108  }
0x21: {  	s3 =	sadd.s32 s3, s9;
	s6 =	sadd.s32 @!p0 $0x88, s6;
	s7 =	simm.s32 @p2 $0x1082  }
0x22: {  	[simem:s7], [sflag:s8] =	dma.local @!p0 [hbm:s6], $0xF7A  }
0x23: {  	s9 =	sor.u32 $0xD0000000, s2;
	s6 =	simm.s32 $0x108;
	_ =	swait.ge @!p0 [sflag:s8], $0x0  }
0x24: {  	s3 =	sadd.s32 $0x88, s3;
	s6 =	simm.s32 @!p1 $0x1082;
	[sflag:s4] =	ssyncset.s32 $0xFFFFF086  }
0x25: {  	[simem:s6], [sflag:s4] =	dma.local [hbm:s3], $0xF7A  }
0x26: {  	[smem:$0x3F9E] =	sst s1;
	(tag) =	ssettag s2;
	_ =	strace s9  }
0x27: {  	s1 =	sld [smem:$0x3FAE]  }
0x28: {  	s2 =	sld [smem:$0x3FAF]  }
0x29: {  	s4 =	sld [smem:$0x3FB1]  }
0x2a: {  	p0 =	seq.s32 s5, $0x0;
	s5 =	sld [smem:$0x3FB2]  }
0x2b: {  	s6 =	sld [smem:$0x3FB3]  }
0x2c: {  	s7 =	sld [smem:$0x3FB4]  }
0x2d: {  	s3 =	simm.s32 $0x108;
	s8 =	sld [smem:$0x3FB5]  }
0x2e: {  	s3 =	simm.s32 @!p0 $0x1082;
	s9 =	sld [smem:$0x3FB6]  }
0x2f: {  	lr =	sadd.s32 s0, s3;
	s0 =	sld [smem:$0x3FAD]  }
0x30: {  	s3 =	sld [smem:$0x3FB0]  }
0x31: {  	[smem:$0x3FB9] =	sst s10  }
0x32: {  	s10 =	sld [smem:$0x3FB7];
	_ =	sdelay $0x3  }
0x33: {  	p0 =	seq.s32 s10, $0x1;
	s10 =	sld [smem:$0x3FB9];
	_ =	sdelay $0x3  }
0x34: {  	[smem:$0x3FB9] =	sst s10  }
0x35: {  	s10 =	sld [smem:$0x3FB8];
	_ =	sdelay $0x3  }
0x36: {  	p1 =	seq.s32 s10, $0x1;
	s10 =	sld [smem:$0x3FB9];
	_ =	sdelay $0x3  }
0x37: {  	[smem:$0x3FB9] =	sst s10  }
0x38: {  	s10 =	sld [smem:$0x3FBA]  }
0x39: {  	_ = 	snop;
	(pc) =	sbr.ind lr, $3  }
0x3a: {  	_ = 	snop  }
0x3b: {  	_ = 	snop  }
0x3c: {  	p2 =	seq.s32 s10, $0x1;
	s10 =	sld [smem:$0x3FB9]  }
0x3d: {  	_ =	shalt  }
0x3e: {  	_ =	shalt  }
0x3f: {  	_ =	shalt  }
0x40: {  	_ =	shalt  }
0x41: {  	_ =	shalt  }
0x42: {  	_ =	shalt  }
0x43: {  	_ =	shalt  }
0x44: {  	_ =	shalt  }
0x45: {  	_ =	shalt  }
0x46: {  	_ =	shalt  }
0x47: {  	_ =	shalt  }
0x48: {  	_ =	shalt  }
0x49: {  	_ =	shalt  }
0x4a: {  	_ =	shalt  }
0x4b: {  	_ =	shalt  }
0x4c: {  	_ =	shalt  }
0x4d: {  	_ =	shalt  }
0x4e: {  	_ =	shalt  }
0x4f: {  	_ =	shalt  }
0x50: {  	_ =	shalt  }
0x51: {  	_ =	shalt  }
0x52: {  	_ =	shalt  }
0x53: {  	_ =	shalt  }
0x54: {  	_ =	shalt  }
0x55: {  	_ =	shalt  }
0x56: {  	_ =	shalt  }
0x57: {  	_ =	shalt  }
0x58: {  	_ =	shalt  }
0x59: {  	_ =	shalt  }
0x5a: {  	_ =	shalt  }
0x5b: {  	_ =	shalt  }
0x5c: {  	_ =	shalt  }
0x5d: {  	_ =	shalt  }
0x5e: {  	_ =	shalt  }
0x5f: {  	_ =	shalt  }
0x60: {  	_ =	shalt  }
0x61: {  	_ =	shalt  }
0x62: {  	_ =	shalt  }
0x63: {  	_ =	shalt  }
0x64: {  	_ =	shalt  }
0x65: {  	_ =	shalt  }
0x66: {  	_ =	shalt  }
0x67: {  	_ =	shalt  }
0x68: {  	_ =	shalt  }
0x69: {  	_ =	shalt  }
0x6a: {  	_ =	shalt  }
0x6b: {  	_ =	shalt  }
0x6c: {  	_ =	shalt  }
0x6d: {  	_ =	shalt  }
0x6e: {  	_ =	shalt  }
0x6f: {  	_ =	shalt  }
0x70: {  	_ =	shalt  }
0x71: {  	_ =	shalt  }
0x72: {  	_ =	shalt  }
0x73: {  	_ =	shalt  }
0x74: {  	_ =	shalt  }
0x75: {  	_ =	shalt  }
0x76: {  	_ =	shalt  }
0x77: {  	_ =	shalt  }
0x78: {  	_ =	shalt  }
0x79: {  	_ =	shalt  }
0x7a: {  	_ =	shalt  }
0x7b: {  	_ =	shalt  }
0x7c: {  	_ =	shalt  }
0x7d: {  	_ =	shalt  }
0x7e: {  	_ =	shalt  }
0x7f: {  	_ =	shalt  }
0x80: {  	_ =	shalt  }
0x81: {  	_ =	shalt  }
0x82: {  	_ =	shalt  }
0x83: {  	_ =	shalt  }
0x84: {  	_ =	shalt  }
0x85: {  	_ =	shalt  }
0x86: {  	_ =	shalt  }
0x87: {  	_ =	shalt  }
.Lfunc_end0:
.L_simem_size_0:
called_computation.1_lowered:
.L_overlay_start_0:
0x88: {  	s2 =	sld [smem:$0x3FD9]  }
0x89: {  	s3 =	sld [smem:$0x3FFE];
	_ =	sdelay $0x1  }
0x8a: {  	s1 =	srdreg.scid  }
0x8b: {  	s0 =	sand.u32 $0x1, s1  }
0x8c: {  	s17 =	sshll.u32 s0, $0xA;
	s2 =	sadd.s32 s3, s2  }
0x8d: {  	s2 =	sadd.s32 s2, s17  }
0x8e: {  	[smem:$0x3FC5] =	sst s2  }
0x8f: {  	_ = 	snop  }
0x90: {  	s2 =	sld [smem:$0x3FD0];
	(tm) =	ssettm $0x1  }
0x91: {  	s18 =	sld [smem:$0x3FFB];
	_ =	sdelay $0x3  }
0x92: {  	_ =	strace s18  }
0x93: {  	s3 =	sld [smem:$0x3FFC];
	_ =	sdelay $0x3  }
0x94: {  	_ =	strace s3  }
0x95: {  	s3 =	sld [smem:$0x3FFD];
	_ =	sdelay $0x3  }
0x96: {  	_ =	strace s3  }
0x97: {  	_ =	strace $0x8FFFFFFF  }
0x98: {  	s19 =	sld [smem:$0x3FDB];
	_ =	sdelay $0x1  }
0x99: {  	s4 =	simm.s32 $_scs_section_size  }
0x9a: {  	s5 =	simm.s32 $_size__tile_overlayer_lowered;
	s6 =	simm.s32 $_tile_overlayer_lowered  }
0x9b: {  	s22 =	simm.s32 $0x1BFF;
	s21 =	sshll.u32 s6, $0x1;
	s3 =	sadd.s32 s4, s19  }
0x9c: {  	s7 =	simm.s32 $0x0;
	s20 =	sshll.u32 s5, $0x1;
	s5 =	sadd.s32 s21, s3  }
0x9d: {  	[timem:s7], [sflag:s22] =	dma.local [hbm:s5], s20  }
0x9e: {  	_ =	swait.ge [sflag:s22], s20  }
0x9f: {  	s4 =	ssub.s32 $0x0, s20;
	[sflag:s22] =	ssyncset.done $0x0  }
0xa0: {  	[sflag:s22] =	ssyncadd.s32 s4;
	_ =	sdelay $0x1  }
0xa1: {  	s23 =	simm.s32 $0x1B8B  }
0xa2: {  	_ =	swait.ge [sflag:s23], $0x1  }
0xa3: {  	[sflag:s23] =	ssyncset.done $0x0  }
0xa4: {  	s25 =	simm.s32 $0x1B8E;
	s24 =	sld [smem:$0x3FFE];
	[sflag:s23] =	ssyncadd.s32 $0xFFFFFFFF  }
0xa5: {  	s26 =	simm.s32 $execute0_lowered;
	[smem:$0x3FD2] =	sst s25  }
0xa6: {  	s5 =	sshll.u32 s26, $0x1;
	_ =	strace $0x80000049;
	[dreg:$0x1] =	wrdreg $0xFFFFFFFF  }
0xa7: {  	s28 =	simm.s32 $_size_execute0_lowered;
	s3 =	sadd.s32 s3, s5;
	[dreg:$0x0] =	wrdreg $0x0  }
0xa8: {  	s5 =	sshll.u32 s28, $0x1;
	[dreg:$0x2] =	wrdreg s3  }
0xa9: {  	[dreg:$0x3] =	wrdreg s5  }
0xaa: {  	[dreg:$0x4] =	wrdreg $0xC0  }
0xab: {  	_ =	task [dreg:s7], $0x5FFFF  }
0xac: {  	[dreg:$0x1] =	wrdreg $0xFFFFFFFF  }
0xad: {  	[dreg:$0x0] =	wrdreg $0x60  }
0xae: {  	[dreg:$0x2] =	wrdreg s2  }
0xaf: {  	[dreg:$0x3] =	wrdreg s24  }
0xb0: {  	[dreg:$0x4] =	wrdreg $0x9  }
0xb1: {  	_ =	task.clear_ibuf [dreg:s7], $0x5FFFF;
	_ =	strace $0x90000049  }
0xb2: {  	s29 =	simm.s32 $0x9;
	_ =	strace $0x8000004B  }
0xb3: {  	_ =	swait.ge [sflag:s29], $0x1  }
0xb4: {  	[sflag:s29] =	ssyncadd.s32 $0xFFFFFFFF  }
0xb5: {  	_ =	strace $0x9000004B  }
0xb6: {  	_ =	sfence  }
0xb7: {  	s30 =	sld [smem:$0x0];
	_ =	sdelay $0x2  }
0xb8: {  	s31 =	sshll.u32 s1, $0xD;
	s1 =	sshrl.u32 s1, $0x2  }
0xb9: {  	s3 =	sand.u32 $0x4000, s31;
	s1 =	sadd.s32 s1, s30  }
0xba: {  	s0 =	sor.u32 s3, s0;
	s1 =	sshll.u32 s1, $0x11  }
0xbb: {  	s0 =	sor.u32 s1, s0  }
0xbc: {  	s0 =	sadd.s32 $0x8F2B, s0  }
0xbd: {  	[sflag:s0] =	ssyncadd.remote.s32 $0x1  }
0xbe: {  	_ =	sfence.sel $0xFFFF  }
0xbf: {  	[dreg:$0x0] =	wrdreg $0xFFFFFFFF;
	(pc) =	sbr.abs _section_cstart, $3  }
0xc0: {  	[dreg:$0x1] =	wrdreg $0xFFFFFFFF  }
0xc1: {  	_ =	task.clear_ibuf [dreg:s7], $0x2FFFF;
	_ =	strace $0x9FFFFFFF  }
0xc2: {  	(tm) =	ssettm $0x7FFFFFFF  }
0xc3: {  	_ =	shalt  }
tec
execute0_lowered:
.L_overlay_start_1:
0x0: {  	(tag) =	ssettag $0x1  }
0x1: {  	s6 =	rddreg [dreg:$0x0]  }
0x2: {  	s5 =	rddreg [dreg:$0x1];
	s2 =	srdreg.scid  }
0x3: {  	s0 =	rddreg [dreg:$0x2];
	s1 =	stileid.u32;
	v0 =	vlaneseq.u32;
	s11 =	simm.s32 $0x5  }
0x4: {  	s12 =	simm.s32 $0x3400;
	s13 =	simm.s32 $0x6800;
	s14 =	simm.s32 $0x340;
	v1 =	vmul.u32 $0x200, v0;
	v2 =	vmul.u32 $0x20, v0  }
0x5: {  	s15 =	simm.s32 $0x9C00;
	s16 =	simm.s32 $0x2;
	s17 =	simm.s32 $0x13800  }
0x6: {  	s18 =	simm.s32 $0x20;
	s19 =	simm.s32 $0x3;
	s20 =	simm.s32 $0x4;
	v3 =	vadd.s32 $0x1400, v1;
	v4 =	vor.u32 $0x200, v2  }
0x7: {  	s21 =	simm.s32 $0xD000;
	s22 =	simm.s32 $0x1;
	s23 =	simm.s32 $0x10400;
	v5 =	vor.u32 $0x400, v2;
	v6 =	vor.u32 $0x600, v2;
	v7 =	vor.u32 $0x800, v2  }
0x8: {  	s24 =	simm.s32 $0x0;
	s4 =	sand.u32 $0x1, s2;
	s2 =	simm.s32 $0x0;
	v8 =	vor.u32 $0xA00, v2;
	v9 =	vor.u32 $0xC00, v2;
	v10 =	vor.u32 $0xE00, v2  }
0x9: {  	s3 =	sshll.u32 s1, $0xA;
	s7 =	sshll.u32 s4, $0x9;
	[smem:$0x7FF] =	sst s2;
	v11 =	vor.u32 $0x1000, v2;
	v12 =	vor.u32 $0x1200, v2;
	v13 =	vor.u32 $0x1400, v2  }
.Ltmp0:
0xa: {  	s8 =	ssub.s32 $0x2, s4;
	s4 =	sadd.s32 $0xE00, s5;
	v14 =	vor.u32 $0x1600, v2;
	v15 =	vor.u32 $0x1800, v2;
	v16 =	vor.u32 $0x1A00, v2;
	(pc) =	sbr.rel .LBB2_1-.Ltmp0, $4  }
0xb: {  	s3 =	sor.u32 s7, s3;
	_ =	strace $0x8000004A;
	s10 =	sshrl.u32 s8, $0x1;
	v17 =	vor.u32 $0x1C00, v2;
	v18 =	vor.u32 $0x1E00, v2;
	v19 =	vor.u32 $0x2000, v2  }
0xc: {  	v20 =	vor.u32 $0x2200, v2;
	v21 =	vor.u32 $0x2400, v2;
	v22 =	vor.u32 $0x2600, v2;
	s7 =	sshrl.u32 s3, $0x3;
	s8 =	ssub.s32 s8, s10;
	s10 =	simm.s32 $0x4000  }
0xd: {  	v23 =	vor.u32 $0x2800, v2;
	v24 =	vor.u32 $0x2A00, v2;
	v25 =	vor.u32 $0x2C00, v2;
	s9 =	sadd.s32 s7, s5;
	s5 =	sadd.s32 $0x1F6400, s5;
	s6 =	sadd.s32 s6, s7  }
0xe: {  	v26 =	vor.u32 $0x2E00, v2;
	v27 =	vor.u32 $0x3000, v2;
	v28 =	vor.u32 $0x3200, v2;
	s8 =	smax.u32 s8, $0x1;
	s7 =	sadd.s32 $0x1E9400, s9;
	s9 =	simm.s32 $0x200  }
.LBB2_14:
0xf: {  	s24 =	sadd.s32 $0x1, s24  }
0x10: {  	_ =	swait.ge [sflag:s19], $0x3400;
	p0 =	sne.s32 s24, s8  }
.Ltmp1:
0x11: {  	[sflag:s19] =	ssyncset.done $0x0;
	(pc) =	sbr.rel @!p0 .LBB2_15-.Ltmp1, $4  }
0x12: {  	[sflag:s19] =	ssyncadd.s32 $0xFFFFCC00  }
0x13: {  	_ =	swait.ge [sflag:s20], $0x3400  }
0x14: {  	[sflag:s20] =	ssyncset.done $0x0  }
0x15: {  	[sflag:s20] =	ssyncadd.s32 $0xFFFFCC00  }
.LBB2_1:
0x16: {  	v29 =	vmov s2  }
0x17: {  	[tilespmem:s2], [sflag:$0x5] =	stream.strided.gather [hbm4b:s6+s9], $0x3400, s10, s9, $0x38;
	v29 =	vand.u32 $0x1FF, v29;
	[tilespmem:$0x16C00] =	vst v63  }
0x18: {  	_ =	swait.ge [sflag:s11], $0x3400;
	v29 =	vbroadcast v29, $0x0  }
0x19: {  	[sflag:s11] =	ssyncset.done $0x0  }
0x1a: {  	[sflag:s11] =	ssyncadd.s32 $0xFFFFCC00;
	v32 =	vor.u32 v1, v29  }
0x1b: {  	[tilespmem:s12], [sflag:$0x5] =	stream.strided.gather [hbm4b:s7+s9], $0x3400, s10, s9, $0x38;
	v30 =	vor.u32 v3, v29;
	[tilespmem:$0x16C00] =	vst v63  }
0x1c: {  	_ =	swait.ge [sflag:s11], $0x3400  }
0x1d: {  	s25 =	simm.s32 $0x1;
	[sflag:s11] =	ssyncset.done $0x0  }
0x1e: {  	v31 =	vmov s25;
	[sflag:s11] =	ssyncadd.s32 $0xFFFFCC00  }
0x1f: {  	s26 =	simm.s32 $0x2;
	s25 =	simm.s32 $0x0;
	v31 =	vand.u32 $0x1FF, v31;
	v29 =	vld.idx.msk [tilespmem:v32+s2+$0x0], $0xffff  }
.LBB2_2:
0x20: {  	p0 =	sne.s32 s26, $0x1FF;
	v31 =	vbroadcast v31, $0x0;
	v32 =	vld.idx.msk [tilespmem:v30+s2+$0x0], $0xffff;
	v33 =	vadd.s32 s25, v0;
	s28 =	sadd.s32 $0xA, s25  }
0x21: {  	v34 =	vadd.s32 s28, v0  }
0x22: {  	v35 =	vor.u32 v1, v31  }
.Ltmp2:
0x23: {  	v30 =	vor.u32 v3, v31;
	(pc) =	sbr.rel @p0 .LBB2_2-.Ltmp2, $4  }
0x24: {  	_ = 	snop  }
0x25: {  	[tilespmem:v33+s13+$0x0] =	vst.idx.msk $0xffff, v29  }
0x26: {  	v29 =	vmov s26;
	[tilespmem:v34+s13+$0x0] =	vst.idx.msk $0xffff, v32  }
0x27: {  	s25 =	sadd.s32 $0x1A, s25;
	s26 =	sadd.s32 $0x1, s26;
	v31 =	vand.u32 $0x1FF, v29;
	v29 =	vld.idx.msk [tilespmem:v35+s2+$0x0], $0xffff  }
0x28: {  	_ =	sdelay $0x2  }
0x29: {  	v31 =	vbroadcast v31, $0x0;
	v32 =	vadd.s32 s25, v0;
	s26 =	sadd.s32 $0xA, s25  }
0x2a: {  	v30 =	vld.idx.msk [tilespmem:v30+s2+$0x0], $0xffff;
	v33 =	vadd.s32 s26, v0  }
0x2b: {  	v34 =	vor.u32 v1, v31  }
0x2c: {  	v31 =	vor.u32 v3, v31;
	_ =	sdelay $0x1  }
0x2d: {  	[tilespmem:v32+s13+$0x0] =	vst.idx.msk $0xffff, v29  }
0x2e: {  	s31 =	sadd.s32 $0x1A, s25;
	[tilespmem:v33+s13+$0x0] =	vst.idx.msk $0xffff, v30  }
0x2f: {  	s25 =	sadd.s32 $0xA, s31;
	v30 =	vadd.s32 s31, v0;
	v29 =	vld.idx.msk [tilespmem:v34+s2+$0x0], $0xffff  }
0x30: {  	v63 =	vadd.s32 s25, v0;
	v31 =	vld.idx.msk [tilespmem:v31+s2+$0x0], $0xffff;
	_ =	sdelay $0x1  }
.Ltmp3:
0x31: {  	_ = 	snop;
	(pc) =	sbr.rel .LBB2_4-.Ltmp3, $4  }
0x32: {  	_ = 	snop  }
0x33: {  	[tilespmem:v30+s13+$0x0] =	vst.idx.msk $0xffff, v29  }
0x34: {  	s28 =	simm.s32 $0x0;
	[tilespmem:v63+s13+$0x0] =	vst.idx.msk $0xffff, v31  }
0x35: {  	[tilespmem:s15], [sflag:$0x1] =	stream.indirect.gather [hbm4b:s4+s14], $0x10, s13, s14, $0xb8;
	[tilespmem:$0x16C00] =	vst v63  }
.LBB2_12:
0x36: {  	_ =	sdelay $0x3  }
0x37: {  	[tilespmem:v31+s23+$0x0] =	vst.idx.msk $0xffff, v30  }
0x38: {  	v30 =	vmov s29;
	v29 =	vld.idx.msk [tilespmem:v29+s12+$0x0], $0xffff  }
0x39: {  	s28 =	sadd.s32 $0x1A0, s28;
	v30 =	vand.u32 $0x1F, v30  }
0x3a: {  	v31 =	vld [tilespmem:s28+$0xFFFFFF30];
	v30 =	vbroadcast v30, $0x0;
	_ =	sdelay $0x1  }
0x3b: {  	v33 =	vor.u32 v2, v30  }
0x3c: {  	v34 =	vbroadcast v29, $0x0;
	_ =	sdelay $0x1  }
0x3d: {  	v31 =	vmul.f32 v31, v34;
	_ =	sdelay $0x1  }
0x3e: {  	v32 =	vld.idx.msk [tilespmem:v32+s12+$0x0], $0xffff;
	[tilespmem:v33+s23+$0x0] =	vst.idx.msk $0xffff, v31  }
0x3f: {  	v31 =	vld [tilespmem:s28+$0xFFFFFF40];
	_ =	sdelay $0x1  }
0x40: {  	v54 =	vor.u32 v4, v30  }
0x41: {  	v55 =	vbroadcast v29, $0x1;
	_ =	sdelay $0x1  }
0x42: {  	v31 =	vmul.f32 v31, v55;
	_ =	sdelay $0x1  }
0x43: {  	[tilespmem:v54+s23+$0x0] =	vst.idx.msk $0xffff, v31  }
0x44: {  	v31 =	vld [tilespmem:s28+$0xFFFFFF50];
	_ =	sdelay $0x1  }
0x45: {  	v56 =	vor.u32 v5, v30  }
0x46: {  	v57 =	vbroadcast v29, $0x2;
	_ =	sdelay $0x1  }
0x47: {  	v31 =	vmul.f32 v31, v57;
	_ =	sdelay $0x1  }
0x48: {  	[tilespmem:v56+s23+$0x0] =	vst.idx.msk $0xffff, v31  }
0x49: {  	v31 =	vld [tilespmem:s28+$0xFFFFFF60];
	_ =	sdelay $0x1  }
0x4a: {  	v58 =	vor.u32 v6, v30  }
0x4b: {  	v59 =	vbroadcast v29, $0x3;
	_ =	sdelay $0x1  }
0x4c: {  	v31 =	vmul.f32 v31, v59;
	_ =	sdelay $0x1  }
0x4d: {  	[tilespmem:v58+s23+$0x0] =	vst.idx.msk $0xffff, v31  }
0x4e: {  	v31 =	vld [tilespmem:s28+$0xFFFFFF70];
	_ =	sdelay $0x1  }
0x4f: {  	v60 =	vor.u32 v7, v30  }
0x50: {  	v61 =	vbroadcast v29, $0x4;
	_ =	sdelay $0x1  }
0x51: {  	v31 =	vmul.f32 v31, v61;
	_ =	sdelay $0x1  }
0x52: {  	[tilespmem:v60+s23+$0x0] =	vst.idx.msk $0xffff, v31  }
0x53: {  	v31 =	vld [tilespmem:s28+$0xFFFFFF80];
	_ =	sdelay $0x1  }
0x54: {  	v62 =	vor.u32 v8, v30  }
0x55: {  	v63 =	vbroadcast v29, $0x5;
	_ =	sdelay $0x1  }
0x56: {  	v31 =	vmul.f32 v31, v63;
	_ =	sdelay $0x1  }
0x57: {  	[tilespmem:v62+s23+$0x0] =	vst.idx.msk $0xffff, v31  }
0x58: {  	v31 =	vld [tilespmem:s28+$0xFFFFFF90];
	_ =	sdelay $0x1  }
0x59: {  	v36 =	vor.u32 v9, v30  }
0x5a: {  	v37 =	vbroadcast v29, $0x6;
	_ =	sdelay $0x1  }
0x5b: {  	v31 =	vmul.f32 v31, v37;
	_ =	sdelay $0x1  }
0x5c: {  	[tilespmem:v36+s23+$0x0] =	vst.idx.msk $0xffff, v31  }
0x5d: {  	v31 =	vld [tilespmem:s28+$0xFFFFFFA0];
	_ =	sdelay $0x1  }
0x5e: {  	v38 =	vor.u32 v10, v30  }
0x5f: {  	v39 =	vbroadcast v29, $0x7;
	_ =	sdelay $0x1  }
0x60: {  	v31 =	vmul.f32 v31, v39;
	_ =	sdelay $0x1  }
0x61: {  	[tilespmem:v38+s23+$0x0] =	vst.idx.msk $0xffff, v31  }
0x62: {  	v31 =	vld [tilespmem:s28+$0xFFFFFFB0];
	_ =	sdelay $0x1  }
0x63: {  	v40 =	vor.u32 v11, v30  }
0x64: {  	v41 =	vbroadcast v29, $0x8;
	_ =	sdelay $0x1  }
0x65: {  	v31 =	vmul.f32 v31, v41;
	_ =	sdelay $0x1  }
0x66: {  	[tilespmem:v40+s23+$0x0] =	vst.idx.msk $0xffff, v31  }
0x67: {  	v31 =	vld [tilespmem:s28+$0xFFFFFFC0];
	_ =	sdelay $0x1  }
0x68: {  	v42 =	vor.u32 v12, v30  }
0x69: {  	v43 =	vbroadcast v29, $0x9;
	_ =	sdelay $0x1  }
0x6a: {  	v31 =	vmul.f32 v31, v43;
	_ =	sdelay $0x1  }
0x6b: {  	[tilespmem:v42+s23+$0x0] =	vst.idx.msk $0xffff, v31  }
0x6c: {  	v31 =	vld [tilespmem:s28+$0xFFFFFFD0];
	_ =	sdelay $0x1  }
0x6d: {  	v44 =	vor.u32 v13, v30  }
0x6e: {  	v45 =	vbroadcast v29, $0xA;
	_ =	sdelay $0x1  }
0x6f: {  	v31 =	vmul.f32 v31, v45;
	_ =	sdelay $0x1  }
0x70: {  	[tilespmem:v44+s23+$0x0] =	vst.idx.msk $0xffff, v31  }
0x71: {  	v31 =	vld [tilespmem:s28+$0xFFFFFFE0];
	_ =	sdelay $0x1  }
0x72: {  	v46 =	vor.u32 v14, v30  }
0x73: {  	v47 =	vbroadcast v29, $0xB;
	_ =	sdelay $0x1  }
0x74: {  	v31 =	vmul.f32 v31, v47;
	_ =	sdelay $0x1  }
0x75: {  	[tilespmem:v46+s23+$0x0] =	vst.idx.msk $0xffff, v31  }
0x76: {  	v31 =	vld [tilespmem:s28+$0xFFFFFFF0];
	_ =	sdelay $0x1  }
0x77: {  	v48 =	vor.u32 v15, v30  }
0x78: {  	v49 =	vbroadcast v29, $0xC;
	_ =	sdelay $0x1  }
0x79: {  	v31 =	vmul.f32 v31, v49;
	_ =	sdelay $0x1  }
0x7a: {  	[tilespmem:v48+s23+$0x0] =	vst.idx.msk $0xffff, v31  }
0x7b: {  	v31 =	vld [tilespmem:s28+$0x0];
	_ =	sdelay $0x1  }
0x7c: {  	v50 =	vor.u32 v16, v30  }
0x7d: {  	v51 =	vbroadcast v29, $0xD;
	_ =	sdelay $0x1  }
0x7e: {  	v31 =	vmul.f32 v31, v51;
	_ =	sdelay $0x1  }
0x7f: {  	[tilespmem:v50+s23+$0x0] =	vst.idx.msk $0xffff, v31  }
0x80: {  	v31 =	vld [tilespmem:s28+$0x10];
	_ =	sdelay $0x1  }
0x81: {  	v52 =	vor.u32 v17, v30  }
0x82: {  	v53 =	vbroadcast v29, $0xE;
	_ =	sdelay $0x1  }
0x83: {  	v31 =	vmul.f32 v31, v53;
	_ =	sdelay $0x1  }
0x84: {  	[tilespmem:v52+s23+$0x0] =	vst.idx.msk $0xffff, v31  }
0x85: {  	v31 =	vld [tilespmem:s28+$0x20];
	_ =	sdelay $0x1  }
0x86: {  	v54 =	vor.u32 v18, v30  }
0x87: {  	v29 =	vbroadcast v29, $0xF;
	_ =	sdelay $0x1  }
0x88: {  	v29 =	vmul.f32 v31, v29;
	_ =	sdelay $0x1  }
0x89: {  	[tilespmem:v54+s23+$0x0] =	vst.idx.msk $0xffff, v29  }
0x8a: {  	v29 =	vld [tilespmem:s28+$0x30];
	_ =	sdelay $0x1  }
0x8b: {  	v31 =	vor.u32 v19, v30  }
0x8c: {  	v55 =	vbroadcast v32, $0x6;
	_ =	sdelay $0x1  }
0x8d: {  	v29 =	vmul.f32 v29, v55;
	_ =	sdelay $0x1  }
0x8e: {  	[tilespmem:v31+s23+$0x0] =	vst.idx.msk $0xffff, v29  }
0x8f: {  	v29 =	vld [tilespmem:s28+$0x40];
	_ =	sdelay $0x1  }
0x90: {  	v31 =	vor.u32 v20, v30  }
0x91: {  	v56 =	vbroadcast v32, $0x7;
	_ =	sdelay $0x1  }
0x92: {  	v29 =	vmul.f32 v29, v56;
	_ =	sdelay $0x1  }
0x93: {  	[tilespmem:v31+s23+$0x0] =	vst.idx.msk $0xffff, v29  }
0x94: {  	v29 =	vld [tilespmem:s28+$0x50];
	_ =	sdelay $0x1  }
0x95: {  	v31 =	vor.u32 v21, v30  }
0x96: {  	v57 =	vbroadcast v32, $0x8;
	_ =	sdelay $0x1  }
0x97: {  	v29 =	vmul.f32 v29, v57;
	_ =	sdelay $0x1  }
0x98: {  	[tilespmem:v31+s23+$0x0] =	vst.idx.msk $0xffff, v29  }
0x99: {  	v29 =	vld [tilespmem:s28+$0x60];
	_ =	sdelay $0x1  }
0x9a: {  	v31 =	vor.u32 v22, v30  }
0x9b: {  	v58 =	vbroadcast v32, $0x9;
	_ =	sdelay $0x1  }
0x9c: {  	v29 =	vmul.f32 v29, v58;
	_ =	sdelay $0x1  }
0x9d: {  	[tilespmem:v31+s23+$0x0] =	vst.idx.msk $0xffff, v29  }
0x9e: {  	v29 =	vld [tilespmem:s28+$0x70];
	_ =	sdelay $0x1  }
0x9f: {  	v31 =	vor.u32 v23, v30  }
0xa0: {  	v59 =	vbroadcast v32, $0xA;
	_ =	sdelay $0x1  }
0xa1: {  	v29 =	vmul.f32 v29, v59;
	_ =	sdelay $0x1  }
0xa2: {  	[tilespmem:v31+s23+$0x0] =	vst.idx.msk $0xffff, v29  }
0xa3: {  	v29 =	vld [tilespmem:s28+$0x80];
	_ =	sdelay $0x1  }
0xa4: {  	v31 =	vor.u32 v24, v30  }
0xa5: {  	v60 =	vbroadcast v32, $0xB;
	_ =	sdelay $0x1  }
0xa6: {  	v29 =	vmul.f32 v29, v60;
	_ =	sdelay $0x1  }
0xa7: {  	[tilespmem:v31+s23+$0x0] =	vst.idx.msk $0xffff, v29  }
0xa8: {  	v29 =	vld [tilespmem:s28+$0x90];
	_ =	sdelay $0x1  }
0xa9: {  	v31 =	vor.u32 v25, v30  }
0xaa: {  	v61 =	vbroadcast v32, $0xC;
	_ =	sdelay $0x1  }
0xab: {  	v29 =	vmul.f32 v29, v61;
	_ =	sdelay $0x1  }
0xac: {  	[tilespmem:v31+s23+$0x0] =	vst.idx.msk $0xffff, v29  }
0xad: {  	v29 =	vld [tilespmem:s28+$0xA0];
	_ =	sdelay $0x1  }
0xae: {  	v31 =	vor.u32 v26, v30  }
0xaf: {  	v62 =	vbroadcast v32, $0xD;
	_ =	sdelay $0x1  }
0xb0: {  	v29 =	vmul.f32 v29, v62;
	_ =	sdelay $0x1  }
0xb1: {  	[tilespmem:v31+s23+$0x0] =	vst.idx.msk $0xffff, v29  }
0xb2: {  	v29 =	vld [tilespmem:s28+$0xB0];
	_ =	sdelay $0x1  }
0xb3: {  	v31 =	vor.u32 v27, v30  }
0xb4: {  	v63 =	vbroadcast v32, $0xE;
	_ =	sdelay $0x1  }
0xb5: {  	v29 =	vmul.f32 v29, v63;
	_ =	sdelay $0x1  }
0xb6: {  	[tilespmem:v31+s23+$0x0] =	vst.idx.msk $0xffff, v29  }
0xb7: {  	v29 =	vld [tilespmem:s28+$0xC0];
	_ =	sdelay $0x1  }
0xb8: {  	v30 =	vor.u32 v28, v30  }
0xb9: {  	v31 =	vbroadcast v32, $0xF;
	_ =	sdelay $0x1  }
0xba: {  	s26 =	sadd.s32 s3, s26;
	v29 =	vmul.f32 v29, v31  }
0xbb: {  	s26 =	sshrl.u32 s26, $0x3  }
0xbc: {  	s26 =	sadd.s32 s5, s26;
	[tilespmem:v30+s23+$0x0] =	vst.idx.msk $0xffff, v29  }
0xbd: {  	[hbm4b:s26+s18] =	stream.strided.scatter [tilespmem:s23], [sflag:$0x3], $0x3400, s10, s18, $0x38;
	[tilespmem:$0x16C00] =	vst v63  }
.LBB2_13:
0xbe: {  	p0 =	sne.s32 s25, $0x10  }
.Ltmp4:
0xbf: {  	_ = 	snop;
	(pc) =	sbr.rel @!p0 .LBB2_14-.Ltmp4, $2  }
0xc0: {  	_ =	sdelay $0x2  }
0xc1: {  	s28 =	smov.u32 s25  }
.LBB2_4:
0xc2: {  	p0 =	seq.s32 s28, $0xF  }
.Ltmp5:
0xc3: {  	_ = 	snop;
	(pc) =	sbr.rel @p0 .LBB2_7-.Ltmp5, $2  }
0xc4: {  	_ =	sdelay $0x2  }
0xc5: {  	s25 =	sadd.s32 $0x1, s28  }
0xc6: {  	s29 =	sand.u32 $0x1, s28  }
0xc7: {  	p0 =	seq.s32 s29, $0x0  }
.Ltmp6:
0xc8: {  	_ = 	snop;
	(pc) =	sbr.rel @p0 .LBB2_10-.Ltmp6, $3  }
0xc9: {  	s26 =	smul.u32 $0xD00, s25;
	_ =	sdelay $0x1  }
0xca: {  	s26 =	sshra.s32 s26, $0x2  }
0xcb: {  	s29 =	sadd.s32 $0x6800, s26  }
0xcc: {  	[tilespmem:s15], [sflag:$0x1] =	stream.indirect.gather [hbm4b:s4+s14], $0x10, s29, s14, $0xb8;
	[tilespmem:$0x16C00] =	vst v63  }
.LBB2_7:
0xcd: {  	s26 =	sshll.u32 s28, $0x5  }
0xce: {  	s29 =	sadd.s32 $0x0, s26  }
0xcf: {  	v29 =	vmov s29  }
0xd0: {  	v29 =	vand.u32 $0x1FF, v29  }
0xd1: {  	v30 =	vbroadcast v29, $0x0  }
0xd2: {  	_ =	swait.ge [sflag:s16], $0x3400  }
0xd3: {  	p0 =	slt.u32 s28, $0x2;
	[sflag:s16] =	ssyncset.done $0x0;
	v29 =	vor.u32 v1, v30  }
0xd4: {  	s28 =	simm.s32 @!p0 $0x4;
	[sflag:s16] =	ssyncadd.s32 $0xFFFFCC00  }
0xd5: {  	_ =	swait.ge @!p0 [sflag:s28], $0x3400  }
0xd6: {  	[sflag:s28] =	ssyncset.done @!p0 $0x0  }
0xd7: {  	[sflag:s28] =	ssyncadd.s32 @!p0 $0xFFFFCC00;
	s28 =	simm.s32 $0x0  }
0xd8: {  	v31 =	vld.idx.msk [tilespmem:v29+s12+$0x0], $0xffff;
	v29 =	vmov s28  }
0xd9: {  	s28 =	simm.s32 $0xD0D0;
	v29 =	vand.u32 $0x1F, v29  }
0xda: {  	v32 =	vld [tilespmem:s28+$0xFFFFFF30];
	v29 =	vbroadcast v29, $0x0;
	_ =	sdelay $0x1  }
0xdb: {  	v30 =	vor.u32 v3, v30;
	v33 =	vor.u32 v2, v29  }
0xdc: {  	v34 =	vbroadcast v31, $0x0;
	_ =	sdelay $0x1  }
0xdd: {  	v32 =	vmul.f32 v32, v34;
	_ =	sdelay $0x1  }
0xde: {  	v30 =	vld.idx.msk [tilespmem:v30+s12+$0x0], $0xffff;
	[tilespmem:v33+s17+$0x0] =	vst.idx.msk $0xffff, v32  }
0xdf: {  	v32 =	vld [tilespmem:s28+$0xFFFFFF40];
	_ =	sdelay $0x1  }
0xe0: {  	v43 =	vor.u32 v4, v29  }
0xe1: {  	v44 =	vbroadcast v31, $0x1;
	_ =	sdelay $0x1  }
0xe2: {  	v32 =	vmul.f32 v32, v44;
	_ =	sdelay $0x1  }
0xe3: {  	[tilespmem:v43+s17+$0x0] =	vst.idx.msk $0xffff, v32  }
0xe4: {  	v32 =	vld [tilespmem:s28+$0xFFFFFF50];
	_ =	sdelay $0x1  }
0xe5: {  	v45 =	vor.u32 v5, v29  }
0xe6: {  	v46 =	vbroadcast v31, $0x2;
	_ =	sdelay $0x1  }
0xe7: {  	v32 =	vmul.f32 v32, v46;
	_ =	sdelay $0x1  }
0xe8: {  	[tilespmem:v45+s17+$0x0] =	vst.idx.msk $0xffff, v32  }
0xe9: {  	v32 =	vld [tilespmem:s28+$0xFFFFFF60];
	_ =	sdelay $0x1  }
0xea: {  	v47 =	vor.u32 v6, v29  }
0xeb: {  	v48 =	vbroadcast v31, $0x3;
	_ =	sdelay $0x1  }
0xec: {  	v32 =	vmul.f32 v32, v48;
	_ =	sdelay $0x1  }
0xed: {  	[tilespmem:v47+s17+$0x0] =	vst.idx.msk $0xffff, v32  }
0xee: {  	v32 =	vld [tilespmem:s28+$0xFFFFFF70];
	_ =	sdelay $0x1  }
0xef: {  	v49 =	vor.u32 v7, v29  }
0xf0: {  	v50 =	vbroadcast v31, $0x4;
	_ =	sdelay $0x1  }
0xf1: {  	v32 =	vmul.f32 v32, v50;
	_ =	sdelay $0x1  }
0xf2: {  	[tilespmem:v49+s17+$0x0] =	vst.idx.msk $0xffff, v32  }
0xf3: {  	v32 =	vld [tilespmem:s28+$0xFFFFFF80];
	_ =	sdelay $0x1  }
0xf4: {  	v51 =	vor.u32 v8, v29  }
0xf5: {  	v52 =	vbroadcast v31, $0x5;
	_ =	sdelay $0x1  }
0xf6: {  	v32 =	vmul.f32 v32, v52;
	_ =	sdelay $0x1  }
0xf7: {  	[tilespmem:v51+s17+$0x0] =	vst.idx.msk $0xffff, v32  }
0xf8: {  	v32 =	vld [tilespmem:s28+$0xFFFFFF90];
	_ =	sdelay $0x1  }
0xf9: {  	v53 =	vor.u32 v9, v29  }
0xfa: {  	v54 =	vbroadcast v31, $0x6;
	_ =	sdelay $0x1  }
0xfb: {  	v32 =	vmul.f32 v32, v54;
	_ =	sdelay $0x1  }
0xfc: {  	[tilespmem:v53+s17+$0x0] =	vst.idx.msk $0xffff, v32  }
0xfd: {  	v32 =	vld [tilespmem:s28+$0xFFFFFFA0];
	_ =	sdelay $0x1  }
0xfe: {  	v55 =	vor.u32 v10, v29  }
0xff: {  	v56 =	vbroadcast v31, $0x7;
	_ =	sdelay $0x1  }
0x100: {  	v32 =	vmul.f32 v32, v56;
	_ =	sdelay $0x1  }
0x101: {  	[tilespmem:v55+s17+$0x0] =	vst.idx.msk $0xffff, v32  }
0x102: {  	v32 =	vld [tilespmem:s28+$0xFFFFFFB0];
	_ =	sdelay $0x1  }
0x103: {  	v57 =	vor.u32 v11, v29  }
0x104: {  	v58 =	vbroadcast v31, $0x8;
	_ =	sdelay $0x1  }
0x105: {  	v32 =	vmul.f32 v32, v58;
	_ =	sdelay $0x1  }
0x106: {  	[tilespmem:v57+s17+$0x0] =	vst.idx.msk $0xffff, v32  }
0x107: {  	v32 =	vld [tilespmem:s28+$0xFFFFFFC0];
	_ =	sdelay $0x1  }
0x108: {  	v59 =	vor.u32 v12, v29  }
0x109: {  	v60 =	vbroadcast v31, $0x9;
	_ =	sdelay $0x1  }
0x10a: {  	v32 =	vmul.f32 v32, v60;
	_ =	sdelay $0x1  }
0x10b: {  	[tilespmem:v59+s17+$0x0] =	vst.idx.msk $0xffff, v32  }
0x10c: {  	v32 =	vld [tilespmem:s28+$0xFFFFFFD0];
	_ =	sdelay $0x1  }
0x10d: {  	v61 =	vor.u32 v13, v29  }
0x10e: {  	v62 =	vbroadcast v31, $0xA;
	_ =	sdelay $0x1  }
0x10f: {  	v32 =	vmul.f32 v32, v62;
	_ =	sdelay $0x1  }
0x110: {  	[tilespmem:v61+s17+$0x0] =	vst.idx.msk $0xffff, v32  }
0x111: {  	v32 =	vld [tilespmem:s28+$0xFFFFFFE0];
	_ =	sdelay $0x1  }
0x112: {  	v63 =	vor.u32 v14, v29  }
0x113: {  	v36 =	vbroadcast v31, $0xB;
	_ =	sdelay $0x1  }
0x114: {  	v32 =	vmul.f32 v32, v36;
	_ =	sdelay $0x1  }
0x115: {  	[tilespmem:v63+s17+$0x0] =	vst.idx.msk $0xffff, v32  }
0x116: {  	v32 =	vld [tilespmem:s28+$0xFFFFFFF0];
	_ =	sdelay $0x1  }
0x117: {  	v37 =	vor.u32 v15, v29  }
0x118: {  	v38 =	vbroadcast v31, $0xC;
	_ =	sdelay $0x1  }
0x119: {  	v32 =	vmul.f32 v32, v38;
	_ =	sdelay $0x1  }
0x11a: {  	[tilespmem:v37+s17+$0x0] =	vst.idx.msk $0xffff, v32  }
0x11b: {  	v32 =	vld [tilespmem:s28+$0x0];
	_ =	sdelay $0x1  }
0x11c: {  	v39 =	vor.u32 v16, v29  }
0x11d: {  	v40 =	vbroadcast v31, $0xD;
	_ =	sdelay $0x1  }
0x11e: {  	v32 =	vmul.f32 v32, v40;
	_ =	sdelay $0x1  }
0x11f: {  	[tilespmem:v39+s17+$0x0] =	vst.idx.msk $0xffff, v32  }
0x120: {  	v32 =	vld [tilespmem:s28+$0x10];
	_ =	sdelay $0x1  }
0x121: {  	v41 =	vor.u32 v17, v29  }
0x122: {  	v42 =	vbroadcast v31, $0xE;
	_ =	sdelay $0x1  }
0x123: {  	v32 =	vmul.f32 v32, v42;
	_ =	sdelay $0x1  }
0x124: {  	[tilespmem:v41+s17+$0x0] =	vst.idx.msk $0xffff, v32  }
0x125: {  	v32 =	vld [tilespmem:s28+$0x20];
	_ =	sdelay $0x1  }
0x126: {  	v43 =	vor.u32 v18, v29  }
0x127: {  	v31 =	vbroadcast v31, $0xF;
	_ =	sdelay $0x1  }
0x128: {  	v31 =	vmul.f32 v32, v31;
	_ =	sdelay $0x1  }
0x129: {  	[tilespmem:v43+s17+$0x0] =	vst.idx.msk $0xffff, v31  }
0x12a: {  	v31 =	vld [tilespmem:s28+$0x30];
	_ =	sdelay $0x1  }
0x12b: {  	v44 =	vor.u32 v19, v29  }
0x12c: {  	v45 =	vbroadcast v30, $0x6;
	_ =	sdelay $0x1  }
0x12d: {  	v31 =	vmul.f32 v31, v45;
	_ =	sdelay $0x1  }
0x12e: {  	[tilespmem:v44+s17+$0x0] =	vst.idx.msk $0xffff, v31  }
0x12f: {  	v31 =	vld [tilespmem:s28+$0x40];
	_ =	sdelay $0x1  }
0x130: {  	v46 =	vor.u32 v20, v29  }
0x131: {  	v47 =	vbroadcast v30, $0x7;
	_ =	sdelay $0x1  }
0x132: {  	v31 =	vmul.f32 v31, v47;
	_ =	sdelay $0x1  }
0x133: {  	[tilespmem:v46+s17+$0x0] =	vst.idx.msk $0xffff, v31  }
0x134: {  	v31 =	vld [tilespmem:s28+$0x50];
	_ =	sdelay $0x1  }
0x135: {  	v48 =	vor.u32 v21, v29  }
0x136: {  	v49 =	vbroadcast v30, $0x8;
	_ =	sdelay $0x1  }
0x137: {  	v31 =	vmul.f32 v31, v49;
	_ =	sdelay $0x1  }
0x138: {  	[tilespmem:v48+s17+$0x0] =	vst.idx.msk $0xffff, v31  }
0x139: {  	v31 =	vld [tilespmem:s28+$0x60];
	_ =	sdelay $0x1  }
0x13a: {  	v50 =	vor.u32 v22, v29  }
0x13b: {  	v51 =	vbroadcast v30, $0x9;
	_ =	sdelay $0x1  }
0x13c: {  	v31 =	vmul.f32 v31, v51;
	_ =	sdelay $0x1  }
0x13d: {  	[tilespmem:v50+s17+$0x0] =	vst.idx.msk $0xffff, v31  }
0x13e: {  	v31 =	vld [tilespmem:s28+$0x70];
	_ =	sdelay $0x1  }
0x13f: {  	v52 =	vor.u32 v23, v29  }
0x140: {  	v53 =	vbroadcast v30, $0xA;
	_ =	sdelay $0x1  }
0x141: {  	v31 =	vmul.f32 v31, v53;
	_ =	sdelay $0x1  }
0x142: {  	[tilespmem:v52+s17+$0x0] =	vst.idx.msk $0xffff, v31  }
0x143: {  	v31 =	vld [tilespmem:s28+$0x80];
	_ =	sdelay $0x1  }
0x144: {  	v54 =	vor.u32 v24, v29  }
0x145: {  	v55 =	vbroadcast v30, $0xB;
	_ =	sdelay $0x1  }
0x146: {  	v31 =	vmul.f32 v31, v55;
	_ =	sdelay $0x1  }
0x147: {  	[tilespmem:v54+s17+$0x0] =	vst.idx.msk $0xffff, v31  }
0x148: {  	v31 =	vld [tilespmem:s28+$0x90];
	_ =	sdelay $0x1  }
0x149: {  	v56 =	vor.u32 v25, v29  }
0x14a: {  	v57 =	vbroadcast v30, $0xC;
	_ =	sdelay $0x1  }
0x14b: {  	v31 =	vmul.f32 v31, v57;
	_ =	sdelay $0x1  }
0x14c: {  	[tilespmem:v56+s17+$0x0] =	vst.idx.msk $0xffff, v31  }
0x14d: {  	v31 =	vld [tilespmem:s28+$0xA0];
	_ =	sdelay $0x1  }
0x14e: {  	v58 =	vor.u32 v26, v29  }
0x14f: {  	v59 =	vbroadcast v30, $0xD;
	_ =	sdelay $0x1  }
0x150: {  	v31 =	vmul.f32 v31, v59;
	_ =	sdelay $0x1  }
0x151: {  	[tilespmem:v58+s17+$0x0] =	vst.idx.msk $0xffff, v31  }
0x152: {  	v31 =	vld [tilespmem:s28+$0xB0];
	_ =	sdelay $0x1  }
0x153: {  	v60 =	vor.u32 v27, v29  }
0x154: {  	v61 =	vbroadcast v30, $0xE;
	_ =	sdelay $0x1  }
0x155: {  	v31 =	vmul.f32 v31, v61  }
0x156: {  	s29 =	sadd.s32 $0x1, s26  }
0x157: {  	[tilespmem:v60+s17+$0x0] =	vst.idx.msk $0xffff, v31;
	v31 =	vmov s29  }
0x158: {  	v62 =	vld [tilespmem:s28+$0xC0];
	v31 =	vand.u32 $0x1FF, v31  }
0x159: {  	v63 =	vbroadcast v31, $0x0  }
0x15a: {  	v31 =	vor.u32 v28, v29  }
0x15b: {  	v30 =	vbroadcast v30, $0xF;
	v29 =	vor.u32 v1, v63;
	_ =	sdelay $0x1  }
0x15c: {  	s30 =	simm.s32 $0x2;
	s29 =	simm.s32 $0x1;
	v32 =	vor.u32 v3, v63;
	v30 =	vmul.f32 v62, v30  }
.LBB2_8:
0x15d: {  	p0 =	sne.s32 s30, $0x1F  }
0x15e: {  	s28 =	sadd.s32 $0x1A0, s28;
	s31 =	smov.u32 s30;
	s30 =	sadd.s32 $0x1, s30;
	[tilespmem:v31+s17+$0x0] =	vst.idx.msk $0xffff, v30  }
0x15f: {  	v31 =	vld.idx.msk [tilespmem:v29+s12+$0x0], $0xffff  }
0x160: {  	v29 =	vmov s29;
	s29 =	smov.u32 s31  }
0x161: {  	v29 =	vand.u32 $0x1F, v29  }
0x162: {  	v29 =	vbroadcast v29, $0x0;
	v30 =	vld [tilespmem:s28+$0xFFFFFF30];
	_ =	sdelay $0x1  }
0x163: {  	v33 =	vor.u32 v2, v29  }
0x164: {  	v34 =	vbroadcast v31, $0x0;
	_ =	sdelay $0x1  }
0x165: {  	v34 =	vmul.f32 v30, v34  }
0x166: {  	v30 =	vld.idx.msk [tilespmem:v32+s12+$0x0], $0xffff  }
0x167: {  	[tilespmem:v33+s17+$0x0] =	vst.idx.msk $0xffff, v34  }
0x168: {  	v32 =	vld [tilespmem:s28+$0xFFFFFF40];
	_ =	sdelay $0x1  }
0x169: {  	v33 =	vor.u32 v4, v29  }
0x16a: {  	v34 =	vbroadcast v31, $0x1;
	_ =	sdelay $0x1  }
0x16b: {  	v32 =	vmul.f32 v32, v34;
	_ =	sdelay $0x1  }
0x16c: {  	[tilespmem:v33+s17+$0x0] =	vst.idx.msk $0xffff, v32  }
0x16d: {  	v32 =	vld [tilespmem:s28+$0xFFFFFF50];
	_ =	sdelay $0x1  }
0x16e: {  	v33 =	vor.u32 v5, v29  }
0x16f: {  	v34 =	vbroadcast v31, $0x2;
	_ =	sdelay $0x1  }
0x170: {  	v32 =	vmul.f32 v32, v34;
	_ =	sdelay $0x1  }
0x171: {  	[tilespmem:v33+s17+$0x0] =	vst.idx.msk $0xffff, v32  }
0x172: {  	v32 =	vld [tilespmem:s28+$0xFFFFFF60];
	_ =	sdelay $0x1  }
0x173: {  	v33 =	vor.u32 v6, v29  }
0x174: {  	v34 =	vbroadcast v31, $0x3;
	_ =	sdelay $0x1  }
0x175: {  	v32 =	vmul.f32 v32, v34;
	_ =	sdelay $0x1  }
0x176: {  	[tilespmem:v33+s17+$0x0] =	vst.idx.msk $0xffff, v32  }
0x177: {  	v32 =	vld [tilespmem:s28+$0xFFFFFF70];
	_ =	sdelay $0x1  }
0x178: {  	v33 =	vor.u32 v7, v29  }
0x179: {  	v34 =	vbroadcast v31, $0x4;
	_ =	sdelay $0x1  }
0x17a: {  	v32 =	vmul.f32 v32, v34;
	_ =	sdelay $0x1  }
0x17b: {  	[tilespmem:v33+s17+$0x0] =	vst.idx.msk $0xffff, v32  }
0x17c: {  	v32 =	vld [tilespmem:s28+$0xFFFFFF80];
	_ =	sdelay $0x1  }
0x17d: {  	v33 =	vor.u32 v8, v29  }
0x17e: {  	v34 =	vbroadcast v31, $0x5;
	_ =	sdelay $0x1  }
0x17f: {  	v32 =	vmul.f32 v32, v34;
	_ =	sdelay $0x1  }
0x180: {  	[tilespmem:v33+s17+$0x0] =	vst.idx.msk $0xffff, v32  }
0x181: {  	v32 =	vld [tilespmem:s28+$0xFFFFFF90];
	_ =	sdelay $0x1  }
0x182: {  	v33 =	vor.u32 v9, v29  }
0x183: {  	v34 =	vbroadcast v31, $0x6;
	_ =	sdelay $0x1  }
0x184: {  	v32 =	vmul.f32 v32, v34;
	_ =	sdelay $0x1  }
0x185: {  	[tilespmem:v33+s17+$0x0] =	vst.idx.msk $0xffff, v32  }
0x186: {  	v32 =	vld [tilespmem:s28+$0xFFFFFFA0];
	_ =	sdelay $0x1  }
0x187: {  	v33 =	vor.u32 v10, v29  }
0x188: {  	v34 =	vbroadcast v31, $0x7;
	_ =	sdelay $0x1  }
0x189: {  	v32 =	vmul.f32 v32, v34;
	_ =	sdelay $0x1  }
0x18a: {  	[tilespmem:v33+s17+$0x0] =	vst.idx.msk $0xffff, v32  }
0x18b: {  	v32 =	vld [tilespmem:s28+$0xFFFFFFB0];
	_ =	sdelay $0x1  }
0x18c: {  	v33 =	vor.u32 v11, v29  }
0x18d: {  	v34 =	vbroadcast v31, $0x8;
	_ =	sdelay $0x1  }
0x18e: {  	v32 =	vmul.f32 v32, v34;
	_ =	sdelay $0x1  }
0x18f: {  	[tilespmem:v33+s17+$0x0] =	vst.idx.msk $0xffff, v32  }
0x190: {  	v32 =	vld [tilespmem:s28+$0xFFFFFFC0];
	_ =	sdelay $0x1  }
0x191: {  	v33 =	vor.u32 v12, v29  }
0x192: {  	v34 =	vbroadcast v31, $0x9;
	_ =	sdelay $0x1  }
0x193: {  	v32 =	vmul.f32 v32, v34;
	_ =	sdelay $0x1  }
0x194: {  	[tilespmem:v33+s17+$0x0] =	vst.idx.msk $0xffff, v32  }
0x195: {  	v32 =	vld [tilespmem:s28+$0xFFFFFFD0];
	_ =	sdelay $0x1  }
0x196: {  	v33 =	vor.u32 v13, v29  }
0x197: {  	v34 =	vbroadcast v31, $0xA;
	_ =	sdelay $0x1  }
0x198: {  	v32 =	vmul.f32 v32, v34;
	_ =	sdelay $0x1  }
0x199: {  	[tilespmem:v33+s17+$0x0] =	vst.idx.msk $0xffff, v32  }
0x19a: {  	v32 =	vld [tilespmem:s28+$0xFFFFFFE0];
	_ =	sdelay $0x1  }
0x19b: {  	v33 =	vor.u32 v14, v29  }
0x19c: {  	v34 =	vbroadcast v31, $0xB;
	_ =	sdelay $0x1  }
0x19d: {  	v32 =	vmul.f32 v32, v34;
	_ =	sdelay $0x1  }
0x19e: {  	[tilespmem:v33+s17+$0x0] =	vst.idx.msk $0xffff, v32  }
0x19f: {  	v32 =	vld [tilespmem:s28+$0xFFFFFFF0];
	_ =	sdelay $0x1  }
0x1a0: {  	v33 =	vor.u32 v15, v29  }
0x1a1: {  	v34 =	vbroadcast v31, $0xC;
	_ =	sdelay $0x1  }
0x1a2: {  	v32 =	vmul.f32 v32, v34;
	_ =	sdelay $0x1  }
0x1a3: {  	[tilespmem:v33+s17+$0x0] =	vst.idx.msk $0xffff, v32  }
0x1a4: {  	v32 =	vld [tilespmem:s28+$0x0];
	_ =	sdelay $0x1  }
0x1a5: {  	v33 =	vor.u32 v16, v29  }
0x1a6: {  	v34 =	vbroadcast v31, $0xD;
	_ =	sdelay $0x1  }
0x1a7: {  	v32 =	vmul.f32 v32, v34;
	_ =	sdelay $0x1  }
0x1a8: {  	[tilespmem:v33+s17+$0x0] =	vst.idx.msk $0xffff, v32  }
0x1a9: {  	v32 =	vld [tilespmem:s28+$0x10];
	_ =	sdelay $0x1  }
0x1aa: {  	v33 =	vor.u32 v17, v29  }
0x1ab: {  	v34 =	vbroadcast v31, $0xE;
	_ =	sdelay $0x1  }
0x1ac: {  	v32 =	vmul.f32 v32, v34;
	_ =	sdelay $0x1  }
0x1ad: {  	[tilespmem:v33+s17+$0x0] =	vst.idx.msk $0xffff, v32  }
0x1ae: {  	v32 =	vld [tilespmem:s28+$0x20];
	_ =	sdelay $0x1  }
0x1af: {  	v33 =	vor.u32 v18, v29  }
0x1b0: {  	v31 =	vbroadcast v31, $0xF;
	_ =	sdelay $0x1  }
0x1b1: {  	v31 =	vmul.f32 v32, v31;
	_ =	sdelay $0x1  }
0x1b2: {  	[tilespmem:v33+s17+$0x0] =	vst.idx.msk $0xffff, v31  }
0x1b3: {  	v31 =	vld [tilespmem:s28+$0x30];
	_ =	sdelay $0x1  }
0x1b4: {  	v32 =	vor.u32 v19, v29  }
0x1b5: {  	v33 =	vbroadcast v30, $0x6;
	_ =	sdelay $0x1  }
0x1b6: {  	v31 =	vmul.f32 v31, v33;
	_ =	sdelay $0x1  }
0x1b7: {  	[tilespmem:v32+s17+$0x0] =	vst.idx.msk $0xffff, v31  }
0x1b8: {  	v31 =	vld [tilespmem:s28+$0x40];
	_ =	sdelay $0x1  }
0x1b9: {  	v32 =	vor.u32 v20, v29  }
0x1ba: {  	v33 =	vbroadcast v30, $0x7;
	_ =	sdelay $0x1  }
0x1bb: {  	v31 =	vmul.f32 v31, v33;
	_ =	sdelay $0x1  }
0x1bc: {  	[tilespmem:v32+s17+$0x0] =	vst.idx.msk $0xffff, v31  }
0x1bd: {  	v31 =	vld [tilespmem:s28+$0x50];
	_ =	sdelay $0x1  }
0x1be: {  	v32 =	vor.u32 v21, v29  }
0x1bf: {  	v33 =	vbroadcast v30, $0x8;
	_ =	sdelay $0x1  }
0x1c0: {  	v31 =	vmul.f32 v31, v33;
	_ =	sdelay $0x1  }
0x1c1: {  	[tilespmem:v32+s17+$0x0] =	vst.idx.msk $0xffff, v31  }
0x1c2: {  	v31 =	vld [tilespmem:s28+$0x60];
	_ =	sdelay $0x1  }
0x1c3: {  	v32 =	vor.u32 v22, v29  }
0x1c4: {  	v33 =	vbroadcast v30, $0x9;
	_ =	sdelay $0x1  }
0x1c5: {  	v31 =	vmul.f32 v31, v33;
	_ =	sdelay $0x1  }
0x1c6: {  	[tilespmem:v32+s17+$0x0] =	vst.idx.msk $0xffff, v31  }
0x1c7: {  	v31 =	vld [tilespmem:s28+$0x70];
	_ =	sdelay $0x1  }
0x1c8: {  	v32 =	vor.u32 v23, v29  }
0x1c9: {  	v33 =	vbroadcast v30, $0xA;
	_ =	sdelay $0x1  }
0x1ca: {  	v31 =	vmul.f32 v31, v33;
	_ =	sdelay $0x1  }
0x1cb: {  	[tilespmem:v32+s17+$0x0] =	vst.idx.msk $0xffff, v31  }
0x1cc: {  	v31 =	vld [tilespmem:s28+$0x80];
	_ =	sdelay $0x1  }
0x1cd: {  	v32 =	vor.u32 v24, v29  }
0x1ce: {  	v33 =	vbroadcast v30, $0xB;
	_ =	sdelay $0x1  }
0x1cf: {  	v31 =	vmul.f32 v31, v33;
	_ =	sdelay $0x1  }
0x1d0: {  	[tilespmem:v32+s17+$0x0] =	vst.idx.msk $0xffff, v31  }
0x1d1: {  	v31 =	vld [tilespmem:s28+$0x90];
	_ =	sdelay $0x1  }
0x1d2: {  	v32 =	vor.u32 v25, v29  }
0x1d3: {  	v33 =	vbroadcast v30, $0xC;
	_ =	sdelay $0x1  }
0x1d4: {  	v31 =	vmul.f32 v31, v33;
	_ =	sdelay $0x1  }
0x1d5: {  	[tilespmem:v32+s17+$0x0] =	vst.idx.msk $0xffff, v31  }
0x1d6: {  	v31 =	vld [tilespmem:s28+$0xA0];
	_ =	sdelay $0x1  }
0x1d7: {  	v32 =	vor.u32 v26, v29  }
0x1d8: {  	v33 =	vbroadcast v30, $0xD;
	_ =	sdelay $0x1  }
0x1d9: {  	v31 =	vmul.f32 v31, v33;
	_ =	sdelay $0x1  }
0x1da: {  	[tilespmem:v32+s17+$0x0] =	vst.idx.msk $0xffff, v31  }
0x1db: {  	v31 =	vld [tilespmem:s28+$0xB0];
	_ =	sdelay $0x1  }
0x1dc: {  	v32 =	vor.u32 v27, v29  }
0x1dd: {  	v33 =	vbroadcast v30, $0xE;
	_ =	sdelay $0x1  }
0x1de: {  	v31 =	vmul.f32 v31, v33  }
0x1df: {  	s31 =	sadd.s32 s26, s29  }
0x1e0: {  	v33 =	vmov s31;
	[tilespmem:v32+s17+$0x0] =	vst.idx.msk $0xffff, v31  }
0x1e1: {  	v31 =	vand.u32 $0x1FF, v33;
	v33 =	vld [tilespmem:s28+$0xC0]  }
.Ltmp7:
0x1e2: {  	v32 =	vbroadcast v31, $0x0;
	(pc) =	sbr.rel @p0 .LBB2_8-.Ltmp7, $3  }
0x1e3: {  	v31 =	vor.u32 v28, v29  }
0x1e4: {  	v30 =	vbroadcast v30, $0xF;
	v29 =	vor.u32 v1, v32;
	v32 =	vor.u32 v3, v32;
	_ =	sdelay $0x1  }
0x1e5: {  	v30 =	vmul.f32 v33, v30  }
0x1e6: {  	_ =	sdelay $0x3  }
0x1e7: {  	[tilespmem:v31+s17+$0x0] =	vst.idx.msk $0xffff, v30  }
0x1e8: {  	v30 =	vmov s29;
	v29 =	vld.idx.msk [tilespmem:v29+s12+$0x0], $0xffff  }
0x1e9: {  	s28 =	sadd.s32 $0x1A0, s28;
	v30 =	vand.u32 $0x1F, v30  }
0x1ea: {  	v31 =	vld [tilespmem:s28+$0xFFFFFF30];
	v30 =	vbroadcast v30, $0x0;
	_ =	sdelay $0x1  }
0x1eb: {  	v33 =	vor.u32 v2, v30  }
0x1ec: {  	v34 =	vbroadcast v29, $0x0;
	_ =	sdelay $0x1  }
0x1ed: {  	v31 =	vmul.f32 v31, v34;
	_ =	sdelay $0x1  }
0x1ee: {  	v32 =	vld.idx.msk [tilespmem:v32+s12+$0x0], $0xffff;
	[tilespmem:v33+s17+$0x0] =	vst.idx.msk $0xffff, v31  }
0x1ef: {  	v31 =	vld [tilespmem:s28+$0xFFFFFF40];
	_ =	sdelay $0x1  }
0x1f0: {  	v54 =	vor.u32 v4, v30  }
0x1f1: {  	v55 =	vbroadcast v29, $0x1;
	_ =	sdelay $0x1  }
0x1f2: {  	v31 =	vmul.f32 v31, v55;
	_ =	sdelay $0x1  }
0x1f3: {  	[tilespmem:v54+s17+$0x0] =	vst.idx.msk $0xffff, v31  }
0x1f4: {  	v31 =	vld [tilespmem:s28+$0xFFFFFF50];
	_ =	sdelay $0x1  }
0x1f5: {  	v56 =	vor.u32 v5, v30  }
0x1f6: {  	v57 =	vbroadcast v29, $0x2;
	_ =	sdelay $0x1  }
0x1f7: {  	v31 =	vmul.f32 v31, v57;
	_ =	sdelay $0x1  }
0x1f8: {  	[tilespmem:v56+s17+$0x0] =	vst.idx.msk $0xffff, v31  }
0x1f9: {  	v31 =	vld [tilespmem:s28+$0xFFFFFF60];
	_ =	sdelay $0x1  }
0x1fa: {  	v58 =	vor.u32 v6, v30  }
0x1fb: {  	v59 =	vbroadcast v29, $0x3;
	_ =	sdelay $0x1  }
0x1fc: {  	v31 =	vmul.f32 v31, v59;
	_ =	sdelay $0x1  }
0x1fd: {  	[tilespmem:v58+s17+$0x0] =	vst.idx.msk $0xffff, v31  }
0x1fe: {  	v31 =	vld [tilespmem:s28+$0xFFFFFF70];
	_ =	sdelay $0x1  }
0x1ff: {  	v60 =	vor.u32 v7, v30  }
0x200: {  	v61 =	vbroadcast v29, $0x4;
	_ =	sdelay $0x1  }
0x201: {  	v31 =	vmul.f32 v31, v61;
	_ =	sdelay $0x1  }
0x202: {  	[tilespmem:v60+s17+$0x0] =	vst.idx.msk $0xffff, v31  }
0x203: {  	v31 =	vld [tilespmem:s28+$0xFFFFFF80];
	_ =	sdelay $0x1  }
0x204: {  	v62 =	vor.u32 v8, v30  }
0x205: {  	v63 =	vbroadcast v29, $0x5;
	_ =	sdelay $0x1  }
0x206: {  	v31 =	vmul.f32 v31, v63;
	_ =	sdelay $0x1  }
0x207: {  	[tilespmem:v62+s17+$0x0] =	vst.idx.msk $0xffff, v31  }
0x208: {  	v31 =	vld [tilespmem:s28+$0xFFFFFF90];
	_ =	sdelay $0x1  }
0x209: {  	v36 =	vor.u32 v9, v30  }
0x20a: {  	v37 =	vbroadcast v29, $0x6;
	_ =	sdelay $0x1  }
0x20b: {  	v31 =	vmul.f32 v31, v37;
	_ =	sdelay $0x1  }
0x20c: {  	[tilespmem:v36+s17+$0x0] =	vst.idx.msk $0xffff, v31  }
0x20d: {  	v31 =	vld [tilespmem:s28+$0xFFFFFFA0];
	_ =	sdelay $0x1  }
0x20e: {  	v38 =	vor.u32 v10, v30  }
0x20f: {  	v39 =	vbroadcast v29, $0x7;
	_ =	sdelay $0x1  }
0x210: {  	v31 =	vmul.f32 v31, v39;
	_ =	sdelay $0x1  }
0x211: {  	[tilespmem:v38+s17+$0x0] =	vst.idx.msk $0xffff, v31  }
0x212: {  	v31 =	vld [tilespmem:s28+$0xFFFFFFB0];
	_ =	sdelay $0x1  }
0x213: {  	v40 =	vor.u32 v11, v30  }
0x214: {  	v41 =	vbroadcast v29, $0x8;
	_ =	sdelay $0x1  }
0x215: {  	v31 =	vmul.f32 v31, v41;
	_ =	sdelay $0x1  }
0x216: {  	[tilespmem:v40+s17+$0x0] =	vst.idx.msk $0xffff, v31  }
0x217: {  	v31 =	vld [tilespmem:s28+$0xFFFFFFC0];
	_ =	sdelay $0x1  }
0x218: {  	v42 =	vor.u32 v12, v30  }
0x219: {  	v43 =	vbroadcast v29, $0x9;
	_ =	sdelay $0x1  }
0x21a: {  	v31 =	vmul.f32 v31, v43;
	_ =	sdelay $0x1  }
0x21b: {  	[tilespmem:v42+s17+$0x0] =	vst.idx.msk $0xffff, v31  }
0x21c: {  	v31 =	vld [tilespmem:s28+$0xFFFFFFD0];
	_ =	sdelay $0x1  }
0x21d: {  	v44 =	vor.u32 v13, v30  }
0x21e: {  	v45 =	vbroadcast v29, $0xA;
	_ =	sdelay $0x1  }
0x21f: {  	v31 =	vmul.f32 v31, v45;
	_ =	sdelay $0x1  }
0x220: {  	[tilespmem:v44+s17+$0x0] =	vst.idx.msk $0xffff, v31  }
0x221: {  	v31 =	vld [tilespmem:s28+$0xFFFFFFE0];
	_ =	sdelay $0x1  }
0x222: {  	v46 =	vor.u32 v14, v30  }
0x223: {  	v47 =	vbroadcast v29, $0xB;
	_ =	sdelay $0x1  }
0x224: {  	v31 =	vmul.f32 v31, v47;
	_ =	sdelay $0x1  }
0x225: {  	[tilespmem:v46+s17+$0x0] =	vst.idx.msk $0xffff, v31  }
0x226: {  	v31 =	vld [tilespmem:s28+$0xFFFFFFF0];
	_ =	sdelay $0x1  }
0x227: {  	v48 =	vor.u32 v15, v30  }
0x228: {  	v49 =	vbroadcast v29, $0xC;
	_ =	sdelay $0x1  }
0x229: {  	v31 =	vmul.f32 v31, v49;
	_ =	sdelay $0x1  }
0x22a: {  	[tilespmem:v48+s17+$0x0] =	vst.idx.msk $0xffff, v31  }
0x22b: {  	v31 =	vld [tilespmem:s28+$0x0];
	_ =	sdelay $0x1  }
0x22c: {  	v50 =	vor.u32 v16, v30  }
0x22d: {  	v51 =	vbroadcast v29, $0xD;
	_ =	sdelay $0x1  }
0x22e: {  	v31 =	vmul.f32 v31, v51;
	_ =	sdelay $0x1  }
0x22f: {  	[tilespmem:v50+s17+$0x0] =	vst.idx.msk $0xffff, v31  }
0x230: {  	v31 =	vld [tilespmem:s28+$0x10];
	_ =	sdelay $0x1  }
0x231: {  	v52 =	vor.u32 v17, v30  }
0x232: {  	v53 =	vbroadcast v29, $0xE;
	_ =	sdelay $0x1  }
0x233: {  	v31 =	vmul.f32 v31, v53;
	_ =	sdelay $0x1  }
0x234: {  	[tilespmem:v52+s17+$0x0] =	vst.idx.msk $0xffff, v31  }
0x235: {  	v31 =	vld [tilespmem:s28+$0x20];
	_ =	sdelay $0x1  }
0x236: {  	v54 =	vor.u32 v18, v30  }
0x237: {  	v29 =	vbroadcast v29, $0xF;
	_ =	sdelay $0x1  }
0x238: {  	v29 =	vmul.f32 v31, v29;
	_ =	sdelay $0x1  }
0x239: {  	[tilespmem:v54+s17+$0x0] =	vst.idx.msk $0xffff, v29  }
0x23a: {  	v29 =	vld [tilespmem:s28+$0x30];
	_ =	sdelay $0x1  }
0x23b: {  	v31 =	vor.u32 v19, v30  }
0x23c: {  	v55 =	vbroadcast v32, $0x6;
	_ =	sdelay $0x1  }
0x23d: {  	v29 =	vmul.f32 v29, v55;
	_ =	sdelay $0x1  }
0x23e: {  	[tilespmem:v31+s17+$0x0] =	vst.idx.msk $0xffff, v29  }
0x23f: {  	v29 =	vld [tilespmem:s28+$0x40];
	_ =	sdelay $0x1  }
0x240: {  	v31 =	vor.u32 v20, v30  }
0x241: {  	v56 =	vbroadcast v32, $0x7;
	_ =	sdelay $0x1  }
0x242: {  	v29 =	vmul.f32 v29, v56;
	_ =	sdelay $0x1  }
0x243: {  	[tilespmem:v31+s17+$0x0] =	vst.idx.msk $0xffff, v29  }
0x244: {  	v29 =	vld [tilespmem:s28+$0x50];
	_ =	sdelay $0x1  }
0x245: {  	v31 =	vor.u32 v21, v30  }
0x246: {  	v57 =	vbroadcast v32, $0x8;
	_ =	sdelay $0x1  }
0x247: {  	v29 =	vmul.f32 v29, v57;
	_ =	sdelay $0x1  }
0x248: {  	[tilespmem:v31+s17+$0x0] =	vst.idx.msk $0xffff, v29  }
0x249: {  	v29 =	vld [tilespmem:s28+$0x60];
	_ =	sdelay $0x1  }
0x24a: {  	v31 =	vor.u32 v22, v30  }
0x24b: {  	v58 =	vbroadcast v32, $0x9;
	_ =	sdelay $0x1  }
0x24c: {  	v29 =	vmul.f32 v29, v58;
	_ =	sdelay $0x1  }
0x24d: {  	[tilespmem:v31+s17+$0x0] =	vst.idx.msk $0xffff, v29  }
0x24e: {  	v29 =	vld [tilespmem:s28+$0x70];
	_ =	sdelay $0x1  }
0x24f: {  	v31 =	vor.u32 v23, v30  }
0x250: {  	v59 =	vbroadcast v32, $0xA;
	_ =	sdelay $0x1  }
0x251: {  	v29 =	vmul.f32 v29, v59;
	_ =	sdelay $0x1  }
0x252: {  	[tilespmem:v31+s17+$0x0] =	vst.idx.msk $0xffff, v29  }
0x253: {  	v29 =	vld [tilespmem:s28+$0x80];
	_ =	sdelay $0x1  }
0x254: {  	v31 =	vor.u32 v24, v30  }
0x255: {  	v60 =	vbroadcast v32, $0xB;
	_ =	sdelay $0x1  }
0x256: {  	v29 =	vmul.f32 v29, v60;
	_ =	sdelay $0x1  }
0x257: {  	[tilespmem:v31+s17+$0x0] =	vst.idx.msk $0xffff, v29  }
0x258: {  	v29 =	vld [tilespmem:s28+$0x90];
	_ =	sdelay $0x1  }
0x259: {  	v31 =	vor.u32 v25, v30  }
0x25a: {  	v61 =	vbroadcast v32, $0xC;
	_ =	sdelay $0x1  }
0x25b: {  	v29 =	vmul.f32 v29, v61;
	_ =	sdelay $0x1  }
0x25c: {  	[tilespmem:v31+s17+$0x0] =	vst.idx.msk $0xffff, v29  }
0x25d: {  	v29 =	vld [tilespmem:s28+$0xA0];
	_ =	sdelay $0x1  }
0x25e: {  	v31 =	vor.u32 v26, v30  }
0x25f: {  	v62 =	vbroadcast v32, $0xD;
	_ =	sdelay $0x1  }
0x260: {  	v29 =	vmul.f32 v29, v62;
	_ =	sdelay $0x1  }
0x261: {  	[tilespmem:v31+s17+$0x0] =	vst.idx.msk $0xffff, v29  }
0x262: {  	v29 =	vld [tilespmem:s28+$0xB0];
	_ =	sdelay $0x1  }
0x263: {  	v31 =	vor.u32 v27, v30  }
0x264: {  	v63 =	vbroadcast v32, $0xE;
	_ =	sdelay $0x1  }
0x265: {  	v29 =	vmul.f32 v29, v63;
	_ =	sdelay $0x1  }
0x266: {  	[tilespmem:v31+s17+$0x0] =	vst.idx.msk $0xffff, v29  }
0x267: {  	v29 =	vld [tilespmem:s28+$0xC0];
	_ =	sdelay $0x1  }
0x268: {  	v30 =	vor.u32 v28, v30  }
0x269: {  	v31 =	vbroadcast v32, $0xF  }
.Ltmp8:
0x26a: {  	_ = 	snop;
	(pc) =	sbr.rel .LBB2_13-.Ltmp8, $4  }
0x26b: {  	s26 =	sadd.s32 s3, s26;
	v29 =	vmul.f32 v29, v31  }
0x26c: {  	s26 =	sshrl.u32 s26, $0x3  }
0x26d: {  	s26 =	sadd.s32 s5, s26;
	[tilespmem:v30+s17+$0x0] =	vst.idx.msk $0xffff, v29  }
0x26e: {  	[hbm4b:s26+s18] =	stream.strided.scatter [tilespmem:s17], [sflag:$0x4], $0x3400, s10, s18, $0x38;
	[tilespmem:$0x16C00] =	vst v63  }
.LBB2_10:
0x26f: {  	s26 =	sshll.u32 s28, $0x5  }
0x270: {  	s30 =	sadd.s32 $0x0, s26  }
0x271: {  	v29 =	vmov s30  }
0x272: {  	v29 =	vand.u32 $0x1DF, v29  }
0x273: {  	[tilespmem:s21], [sflag:$0x2] =	stream.indirect.gather [hbm4b:s4+s14], $0x10, s29, s14, $0xb8;
	v30 =	vbroadcast v29, $0x0;
	[tilespmem:$0x16C00] =	vst v63  }
0x274: {  	_ =	swait.ge [sflag:s22], $0x3400  }
0x275: {  	p0 =	slt.u32 s28, $0x2;
	[sflag:s22] =	ssyncset.done $0x0;
	v29 =	vor.u32 v1, v30  }
0x276: {  	s28 =	simm.s32 @!p0 $0x3;
	[sflag:s22] =	ssyncadd.s32 $0xFFFFCC00  }
0x277: {  	_ =	swait.ge @!p0 [sflag:s28], $0x3400  }
0x278: {  	[sflag:s28] =	ssyncset.done @!p0 $0x0  }
0x279: {  	[sflag:s28] =	ssyncadd.s32 @!p0 $0xFFFFCC00;
	s28 =	simm.s32 $0x0  }
0x27a: {  	v31 =	vld.idx.msk [tilespmem:v29+s12+$0x0], $0xffff;
	v29 =	vmov s28  }
0x27b: {  	s28 =	simm.s32 $0x9CD0;
	v29 =	vand.u32 $0x1F, v29  }
0x27c: {  	v32 =	vld [tilespmem:s28+$0xFFFFFF30];
	v29 =	vbroadcast v29, $0x0;
	_ =	sdelay $0x1  }
0x27d: {  	v30 =	vor.u32 v3, v30;
	v33 =	vor.u32 v2, v29  }
0x27e: {  	v34 =	vbroadcast v31, $0x0;
	_ =	sdelay $0x1  }
0x27f: {  	v32 =	vmul.f32 v32, v34;
	_ =	sdelay $0x1  }
0x280: {  	v30 =	vld.idx.msk [tilespmem:v30+s12+$0x0], $0xffff;
	[tilespmem:v33+s23+$0x0] =	vst.idx.msk $0xffff, v32  }
0x281: {  	v32 =	vld [tilespmem:s28+$0xFFFFFF40];
	_ =	sdelay $0x1  }
0x282: {  	v43 =	vor.u32 v4, v29  }
0x283: {  	v44 =	vbroadcast v31, $0x1;
	_ =	sdelay $0x1  }
0x284: {  	v32 =	vmul.f32 v32, v44;
	_ =	sdelay $0x1  }
0x285: {  	[tilespmem:v43+s23+$0x0] =	vst.idx.msk $0xffff, v32  }
0x286: {  	v32 =	vld [tilespmem:s28+$0xFFFFFF50];
	_ =	sdelay $0x1  }
0x287: {  	v45 =	vor.u32 v5, v29  }
0x288: {  	v46 =	vbroadcast v31, $0x2;
	_ =	sdelay $0x1  }
0x289: {  	v32 =	vmul.f32 v32, v46;
	_ =	sdelay $0x1  }
0x28a: {  	[tilespmem:v45+s23+$0x0] =	vst.idx.msk $0xffff, v32  }
0x28b: {  	v32 =	vld [tilespmem:s28+$0xFFFFFF60];
	_ =	sdelay $0x1  }
0x28c: {  	v47 =	vor.u32 v6, v29  }
0x28d: {  	v48 =	vbroadcast v31, $0x3;
	_ =	sdelay $0x1  }
0x28e: {  	v32 =	vmul.f32 v32, v48;
	_ =	sdelay $0x1  }
0x28f: {  	[tilespmem:v47+s23+$0x0] =	vst.idx.msk $0xffff, v32  }
0x290: {  	v32 =	vld [tilespmem:s28+$0xFFFFFF70];
	_ =	sdelay $0x1  }
0x291: {  	v49 =	vor.u32 v7, v29  }
0x292: {  	v50 =	vbroadcast v31, $0x4;
	_ =	sdelay $0x1  }
0x293: {  	v32 =	vmul.f32 v32, v50;
	_ =	sdelay $0x1  }
0x294: {  	[tilespmem:v49+s23+$0x0] =	vst.idx.msk $0xffff, v32  }
0x295: {  	v32 =	vld [tilespmem:s28+$0xFFFFFF80];
	_ =	sdelay $0x1  }
0x296: {  	v51 =	vor.u32 v8, v29  }
0x297: {  	v52 =	vbroadcast v31, $0x5;
	_ =	sdelay $0x1  }
0x298: {  	v32 =	vmul.f32 v32, v52;
	_ =	sdelay $0x1  }
0x299: {  	[tilespmem:v51+s23+$0x0] =	vst.idx.msk $0xffff, v32  }
0x29a: {  	v32 =	vld [tilespmem:s28+$0xFFFFFF90];
	_ =	sdelay $0x1  }
0x29b: {  	v53 =	vor.u32 v9, v29  }
0x29c: {  	v54 =	vbroadcast v31, $0x6;
	_ =	sdelay $0x1  }
0x29d: {  	v32 =	vmul.f32 v32, v54;
	_ =	sdelay $0x1  }
0x29e: {  	[tilespmem:v53+s23+$0x0] =	vst.idx.msk $0xffff, v32  }
0x29f: {  	v32 =	vld [tilespmem:s28+$0xFFFFFFA0];
	_ =	sdelay $0x1  }
0x2a0: {  	v55 =	vor.u32 v10, v29  }
0x2a1: {  	v56 =	vbroadcast v31, $0x7;
	_ =	sdelay $0x1  }
0x2a2: {  	v32 =	vmul.f32 v32, v56;
	_ =	sdelay $0x1  }
0x2a3: {  	[tilespmem:v55+s23+$0x0] =	vst.idx.msk $0xffff, v32  }
0x2a4: {  	v32 =	vld [tilespmem:s28+$0xFFFFFFB0];
	_ =	sdelay $0x1  }
0x2a5: {  	v57 =	vor.u32 v11, v29  }
0x2a6: {  	v58 =	vbroadcast v31, $0x8;
	_ =	sdelay $0x1  }
0x2a7: {  	v32 =	vmul.f32 v32, v58;
	_ =	sdelay $0x1  }
0x2a8: {  	[tilespmem:v57+s23+$0x0] =	vst.idx.msk $0xffff, v32  }
0x2a9: {  	v32 =	vld [tilespmem:s28+$0xFFFFFFC0];
	_ =	sdelay $0x1  }
0x2aa: {  	v59 =	vor.u32 v12, v29  }
0x2ab: {  	v60 =	vbroadcast v31, $0x9;
	_ =	sdelay $0x1  }
0x2ac: {  	v32 =	vmul.f32 v32, v60;
	_ =	sdelay $0x1  }
0x2ad: {  	[tilespmem:v59+s23+$0x0] =	vst.idx.msk $0xffff, v32  }
0x2ae: {  	v32 =	vld [tilespmem:s28+$0xFFFFFFD0];
	_ =	sdelay $0x1  }
0x2af: {  	v61 =	vor.u32 v13, v29  }
0x2b0: {  	v62 =	vbroadcast v31, $0xA;
	_ =	sdelay $0x1  }
0x2b1: {  	v32 =	vmul.f32 v32, v62;
	_ =	sdelay $0x1  }
0x2b2: {  	[tilespmem:v61+s23+$0x0] =	vst.idx.msk $0xffff, v32  }
0x2b3: {  	v32 =	vld [tilespmem:s28+$0xFFFFFFE0];
	_ =	sdelay $0x1  }
0x2b4: {  	v63 =	vor.u32 v14, v29  }
0x2b5: {  	v36 =	vbroadcast v31, $0xB;
	_ =	sdelay $0x1  }
0x2b6: {  	v32 =	vmul.f32 v32, v36;
	_ =	sdelay $0x1  }
0x2b7: {  	[tilespmem:v63+s23+$0x0] =	vst.idx.msk $0xffff, v32  }
0x2b8: {  	v32 =	vld [tilespmem:s28+$0xFFFFFFF0];
	_ =	sdelay $0x1  }
0x2b9: {  	v37 =	vor.u32 v15, v29  }
0x2ba: {  	v38 =	vbroadcast v31, $0xC;
	_ =	sdelay $0x1  }
0x2bb: {  	v32 =	vmul.f32 v32, v38;
	_ =	sdelay $0x1  }
0x2bc: {  	[tilespmem:v37+s23+$0x0] =	vst.idx.msk $0xffff, v32  }
0x2bd: {  	v32 =	vld [tilespmem:s28+$0x0];
	_ =	sdelay $0x1  }
0x2be: {  	v39 =	vor.u32 v16, v29  }
0x2bf: {  	v40 =	vbroadcast v31, $0xD;
	_ =	sdelay $0x1  }
0x2c0: {  	v32 =	vmul.f32 v32, v40;
	_ =	sdelay $0x1  }
0x2c1: {  	[tilespmem:v39+s23+$0x0] =	vst.idx.msk $0xffff, v32  }
0x2c2: {  	v32 =	vld [tilespmem:s28+$0x10];
	_ =	sdelay $0x1  }
0x2c3: {  	v41 =	vor.u32 v17, v29  }
0x2c4: {  	v42 =	vbroadcast v31, $0xE;
	_ =	sdelay $0x1  }
0x2c5: {  	v32 =	vmul.f32 v32, v42;
	_ =	sdelay $0x1  }
0x2c6: {  	[tilespmem:v41+s23+$0x0] =	vst.idx.msk $0xffff, v32  }
0x2c7: {  	v32 =	vld [tilespmem:s28+$0x20];
	_ =	sdelay $0x1  }
0x2c8: {  	v43 =	vor.u32 v18, v29  }
0x2c9: {  	v31 =	vbroadcast v31, $0xF;
	_ =	sdelay $0x1  }
0x2ca: {  	v31 =	vmul.f32 v32, v31;
	_ =	sdelay $0x1  }
0x2cb: {  	[tilespmem:v43+s23+$0x0] =	vst.idx.msk $0xffff, v31  }
0x2cc: {  	v31 =	vld [tilespmem:s28+$0x30];
	_ =	sdelay $0x1  }
0x2cd: {  	v44 =	vor.u32 v19, v29  }
0x2ce: {  	v45 =	vbroadcast v30, $0x6;
	_ =	sdelay $0x1  }
0x2cf: {  	v31 =	vmul.f32 v31, v45;
	_ =	sdelay $0x1  }
0x2d0: {  	[tilespmem:v44+s23+$0x0] =	vst.idx.msk $0xffff, v31  }
0x2d1: {  	v31 =	vld [tilespmem:s28+$0x40];
	_ =	sdelay $0x1  }
0x2d2: {  	v46 =	vor.u32 v20, v29  }
0x2d3: {  	v47 =	vbroadcast v30, $0x7;
	_ =	sdelay $0x1  }
0x2d4: {  	v31 =	vmul.f32 v31, v47;
	_ =	sdelay $0x1  }
0x2d5: {  	[tilespmem:v46+s23+$0x0] =	vst.idx.msk $0xffff, v31  }
0x2d6: {  	v31 =	vld [tilespmem:s28+$0x50];
	_ =	sdelay $0x1  }
0x2d7: {  	v48 =	vor.u32 v21, v29  }
0x2d8: {  	v49 =	vbroadcast v30, $0x8;
	_ =	sdelay $0x1  }
0x2d9: {  	v31 =	vmul.f32 v31, v49;
	_ =	sdelay $0x1  }
0x2da: {  	[tilespmem:v48+s23+$0x0] =	vst.idx.msk $0xffff, v31  }
0x2db: {  	v31 =	vld [tilespmem:s28+$0x60];
	_ =	sdelay $0x1  }
0x2dc: {  	v50 =	vor.u32 v22, v29  }
0x2dd: {  	v51 =	vbroadcast v30, $0x9;
	_ =	sdelay $0x1  }
0x2de: {  	v31 =	vmul.f32 v31, v51;
	_ =	sdelay $0x1  }
0x2df: {  	[tilespmem:v50+s23+$0x0] =	vst.idx.msk $0xffff, v31  }
0x2e0: {  	v31 =	vld [tilespmem:s28+$0x70];
	_ =	sdelay $0x1  }
0x2e1: {  	v52 =	vor.u32 v23, v29  }
0x2e2: {  	v53 =	vbroadcast v30, $0xA;
	_ =	sdelay $0x1  }
0x2e3: {  	v31 =	vmul.f32 v31, v53;
	_ =	sdelay $0x1  }
0x2e4: {  	[tilespmem:v52+s23+$0x0] =	vst.idx.msk $0xffff, v31  }
0x2e5: {  	v31 =	vld [tilespmem:s28+$0x80];
	_ =	sdelay $0x1  }
0x2e6: {  	v54 =	vor.u32 v24, v29  }
0x2e7: {  	v55 =	vbroadcast v30, $0xB;
	_ =	sdelay $0x1  }
0x2e8: {  	v31 =	vmul.f32 v31, v55;
	_ =	sdelay $0x1  }
0x2e9: {  	[tilespmem:v54+s23+$0x0] =	vst.idx.msk $0xffff, v31  }
0x2ea: {  	v31 =	vld [tilespmem:s28+$0x90];
	_ =	sdelay $0x1  }
0x2eb: {  	v56 =	vor.u32 v25, v29  }
0x2ec: {  	v57 =	vbroadcast v30, $0xC;
	_ =	sdelay $0x1  }
0x2ed: {  	v31 =	vmul.f32 v31, v57;
	_ =	sdelay $0x1  }
0x2ee: {  	[tilespmem:v56+s23+$0x0] =	vst.idx.msk $0xffff, v31  }
0x2ef: {  	v31 =	vld [tilespmem:s28+$0xA0];
	_ =	sdelay $0x1  }
0x2f0: {  	v58 =	vor.u32 v26, v29  }
0x2f1: {  	v59 =	vbroadcast v30, $0xD;
	_ =	sdelay $0x1  }
0x2f2: {  	v31 =	vmul.f32 v31, v59;
	_ =	sdelay $0x1  }
0x2f3: {  	[tilespmem:v58+s23+$0x0] =	vst.idx.msk $0xffff, v31  }
0x2f4: {  	v31 =	vld [tilespmem:s28+$0xB0];
	_ =	sdelay $0x1  }
0x2f5: {  	v60 =	vor.u32 v27, v29  }
0x2f6: {  	v61 =	vbroadcast v30, $0xE;
	_ =	sdelay $0x1  }
0x2f7: {  	v31 =	vmul.f32 v31, v61  }
0x2f8: {  	s29 =	sadd.s32 $0x1, s26  }
0x2f9: {  	[tilespmem:v60+s23+$0x0] =	vst.idx.msk $0xffff, v31;
	v31 =	vmov s29  }
0x2fa: {  	v62 =	vld [tilespmem:s28+$0xC0];
	v31 =	vand.u32 $0x1DF, v31  }
0x2fb: {  	v63 =	vbroadcast v31, $0x0  }
0x2fc: {  	v31 =	vor.u32 v28, v29  }
0x2fd: {  	v30 =	vbroadcast v30, $0xF;
	v29 =	vor.u32 v1, v63;
	_ =	sdelay $0x1  }
0x2fe: {  	s30 =	simm.s32 $0x2;
	s29 =	simm.s32 $0x1;
	v32 =	vor.u32 v3, v63;
	v30 =	vmul.f32 v62, v30  }
.LBB2_11:
0x2ff: {  	p0 =	sne.s32 s30, $0x1F  }
0x300: {  	[tilespmem:v31+s23+$0x0] =	vst.idx.msk $0xffff, v30;
	s28 =	sadd.s32 $0x1A0, s28;
	s31 =	smov.u32 s30;
	s30 =	sadd.s32 $0x1, s30  }
0x301: {  	v31 =	vld.idx.msk [tilespmem:v29+s12+$0x0], $0xffff  }
0x302: {  	v29 =	vmov s29;
	s29 =	smov.u32 s31  }
0x303: {  	v29 =	vand.u32 $0x1F, v29  }
0x304: {  	v29 =	vbroadcast v29, $0x0;
	v30 =	vld [tilespmem:s28+$0xFFFFFF30];
	_ =	sdelay $0x1  }
0x305: {  	v33 =	vor.u32 v2, v29  }
0x306: {  	v34 =	vbroadcast v31, $0x0;
	_ =	sdelay $0x1  }
0x307: {  	v34 =	vmul.f32 v30, v34  }
0x308: {  	v30 =	vld.idx.msk [tilespmem:v32+s12+$0x0], $0xffff  }
0x309: {  	[tilespmem:v33+s23+$0x0] =	vst.idx.msk $0xffff, v34  }
0x30a: {  	v32 =	vld [tilespmem:s28+$0xFFFFFF40];
	_ =	sdelay $0x1  }
0x30b: {  	v33 =	vor.u32 v4, v29  }
0x30c: {  	v34 =	vbroadcast v31, $0x1;
	_ =	sdelay $0x1  }
0x30d: {  	v32 =	vmul.f32 v32, v34;
	_ =	sdelay $0x1  }
0x30e: {  	[tilespmem:v33+s23+$0x0] =	vst.idx.msk $0xffff, v32  }
0x30f: {  	v32 =	vld [tilespmem:s28+$0xFFFFFF50];
	_ =	sdelay $0x1  }
0x310: {  	v33 =	vor.u32 v5, v29  }
0x311: {  	v34 =	vbroadcast v31, $0x2;
	_ =	sdelay $0x1  }
0x312: {  	v32 =	vmul.f32 v32, v34;
	_ =	sdelay $0x1  }
0x313: {  	[tilespmem:v33+s23+$0x0] =	vst.idx.msk $0xffff, v32  }
0x314: {  	v32 =	vld [tilespmem:s28+$0xFFFFFF60];
	_ =	sdelay $0x1  }
0x315: {  	v33 =	vor.u32 v6, v29  }
0x316: {  	v34 =	vbroadcast v31, $0x3;
	_ =	sdelay $0x1  }
0x317: {  	v32 =	vmul.f32 v32, v34;
	_ =	sdelay $0x1  }
0x318: {  	[tilespmem:v33+s23+$0x0] =	vst.idx.msk $0xffff, v32  }
0x319: {  	v32 =	vld [tilespmem:s28+$0xFFFFFF70];
	_ =	sdelay $0x1  }
0x31a: {  	v33 =	vor.u32 v7, v29  }
0x31b: {  	v34 =	vbroadcast v31, $0x4;
	_ =	sdelay $0x1  }
0x31c: {  	v32 =	vmul.f32 v32, v34;
	_ =	sdelay $0x1  }
0x31d: {  	[tilespmem:v33+s23+$0x0] =	vst.idx.msk $0xffff, v32  }
0x31e: {  	v32 =	vld [tilespmem:s28+$0xFFFFFF80];
	_ =	sdelay $0x1  }
0x31f: {  	v33 =	vor.u32 v8, v29  }
0x320: {  	v34 =	vbroadcast v31, $0x5;
	_ =	sdelay $0x1  }
0x321: {  	v32 =	vmul.f32 v32, v34;
	_ =	sdelay $0x1  }
0x322: {  	[tilespmem:v33+s23+$0x0] =	vst.idx.msk $0xffff, v32  }
0x323: {  	v32 =	vld [tilespmem:s28+$0xFFFFFF90];
	_ =	sdelay $0x1  }
0x324: {  	v33 =	vor.u32 v9, v29  }
0x325: {  	v34 =	vbroadcast v31, $0x6;
	_ =	sdelay $0x1  }
0x326: {  	v32 =	vmul.f32 v32, v34;
	_ =	sdelay $0x1  }
0x327: {  	[tilespmem:v33+s23+$0x0] =	vst.idx.msk $0xffff, v32  }
0x328: {  	v32 =	vld [tilespmem:s28+$0xFFFFFFA0];
	_ =	sdelay $0x1  }
0x329: {  	v33 =	vor.u32 v10, v29  }
0x32a: {  	v34 =	vbroadcast v31, $0x7;
	_ =	sdelay $0x1  }
0x32b: {  	v32 =	vmul.f32 v32, v34;
	_ =	sdelay $0x1  }
0x32c: {  	[tilespmem:v33+s23+$0x0] =	vst.idx.msk $0xffff, v32  }
0x32d: {  	v32 =	vld [tilespmem:s28+$0xFFFFFFB0];
	_ =	sdelay $0x1  }
0x32e: {  	v33 =	vor.u32 v11, v29  }
0x32f: {  	v34 =	vbroadcast v31, $0x8;
	_ =	sdelay $0x1  }
0x330: {  	v32 =	vmul.f32 v32, v34;
	_ =	sdelay $0x1  }
0x331: {  	[tilespmem:v33+s23+$0x0] =	vst.idx.msk $0xffff, v32  }
0x332: {  	v32 =	vld [tilespmem:s28+$0xFFFFFFC0];
	_ =	sdelay $0x1  }
0x333: {  	v33 =	vor.u32 v12, v29  }
0x334: {  	v34 =	vbroadcast v31, $0x9;
	_ =	sdelay $0x1  }
0x335: {  	v32 =	vmul.f32 v32, v34;
	_ =	sdelay $0x1  }
0x336: {  	[tilespmem:v33+s23+$0x0] =	vst.idx.msk $0xffff, v32  }
0x337: {  	v32 =	vld [tilespmem:s28+$0xFFFFFFD0];
	_ =	sdelay $0x1  }
0x338: {  	v33 =	vor.u32 v13, v29  }
0x339: {  	v34 =	vbroadcast v31, $0xA;
	_ =	sdelay $0x1  }
0x33a: {  	v32 =	vmul.f32 v32, v34;
	_ =	sdelay $0x1  }
0x33b: {  	[tilespmem:v33+s23+$0x0] =	vst.idx.msk $0xffff, v32  }
0x33c: {  	v32 =	vld [tilespmem:s28+$0xFFFFFFE0];
	_ =	sdelay $0x1  }
0x33d: {  	v33 =	vor.u32 v14, v29  }
0x33e: {  	v34 =	vbroadcast v31, $0xB;
	_ =	sdelay $0x1  }
0x33f: {  	v32 =	vmul.f32 v32, v34;
	_ =	sdelay $0x1  }
0x340: {  	[tilespmem:v33+s23+$0x0] =	vst.idx.msk $0xffff, v32  }
0x341: {  	v32 =	vld [tilespmem:s28+$0xFFFFFFF0];
	_ =	sdelay $0x1  }
0x342: {  	v33 =	vor.u32 v15, v29  }
0x343: {  	v34 =	vbroadcast v31, $0xC;
	_ =	sdelay $0x1  }
0x344: {  	v32 =	vmul.f32 v32, v34;
	_ =	sdelay $0x1  }
0x345: {  	[tilespmem:v33+s23+$0x0] =	vst.idx.msk $0xffff, v32  }
0x346: {  	v32 =	vld [tilespmem:s28+$0x0];
	_ =	sdelay $0x1  }
0x347: {  	v33 =	vor.u32 v16, v29  }
0x348: {  	v34 =	vbroadcast v31, $0xD;
	_ =	sdelay $0x1  }
0x349: {  	v32 =	vmul.f32 v32, v34;
	_ =	sdelay $0x1  }
0x34a: {  	[tilespmem:v33+s23+$0x0] =	vst.idx.msk $0xffff, v32  }
0x34b: {  	v32 =	vld [tilespmem:s28+$0x10];
	_ =	sdelay $0x1  }
0x34c: {  	v33 =	vor.u32 v17, v29  }
0x34d: {  	v34 =	vbroadcast v31, $0xE;
	_ =	sdelay $0x1  }
0x34e: {  	v32 =	vmul.f32 v32, v34;
	_ =	sdelay $0x1  }
0x34f: {  	[tilespmem:v33+s23+$0x0] =	vst.idx.msk $0xffff, v32  }
0x350: {  	v32 =	vld [tilespmem:s28+$0x20];
	_ =	sdelay $0x1  }
0x351: {  	v33 =	vor.u32 v18, v29  }
0x352: {  	v31 =	vbroadcast v31, $0xF;
	_ =	sdelay $0x1  }
0x353: {  	v31 =	vmul.f32 v32, v31;
	_ =	sdelay $0x1  }
0x354: {  	[tilespmem:v33+s23+$0x0] =	vst.idx.msk $0xffff, v31  }
0x355: {  	v31 =	vld [tilespmem:s28+$0x30];
	_ =	sdelay $0x1  }
0x356: {  	v32 =	vor.u32 v19, v29  }
0x357: {  	v33 =	vbroadcast v30, $0x6;
	_ =	sdelay $0x1  }
0x358: {  	v31 =	vmul.f32 v31, v33;
	_ =	sdelay $0x1  }
0x359: {  	[tilespmem:v32+s23+$0x0] =	vst.idx.msk $0xffff, v31  }
0x35a: {  	v31 =	vld [tilespmem:s28+$0x40];
	_ =	sdelay $0x1  }
0x35b: {  	v32 =	vor.u32 v20, v29  }
0x35c: {  	v33 =	vbroadcast v30, $0x7;
	_ =	sdelay $0x1  }
0x35d: {  	v31 =	vmul.f32 v31, v33;
	_ =	sdelay $0x1  }
0x35e: {  	[tilespmem:v32+s23+$0x0] =	vst.idx.msk $0xffff, v31  }
0x35f: {  	v31 =	vld [tilespmem:s28+$0x50];
	_ =	sdelay $0x1  }
0x360: {  	v32 =	vor.u32 v21, v29  }
0x361: {  	v33 =	vbroadcast v30, $0x8;
	_ =	sdelay $0x1  }
0x362: {  	v31 =	vmul.f32 v31, v33;
	_ =	sdelay $0x1  }
0x363: {  	[tilespmem:v32+s23+$0x0] =	vst.idx.msk $0xffff, v31  }
0x364: {  	v31 =	vld [tilespmem:s28+$0x60];
	_ =	sdelay $0x1  }
0x365: {  	v32 =	vor.u32 v22, v29  }
0x366: {  	v33 =	vbroadcast v30, $0x9;
	_ =	sdelay $0x1  }
0x367: {  	v31 =	vmul.f32 v31, v33;
	_ =	sdelay $0x1  }
0x368: {  	[tilespmem:v32+s23+$0x0] =	vst.idx.msk $0xffff, v31  }
0x369: {  	v31 =	vld [tilespmem:s28+$0x70];
	_ =	sdelay $0x1  }
0x36a: {  	v32 =	vor.u32 v23, v29  }
0x36b: {  	v33 =	vbroadcast v30, $0xA;
	_ =	sdelay $0x1  }
0x36c: {  	v31 =	vmul.f32 v31, v33;
	_ =	sdelay $0x1  }
0x36d: {  	[tilespmem:v32+s23+$0x0] =	vst.idx.msk $0xffff, v31  }
0x36e: {  	v31 =	vld [tilespmem:s28+$0x80];
	_ =	sdelay $0x1  }
0x36f: {  	v32 =	vor.u32 v24, v29  }
0x370: {  	v33 =	vbroadcast v30, $0xB;
	_ =	sdelay $0x1  }
0x371: {  	v31 =	vmul.f32 v31, v33;
	_ =	sdelay $0x1  }
0x372: {  	[tilespmem:v32+s23+$0x0] =	vst.idx.msk $0xffff, v31  }
0x373: {  	v31 =	vld [tilespmem:s28+$0x90];
	_ =	sdelay $0x1  }
0x374: {  	v32 =	vor.u32 v25, v29  }
0x375: {  	v33 =	vbroadcast v30, $0xC;
	_ =	sdelay $0x1  }
0x376: {  	v31 =	vmul.f32 v31, v33;
	_ =	sdelay $0x1  }
0x377: {  	[tilespmem:v32+s23+$0x0] =	vst.idx.msk $0xffff, v31  }
0x378: {  	v31 =	vld [tilespmem:s28+$0xA0];
	_ =	sdelay $0x1  }
0x379: {  	v32 =	vor.u32 v26, v29  }
0x37a: {  	v33 =	vbroadcast v30, $0xD;
	_ =	sdelay $0x1  }
0x37b: {  	v31 =	vmul.f32 v31, v33;
	_ =	sdelay $0x1  }
0x37c: {  	[tilespmem:v32+s23+$0x0] =	vst.idx.msk $0xffff, v31  }
0x37d: {  	v31 =	vld [tilespmem:s28+$0xB0];
	_ =	sdelay $0x1  }
0x37e: {  	v32 =	vor.u32 v27, v29  }
0x37f: {  	v33 =	vbroadcast v30, $0xE;
	_ =	sdelay $0x1  }
0x380: {  	v31 =	vmul.f32 v31, v33  }
0x381: {  	s31 =	sadd.s32 s26, s29  }
0x382: {  	v33 =	vmov s31;
	[tilespmem:v32+s23+$0x0] =	vst.idx.msk $0xffff, v31  }
0x383: {  	v31 =	vand.u32 $0x1DF, v33;
	v33 =	vld [tilespmem:s28+$0xC0]  }
.Ltmp9:
0x384: {  	v32 =	vbroadcast v31, $0x0;
	(pc) =	sbr.rel @p0 .LBB2_11-.Ltmp9, $3  }
0x385: {  	v31 =	vor.u32 v28, v29  }
0x386: {  	v30 =	vbroadcast v30, $0xF;
	v29 =	vor.u32 v1, v32;
	v32 =	vor.u32 v3, v32;
	_ =	sdelay $0x1  }
0x387: {  	v30 =	vmul.f32 v33, v30  }
.Ltmp10:
0x388: {  	_ = 	snop;
	(pc) =	sbr.rel .LBB2_12-.Ltmp10, $1  }
0x389: {  	_ =	sdelay $0x3  }
.LBB2_15:
0x38a: {  	_ =	sfence.sel $0x180000  }
0x38b: {  	[bflag:$0x0] =	sbarrier.arrive $0xFFFF  }
0x38c: {  	p0 =	sne.s32 s1, $0x0;
	_ =	strace $0x9000004A  }
0x38d: {  	s0 =	sadd.s32 @!p0 $0x100000, s0;
	[bflag:$0x2] =	sbarrier.arrive $0xFFFF  }
0x38e: {  	[sflag:s0] =	ssyncadd.tile.s32 @!p0 $0x1;
	_ =	shalt  }
.Lfunc_end2:
_tile_overlayer_lowered:
.L_overlay_start_2:
0x38f: {  	(tag) =	ssettag $0x2  }
0x390: {  	s0 =	rddreg [dreg:$0x0];
	s2 =	stileid.u32  }
0x391: {  	s1 =	rddreg [dreg:$0x1];
	p0 =	sne.s32 s2, $0x0  }
0x392: {  	s3 =	rddreg [dreg:$0x2];
	[bflag:$0x3] =	sbarrier.arrive $0xFFFF;
	s2 =	simm.s32 @!p0 $0x1C05  }
0x393: {  	[timem:s3], [sflag:s2] =	dma.local @!p0 [hbm:s0], s1  }
0x394: {  	s0 =	simm.s32 @!p0 $0x5  }
0x395: {  	_ =	swait.ge @!p0 [sflag:s0], s1  }
0x396: {  	s1 =	ssub.s32 @!p0 $0x0, s1;
	[sflag:s0] =	ssyncset.done @!p0 $0x0  }
0x397: {  	[sflag:s0] =	ssyncadd.s32 @!p0 s1  }
0x398: {  	[bflag:$0x3] =	sbarrier.arrive $0xFFFF  }
0x399: {  	_ =	shalt  }

</sc_bundles>
